<compile_context>
chip_gen: v7x
topology: tpu7x:2x2x1
jax: 0.10.2.dev20260603
libtpu: 0.0.44.dev20260713+nightly
codegen_flags: <defaults>
</compile_context>

<pallas_src>
import jax
import jax.numpy as jnp
from jax import lax
from jax.experimental import pallas as pl
from jax.experimental.pallas import tpu as pltpu
from jax.experimental.pallas import tpu_sc as plsc

N = 1024
D = 1024
E = 65536

NC = 2
NS = 16
HALF = N // NC
HW = HALF * N
SL = HW // NS
EPS = E // NS
GROUP = 128
NG = EPS // GROUP
ZCH = 2048
FIRE = 16


def _adj_body(ei_hbm, out_hbm, srcv, dstv, fidx, vals, zbuf, a_sh, zsem, esem, ssem):
    c = lax.axis_index("c")
    s = lax.axis_index("s")

    base = s * EPS
    eld = [
        pltpu.async_copy(ei_hbm.at[0, pl.ds(base, EPS)], srcv, esem),
        pltpu.async_copy(ei_hbm.at[1, pl.ds(base, EPS)], dstv, esem),
    ]

    def _fill_zero(i, carry):
        zbuf[pl.ds(i * 16, 16)] = jnp.zeros((16,), jnp.float32)
        return carry
    lax.fori_loop(0, ZCH // 16, _fill_zero, 0)

    zld = [
        pltpu.async_copy(zbuf, a_sh.at[pl.ds(s * SL + i * ZCH, ZCH)], zsem)
        for i in range(SL // ZCH)
    ]
    for dsc in eld:
        dsc.wait()

    def _grp(g, carry):
        for k in range(GROUP // 16):
            off = g * GROUP + k * 16
            sv = srcv[pl.ds(off, 16)]
            dv = dstv[pl.ds(off, 16)]
            mine = lax.shift_right_logical(dv, 9) == c
            loc = ((dv - c * HALF) * N + sv) & (HW - 1)
            fidx[g, pl.ds(k * 16, 16)] = loc
            vals[g, pl.ds(k * 16, 16)] = jnp.where(mine, 1.0, 0.0)
        return carry
    lax.fori_loop(0, NG, _grp, 0)

    for dsc in zld:
        dsc.wait()
    plsc.subcore_barrier()

    for lo in range(0, NG, FIRE):
        descs = [
            pltpu.async_copy(vals.at[g], a_sh.at[fidx.at[g]], ssem, add=True)
            for g in range(lo, lo + FIRE)
        ]
        for dsc in descs:
            dsc.wait()

    plsc.subcore_barrier()

    row0 = c * HALF + s * (SL // N)
    rdescs = [
        pltpu.async_copy(a_sh.at[pl.ds(s * SL + r * N, N)], out_hbm.at[row0 + r], zsem)
        for r in range(SL // N)
    ]
    for dsc in rdescs:
        dsc.wait()


_adj_kernel = pl.kernel(
    _adj_body,
    out_type=jax.ShapeDtypeStruct((N, N), jnp.float32),
    mesh=plsc.VectorSubcoreMesh(
        core_axis_name="c", subcore_axis_name="s", num_cores=NC, num_subcores=NS
    ),
    scratch_types=[
        pltpu.VMEM((EPS,), jnp.int32),
        pltpu.VMEM((EPS,), jnp.int32),
        pltpu.VMEM((NG, GROUP), jnp.int32),
        pltpu.VMEM((NG, GROUP), jnp.float32),
        pltpu.VMEM((ZCH,), jnp.float32),
        pltpu.VMEM_SHARED((HW,), jnp.float32),
        pltpu.SemaphoreType.DMA,
        pltpu.SemaphoreType.DMA,
        pltpu.SemaphoreType.DMA,
    ],
)


def _sigmoid(t):
    return 0.5 * (jnp.tanh(0.5 * t) + 1.0)


TB = 256


def _tc1_body(x_ref, whh_ref, bhh_ref, gw_ref, gh_ref, xw_ref):
    x = x_ref[...]
    gh_ref[...] = lax.dot_general(x, whh_ref[...], (((1,), (1,)), ((), ())),
                                  preferred_element_type=jnp.float32) \
        + bhh_ref[...][None, :]
    xw_ref[...] = jnp.dot(x, gw_ref[...], preferred_element_type=jnp.float32)


def _tc2a_body(a_ref, xw_ref, gb_ref, nf_ref):
    acnt = a_ref[...]
    deg = jnp.sum(acnt, axis=1) + 1.0
    dinv = lax.rsqrt(deg)
    xs = xw_ref[...] * dinv[:, None]
    agg = (jnp.dot(acnt, xs, preferred_element_type=jnp.float32,
                   precision=lax.Precision.HIGHEST) + xs) * dinv[:, None]
    nf_ref[...] = jnp.maximum(agg + gb_ref[...][None, :], 0.0)


def _tc2b_body(nf_ref, x_ref, gh_ref, wih_ref, bih_ref, s_ref):
    nf = nf_ref[...]
    bih = bih_ref[...]

    def gate(lo):
        w = wih_ref[pl.ds(lo, D), :]
        return lax.dot_general(nf, w, (((1,), (1,)), ((), ())),
                               preferred_element_type=jnp.float32) + bih[lo:lo + D][None, :]

    x = x_ref[...]
    gh = gh_ref[...]
    r = _sigmoid(gate(0) + gh[:, :D])
    z = _sigmoid(gate(D) + gh[:, D:2 * D])
    nt = jnp.tanh(gate(2 * D) + r * gh[:, 2 * D:])
    h = nt + z * (x - nt)
    s_ref[...] = jnp.sum(h, axis=1)[None, :]


def _tc3_body(s_ref, l1w_ref, l1b_ref, l2w_ref, l2b_ref, q_ref):
    h1 = jnp.maximum(
        lax.dot_general(s_ref[...], l1w_ref[...], (((1,), (1,)), ((), ())),
                        preferred_element_type=jnp.float32)
        + l1b_ref[...][None, :], 0.0)
    q_ref[...] = jnp.full((1, 1), jnp.sum(h1 * l2w_ref[...]) + l2b_ref[0],
                          jnp.float32)


def kernel(x, edge_index, edge_attr, gcn_W, gcn_b, W_ih, b_ih, W_hh, b_hh,
           lin1_W, lin1_b, lin2_W, lin2_b):
    del edge_attr
    a2 = _adj_kernel(edge_index)
    gh, xw = pl.pallas_call(
        _tc1_body,
        grid=(N // TB,),
        in_specs=[
            pl.BlockSpec((TB, D), lambda i: (i, 0)),
            pl.BlockSpec((3 * D, D), lambda i: (0, 0)),
            pl.BlockSpec((3 * D,), lambda i: (0,)),
            pl.BlockSpec((D, D), lambda i: (0, 0)),
        ],
        out_specs=[
            pl.BlockSpec((TB, 3 * D), lambda i: (i, 0)),
            pl.BlockSpec((TB, D), lambda i: (i, 0)),
        ],
        out_shape=(jax.ShapeDtypeStruct((N, 3 * D), jnp.float32),
                   jax.ShapeDtypeStruct((N, D), jnp.float32)),
    )(x, W_hh, b_hh, gcn_W)
    nf = pl.pallas_call(
        _tc2a_body,
        out_shape=jax.ShapeDtypeStruct((N, D), jnp.float32),
    )(a2, xw, gcn_b)
    srow = pl.pallas_call(
        _tc2b_body,
        out_shape=jax.ShapeDtypeStruct((1, N), jnp.float32),
    )(nf, x, gh, W_ih, b_ih)
    q = pl.pallas_call(
        _tc3_body,
        out_shape=jax.ShapeDtypeStruct((1, 1), jnp.float32),
    )(srow, lin1_W, lin1_b, lin2_W, lin2_b)
    return q.reshape(1)

# --- scband reference (transcript-rebuilt; emitter-appended) ---
"""Pipeline reference for scband-gcnqnet-2576980378009 (READ-ONLY COPY).

The authoritative reference and input builder live on the scoring server;
editing this copy changes nothing except your own understanding.
"""

import jax, jax.numpy as jnp
import numpy as np

N = 1024
D = 1024
E = 65536
A = 1


def setup_inputs(seed: int = 0) -> dict:
    key = jax.random.key(seed)
    ks = jax.random.split(key, 16)
    x = jax.random.normal(ks[0], (N, D), dtype=jnp.float32)
    edge_index = jax.random.randint(ks[1], (2, E), 0, N, dtype=jnp.int32)
    edge_attr = jax.random.normal(ks[2], (E, 16), dtype=jnp.float32)
    s = 0.02
    gcn_W = jax.random.normal(ks[3], (D, D), dtype=jnp.float32) * s
    gcn_b = jnp.zeros((D,), dtype=jnp.float32)
    W_ih = jax.random.normal(ks[4], (3 * D, D), dtype=jnp.float32) * s
    b_ih = jnp.zeros((3 * D,), dtype=jnp.float32)
    W_hh = jax.random.normal(ks[5], (3 * D, D), dtype=jnp.float32) * s
    b_hh = jnp.zeros((3 * D,), dtype=jnp.float32)
    lin1_W = jax.random.normal(ks[6], (D, D), dtype=jnp.float32) * s
    lin1_b = jnp.zeros((D,), dtype=jnp.float32)
    lin2_W = jax.random.normal(ks[7], (A, D), dtype=jnp.float32) * s
    lin2_b = jnp.zeros((A,), dtype=jnp.float32)
    return {"x": x, "edge_index": edge_index, "edge_attr": edge_attr,
            "gcn_W": gcn_W, "gcn_b": gcn_b,
            "W_ih": W_ih, "b_ih": b_ih, "W_hh": W_hh, "b_hh": b_hh,
            "lin1_W": lin1_W, "lin1_b": lin1_b, "lin2_W": lin2_W, "lin2_b": lin2_b}


def gcn_conv(x, edge_index, W, b):
    n = x.shape[0]
    xw = x @ W
    loop = jnp.arange(n, dtype=edge_index.dtype)
    src = jnp.concatenate([edge_index[0], loop])
    dst = jnp.concatenate([edge_index[1], loop])
    deg = jnp.zeros((n,), dtype=xw.dtype).at[dst].add(1.0)
    dinv = jnp.where(deg > 0, deg ** -0.5, 0.0)
    norm = dinv[src] * dinv[dst]
    msg = xw[src] * norm[:, None]
    out = jnp.zeros_like(xw).at[dst].add(msg)
    return out + b


def gru_cell(inp, h, W_ih, b_ih, W_hh, b_hh):
    gi = inp @ W_ih.T + b_ih
    gh = h @ W_hh.T + b_hh
    i_r, i_z, i_n = jnp.split(gi, 3, axis=1)
    h_r, h_z, h_n = jnp.split(gh, 3, axis=1)
    r = jax.nn.sigmoid(i_r + h_r)
    z = jax.nn.sigmoid(i_z + h_z)
    nn_ = jnp.tanh(i_n + r * h_n)
    return (1.0 - z) * nn_ + z * h


def reference(x, edge_index, edge_attr, gcn_W, gcn_b, W_ih, b_ih, W_hh, b_hh, lin1_W, lin1_b, lin2_W, lin2_b):
    node_feat = jax.nn.relu(gcn_conv(x, edge_index, gcn_W, gcn_b))
    node_feat = gru_cell(node_feat, x, W_ih, b_ih, W_hh, b_hh)
    s = jnp.sum(node_feat, axis=1)  # [N]; N == state_dim by construction (as required by the original code)
    h1 = jax.nn.relu(s @ lin1_W.T + lin1_b)
    Q = h1 @ lin2_W.T + lin2_b
    return Q

if __name__ == "__main__":
    import jax
    _d = setup_inputs()
    print(jax.jit(kernel)(*tuple(_d.values())))

</pallas_src>

<mosaic_0001>
#map = affine_map<(d0, d1) -> (0, 0)>
module attributes {stable_mosaic.version = 14 : i64} {
  func.func @_adj_body(%arg0: i32, %arg1: i32, %arg2: memref<2x65536xi32, #tpu.memory_space<hbm>>, %arg3: memref<1024x1024xf32, #tpu.memory_space<hbm>>, %arg4: memref<4096xi32, #tpu.memory_space<vmem>>, %arg5: memref<4096xi32, #tpu.memory_space<vmem>>, %arg6: memref<32x128xi32, #tpu.memory_space<vmem>>, %arg7: memref<32x128xf32, #tpu.memory_space<vmem>>, %arg8: memref<2048xf32, #tpu.memory_space<vmem>>, %arg9: memref<524288xf32, #tpu.memory_space<vmem_shared>>, %arg10: memref<!tpu.dma_semaphore, #tpu.memory_space<semaphore_mem>>, %arg11: memref<!tpu.dma_semaphore, #tpu.memory_space<semaphore_mem>>, %arg12: memref<!tpu.dma_semaphore, #tpu.memory_space<semaphore_mem>>) attributes {dimension_semantics = [#tpu.dimension_semantics<core_parallel>, #tpu.dimension_semantics<subcore_parallel>], iteration_bounds = array<i64: 2, 16>, scalar_prefetch = 0 : i64, scratch_operands = 9 : i64, tpu.core_type = #tpu.core_type<sc_vector_subcore>, window_params = [{transform_indices = #map}, {transform_indices = #map}]} {
    %mul3A = arith.constant 4096 : i32
    %mul3A_0 = arith.muli %arg1, %mul3A : i32
    %dma_start3A = arith.constant 0 : i32
    %dma_start3A_1 = tpu.memref_slice %arg2[%dma_start3A, %mul3A_0] : memref<2x65536xi32, #tpu.memory_space<hbm>> -> memref<1x4096xi32, #tpu.memory_space<hbm>>
    %dma_start3A_2 = tpu.memref_squeeze %dma_start3A_1 : memref<1x4096xi32, #tpu.memory_space<hbm>> -> memref<4096xi32, #tpu.memory_space<hbm>>
    %dma_start3A_3 = tpu.memref_slice %arg2[%dma_start3A, %mul3A_0] : memref<2x65536xi32, #tpu.memory_space<hbm>> -> memref<1x4096xi32, #tpu.memory_space<hbm>>
    %dma_start3A_4 = tpu.memref_squeeze %dma_start3A_3 : memref<1x4096xi32, #tpu.memory_space<hbm>> -> memref<4096xi32, #tpu.memory_space<hbm>>
    tpu.enqueue_dma source(%dma_start3A_4 : memref<4096xi32, #tpu.memory_space<hbm>>) target(%arg4 : memref<4096xi32, #tpu.memory_space<vmem>>) target_semaphore(%arg11 : memref<!tpu.dma_semaphore, #tpu.memory_space<semaphore_mem>>)
    %dma_start3A_5 = arith.constant 1 : i32
    %dma_start3A_6 = tpu.memref_slice %arg2[%dma_start3A_5, %mul3A_0] : memref<2x65536xi32, #tpu.memory_space<hbm>> -> memref<1x4096xi32, #tpu.memory_space<hbm>>
    %dma_start3A_7 = tpu.memref_squeeze %dma_start3A_6 : memref<1x4096xi32, #tpu.memory_space<hbm>> -> memref<4096xi32, #tpu.memory_space<hbm>>
    %dma_start3A_8 = tpu.memref_slice %arg2[%dma_start3A_5, %mul3A_0] : memref<2x65536xi32, #tpu.memory_space<hbm>> -> memref<1x4096xi32, #tpu.memory_space<hbm>>
    %dma_start3A_9 = tpu.memref_squeeze %dma_start3A_8 : memref<1x4096xi32, #tpu.memory_space<hbm>> -> memref<4096xi32, #tpu.memory_space<hbm>>
    tpu.enqueue_dma source(%dma_start3A_9 : memref<4096xi32, #tpu.memory_space<hbm>>) target(%arg5 : memref<4096xi32, #tpu.memory_space<vmem>>) target_semaphore(%arg11 : memref<!tpu.dma_semaphore, #tpu.memory_space<semaphore_mem>>)
    %scan3A = arith.constant 0 : i32
    %scan3A_10 = arith.constant 0 : i32
    %scan3A_11 = arith.constant 128 : i32
    %scan3A_12 = arith.addi %scan3A_10, %scan3A_11 : i32
    %scan3A_13 = arith.constant 1 : i32
    scf.for %scan3A_1251 = %scan3A_10 to %scan3A_12 step %scan3A_13  : i32 {
      %broadcast_in_dim3A = arith.constant 0.000000e+00 : f32
      %broadcast_in_dim3A_1252 = vector.broadcast %broadcast_in_dim3A : f32 to vector<16xf32>
      %mul3A_1253 = arith.constant 16 : i32
      %mul3A_1254 = arith.muli %scan3A_1251, %mul3A_1253 : i32
      %swap3A = arith.index_cast %mul3A_1254 : i32 to index
      %swap3A_1255 = tpu.vector_load %arg8[%swap3A] {strides = array<i32>} : memref<2048xf32, #tpu.memory_space<vmem>>, vector<16xf32>,
      %swap3A_1256 = vector.shape_cast %swap3A_1255 : vector<16xf32> to vector<16xf32>
      %swap3A_1257 = vector.shape_cast %broadcast_in_dim3A_1252 : vector<16xf32> to vector<16xf32>
      tpu.vector_store %arg8[%swap3A], %swap3A_1257 {strides = array<i32>} : memref<2048xf32, #tpu.memory_space<vmem>>, vector<16xf32>,
    }
    %scan3A_14 = arith.constant 128 : i32
    %mul3A_15 = arith.constant 32768 : i32
    %mul3A_16 = arith.muli %arg1, %mul3A_15 : i32
    %add3A = arith.constant 0 : i32
    %add3A_17 = arith.addi %mul3A_16, %add3A : i32
    %dma_start3A_18 = tpu.memref_slice %arg9[%add3A_17] : memref<524288xf32, #tpu.memory_space<vmem_shared>> -> memref<2048xf32, #tpu.memory_space<vmem_shared>>
    %dma_start3A_19 = tpu.memref_slice %arg9[%add3A_17] : memref<524288xf32, #tpu.memory_space<vmem_shared>> -> memref<2048xf32, #tpu.memory_space<vmem_shared>>
    tpu.enqueue_dma source(%arg8 : memref<2048xf32, #tpu.memory_space<vmem>>) target(%dma_start3A_19 : memref<2048xf32, #tpu.memory_space<vmem_shared>>) target_semaphore(%arg10 : memref<!tpu.dma_semaphore, #tpu.memory_space<semaphore_mem>>)
    %mul3A_20 = arith.constant 32768 : i32
    %mul3A_21 = arith.muli %arg1, %mul3A_20 : i32
    %add3A_22 = arith.constant 2048 : i32
    %add3A_23 = arith.addi %mul3A_21, %add3A_22 : i32
    %dma_start3A_24 = tpu.memref_slice %arg9[%add3A_23] : memref<524288xf32, #tpu.memory_space<vmem_shared>> -> memref<2048xf32, #tpu.memory_space<vmem_shared>>
    %dma_start3A_25 = tpu.memref_slice %arg9[%add3A_23] : memref<524288xf32, #tpu.memory_space<vmem_shared>> -> memref<2048xf32, #tpu.memory_space<vmem_shared>>
    tpu.enqueue_dma source(%arg8 : memref<2048xf32, #tpu.memory_space<vmem>>) target(%dma_start3A_25 : memref<2048xf32, #tpu.memory_space<vmem_shared>>) target_semaphore(%arg10 : memref<!tpu.dma_semaphore, #tpu.memory_space<semaphore_mem>>)
    %mul3A_26 = arith.constant 32768 : i32
    %mul3A_27 = arith.muli %arg1, %mul3A_26 : i32
    %add3A_28 = arith.constant 4096 : i32
    %add3A_29 = arith.addi %mul3A_27, %add3A_28 : i32
    %dma_start3A_30 = tpu.memref_slice %arg9[%add3A_29] : memref<524288xf32, #tpu.memory_space<vmem_shared>> -> memref<2048xf32, #tpu.memory_space<vmem_shared>>
    %dma_start3A_31 = tpu.memref_slice %arg9[%add3A_29] : memref<524288xf32, #tpu.memory_space<vmem_shared>> -> memref<2048xf32, #tpu.memory_space<vmem_shared>>
    tpu.enqueue_dma source(%arg8 : memref<2048xf32, #tpu.memory_space<vmem>>) target(%dma_start3A_31 : memref<2048xf32, #tpu.memory_space<vmem_shared>>) target_semaphore(%arg10 : memref<!tpu.dma_semaphore, #tpu.memory_space<semaphore_mem>>)
    %mul3A_32 = arith.constant 32768 : i32
    %mul3A_33 = arith.muli %arg1, %mul3A_32 : i32
    %add3A_34 = arith.constant 6144 : i32
    %add3A_35 = arith.addi %mul3A_33, %add3A_34 : i32
    %dma_start3A_36 = tpu.memref_slice %arg9[%add3A_35] : memref<524288xf32, #tpu.memory_space<vmem_shared>> -> memref<2048xf32, #tpu.memory_space<vmem_shared>>
    %dma_start3A_37 = tpu.memref_slice %arg9[%add3A_35] : memref<524288xf32, #tpu.memory_space<vmem_shared>> -> memref<2048xf32, #tpu.memory_space<vmem_shared>>
    tpu.enqueue_dma source(%arg8 : memref<2048xf32, #tpu.memory_space<vmem>>) target(%dma_start3A_37 : memref<2048xf32, #tpu.memory_space<vmem_shared>>) target_semaphore(%arg10 : memref<!tpu.dma_semaphore, #tpu.memory_space<semaphore_mem>>)
    %mul3A_38 = arith.constant 32768 : i32
    %mul3A_39 = arith.muli %arg1, %mul3A_38 : i32
    %add3A_40 = arith.constant 8192 : i32
    %add3A_41 = arith.addi %mul3A_39, %add3A_40 : i32
    %dma_start3A_42 = tpu.memref_slice %arg9[%add3A_41] : memref<524288xf32, #tpu.memory_space<vmem_shared>> -> memref<2048xf32, #tpu.memory_space<vmem_shared>>
    %dma_start3A_43 = tpu.memref_slice %arg9[%add3A_41] : memref<524288xf32, #tpu.memory_space<vmem_shared>> -> memref<2048xf32, #tpu.memory_space<vmem_shared>>
    tpu.enqueue_dma source(%arg8 : memref<2048xf32, #tpu.memory_space<vmem>>) target(%dma_start3A_43 : memref<2048xf32, #tpu.memory_space<vmem_shared>>) target_semaphore(%arg10 : memref<!tpu.dma_semaphore, #tpu.memory_space<semaphore_mem>>)
    %mul3A_44 = arith.constant 32768 : i32
    %mul3A_45 = arith.muli %arg1, %mul3A_44 : i32
    %add3A_46 = arith.constant 10240 : i32
    %add3A_47 = arith.addi %mul3A_45, %add3A_46 : i32
    %dma_start3A_48 = tpu.memref_slice %arg9[%add3A_47] : memref<524288xf32, #tpu.memory_space<vmem_shared>> -> memref<2048xf32, #tpu.memory_space<vmem_shared>>
    %dma_start3A_49 = tpu.memref_slice %arg9[%add3A_47] : memref<524288xf32, #tpu.memory_space<vmem_shared>> -> memref<2048xf32, #tpu.memory_space<vmem_shared>>
    tpu.enqueue_dma source(%arg8 : memref<2048xf32, #tpu.memory_space<vmem>>) target(%dma_start3A_49 : memref<2048xf32, #tpu.memory_space<vmem_shared>>) target_semaphore(%arg10 : memref<!tpu.dma_semaphore, #tpu.memory_space<semaphore_mem>>)
    %mul3A_50 = arith.constant 32768 : i32
    %mul3A_51 = arith.muli %arg1, %mul3A_50 : i32
    %add3A_52 = arith.constant 12288 : i32
    %add3A_53 = arith.addi %mul3A_51, %add3A_52 : i32
    %dma_start3A_54 = tpu.memref_slice %arg9[%add3A_53] : memref<524288xf32, #tpu.memory_space<vmem_shared>> -> memref<2048xf32, #tpu.memory_space<vmem_shared>>
    %dma_start3A_55 = tpu.memref_slice %arg9[%add3A_53] : memref<524288xf32, #tpu.memory_space<vmem_shared>> -> memref<2048xf32, #tpu.memory_space<vmem_shared>>
    tpu.enqueue_dma source(%arg8 : memref<2048xf32, #tpu.memory_space<vmem>>) target(%dma_start3A_55 : memref<2048xf32, #tpu.memory_space<vmem_shared>>) target_semaphore(%arg10 : memref<!tpu.dma_semaphore, #tpu.memory_space<semaphore_mem>>)
    %mul3A_56 = arith.constant 32768 : i32
    %mul3A_57 = arith.muli %arg1, %mul3A_56 : i32
    %add3A_58 = arith.constant 14336 : i32
    %add3A_59 = arith.addi %mul3A_57, %add3A_58 : i32
    %dma_start3A_60 = tpu.memref_slice %arg9[%add3A_59] : memref<524288xf32, #tpu.memory_space<vmem_shared>> -> memref<2048xf32, #tpu.memory_space<vmem_shared>>
    %dma_start3A_61 = tpu.memref_slice %arg9[%add3A_59] : memref<524288xf32, #tpu.memory_space<vmem_shared>> -> memref<2048xf32, #tpu.memory_space<vmem_shared>>
    tpu.enqueue_dma source(%arg8 : memref<2048xf32, #tpu.memory_space<vmem>>) target(%dma_start3A_61 : memref<2048xf32, #tpu.memory_space<vmem_shared>>) target_semaphore(%arg10 : memref<!tpu.dma_semaphore, #tpu.memory_space<semaphore_mem>>)
    %mul3A_62 = arith.constant 32768 : i32
    %mul3A_63 = arith.muli %arg1, %mul3A_62 : i32
    %add3A_64 = arith.constant 16384 : i32
    %add3A_65 = arith.addi %mul3A_63, %add3A_64 : i32
    %dma_start3A_66 = tpu.memref_slice %arg9[%add3A_65] : memref<524288xf32, #tpu.memory_space<vmem_shared>> -> memref<2048xf32, #tpu.memory_space<vmem_shared>>
    %dma_start3A_67 = tpu.memref_slice %arg9[%add3A_65] : memref<524288xf32, #tpu.memory_space<vmem_shared>> -> memref<2048xf32, #tpu.memory_space<vmem_shared>>
    tpu.enqueue_dma source(%arg8 : memref<2048xf32, #tpu.memory_space<vmem>>) target(%dma_start3A_67 : memref<2048xf32, #tpu.memory_space<vmem_shared>>) target_semaphore(%arg10 : memref<!tpu.dma_semaphore, #tpu.memory_space<semaphore_mem>>)
    %mul3A_68 = arith.constant 32768 : i32
    %mul3A_69 = arith.muli %arg1, %mul3A_68 : i32
    %add3A_70 = arith.constant 18432 : i32
    %add3A_71 = arith.addi %mul3A_69, %add3A_70 : i32
    %dma_start3A_72 = tpu.memref_slice %arg9[%add3A_71] : memref<524288xf32, #tpu.memory_space<vmem_shared>> -> memref<2048xf32, #tpu.memory_space<vmem_shared>>
    %dma_start3A_73 = tpu.memref_slice %arg9[%add3A_71] : memref<524288xf32, #tpu.memory_space<vmem_shared>> -> memref<2048xf32, #tpu.memory_space<vmem_shared>>
    tpu.enqueue_dma source(%arg8 : memref<2048xf32, #tpu.memory_space<vmem>>) target(%dma_start3A_73 : memref<2048xf32, #tpu.memory_space<vmem_shared>>) target_semaphore(%arg10 : memref<!tpu.dma_semaphore, #tpu.memory_space<semaphore_mem>>)
    %mul3A_74 = arith.constant 32768 : i32
    %mul3A_75 = arith.muli %arg1, %mul3A_74 : i32
    %add3A_76 = arith.constant 20480 : i32
    %add3A_77 = arith.addi %mul3A_75, %add3A_76 : i32
    %dma_start3A_78 = tpu.memref_slice %arg9[%add3A_77] : memref<524288xf32, #tpu.memory_space<vmem_shared>> -> memref<2048xf32, #tpu.memory_space<vmem_shared>>
    %dma_start3A_79 = tpu.memref_slice %arg9[%add3A_77] : memref<524288xf32, #tpu.memory_space<vmem_shared>> -> memref<2048xf32, #tpu.memory_space<vmem_shared>>
    tpu.enqueue_dma source(%arg8 : memref<2048xf32, #tpu.memory_space<vmem>>) target(%dma_start3A_79 : memref<2048xf32, #tpu.memory_space<vmem_shared>>) target_semaphore(%arg10 : memref<!tpu.dma_semaphore, #tpu.memory_space<semaphore_mem>>)
    %mul3A_80 = arith.constant 32768 : i32
    %mul3A_81 = arith.muli %arg1, %mul3A_80 : i32
    %add3A_82 = arith.constant 22528 : i32
    %add3A_83 = arith.addi %mul3A_81, %add3A_82 : i32
    %dma_start3A_84 = tpu.memref_slice %arg9[%add3A_83] : memref<524288xf32, #tpu.memory_space<vmem_shared>> -> memref<2048xf32, #tpu.memory_space<vmem_shared>>
    %dma_start3A_85 = tpu.memref_slice %arg9[%add3A_83] : memref<524288xf32, #tpu.memory_space<vmem_shared>> -> memref<2048xf32, #tpu.memory_space<vmem_shared>>
    tpu.enqueue_dma source(%arg8 : memref<2048xf32, #tpu.memory_space<vmem>>) target(%dma_start3A_85 : memref<2048xf32, #tpu.memory_space<vmem_shared>>) target_semaphore(%arg10 : memref<!tpu.dma_semaphore, #tpu.memory_space<semaphore_mem>>)
    %mul3A_86 = arith.constant 32768 : i32
    %mul3A_87 = arith.muli %arg1, %mul3A_86 : i32
    %add3A_88 = arith.constant 24576 : i32
    %add3A_89 = arith.addi %mul3A_87, %add3A_88 : i32
    %dma_start3A_90 = tpu.memref_slice %arg9[%add3A_89] : memref<524288xf32, #tpu.memory_space<vmem_shared>> -> memref<2048xf32, #tpu.memory_space<vmem_shared>>
    %dma_start3A_91 = tpu.memref_slice %arg9[%add3A_89] : memref<524288xf32, #tpu.memory_space<vmem_shared>> -> memref<2048xf32, #tpu.memory_space<vmem_shared>>
    tpu.enqueue_dma source(%arg8 : memref<2048xf32, #tpu.memory_space<vmem>>) target(%dma_start3A_91 : memref<2048xf32, #tpu.memory_space<vmem_shared>>) target_semaphore(%arg10 : memref<!tpu.dma_semaphore, #tpu.memory_space<semaphore_mem>>)
    %mul3A_92 = arith.constant 32768 : i32
    %mul3A_93 = arith.muli %arg1, %mul3A_92 : i32
    %add3A_94 = arith.constant 26624 : i32
    %add3A_95 = arith.addi %mul3A_93, %add3A_94 : i32
    %dma_start3A_96 = tpu.memref_slice %arg9[%add3A_95] : memref<524288xf32, #tpu.memory_space<vmem_shared>> -> memref<2048xf32, #tpu.memory_space<vmem_shared>>
    %dma_start3A_97 = tpu.memref_slice %arg9[%add3A_95] : memref<524288xf32, #tpu.memory_space<vmem_shared>> -> memref<2048xf32, #tpu.memory_space<vmem_shared>>
    tpu.enqueue_dma source(%arg8 : memref<2048xf32, #tpu.memory_space<vmem>>) target(%dma_start3A_97 : memref<2048xf32, #tpu.memory_space<vmem_shared>>) target_semaphore(%arg10 : memref<!tpu.dma_semaphore, #tpu.memory_space<semaphore_mem>>)
    %mul3A_98 = arith.constant 32768 : i32
    %mul3A_99 = arith.muli %arg1, %mul3A_98 : i32
    %add3A_100 = arith.constant 28672 : i32
    %add3A_101 = arith.addi %mul3A_99, %add3A_100 : i32
    %dma_start3A_102 = tpu.memref_slice %arg9[%add3A_101] : memref<524288xf32, #tpu.memory_space<vmem_shared>> -> memref<2048xf32, #tpu.memory_space<vmem_shared>>
    %dma_start3A_103 = tpu.memref_slice %arg9[%add3A_101] : memref<524288xf32, #tpu.memory_space<vmem_shared>> -> memref<2048xf32, #tpu.memory_space<vmem_shared>>
    tpu.enqueue_dma source(%arg8 : memref<2048xf32, #tpu.memory_space<vmem>>) target(%dma_start3A_103 : memref<2048xf32, #tpu.memory_space<vmem_shared>>) target_semaphore(%arg10 : memref<!tpu.dma_semaphore, #tpu.memory_space<semaphore_mem>>)
    %mul3A_104 = arith.constant 32768 : i32
    %mul3A_105 = arith.muli %arg1, %mul3A_104 : i32
    %add3A_106 = arith.constant 30720 : i32
    %add3A_107 = arith.addi %mul3A_105, %add3A_106 : i32
    %dma_start3A_108 = tpu.memref_slice %arg9[%add3A_107] : memref<524288xf32, #tpu.memory_space<vmem_shared>> -> memref<2048xf32, #tpu.memory_space<vmem_shared>>
    %dma_start3A_109 = tpu.memref_slice %arg9[%add3A_107] : memref<524288xf32, #tpu.memory_space<vmem_shared>> -> memref<2048xf32, #tpu.memory_space<vmem_shared>>
    tpu.enqueue_dma source(%arg8 : memref<2048xf32, #tpu.memory_space<vmem>>) target(%dma_start3A_109 : memref<2048xf32, #tpu.memory_space<vmem_shared>>) target_semaphore(%arg10 : memref<!tpu.dma_semaphore, #tpu.memory_space<semaphore_mem>>)
    %dma_wait3A = arith.constant 0 : i32
    %dma_wait3A_110 = tpu.memref_slice %arg2[%dma_wait3A, %mul3A_0] : memref<2x65536xi32, #tpu.memory_space<hbm>> -> memref<1x4096xi32, #tpu.memory_space<hbm>>
    %dma_wait3A_111 = tpu.memref_squeeze %dma_wait3A_110 : memref<1x4096xi32, #tpu.memory_space<hbm>> -> memref<4096xi32, #tpu.memory_space<hbm>>
    %dma_wait3A_112 = tpu.memref_slice %arg2[%dma_wait3A, %mul3A_0] : memref<2x65536xi32, #tpu.memory_space<hbm>> -> memref<1x4096xi32, #tpu.memory_space<hbm>>
    %dma_wait3A_113 = tpu.memref_squeeze %dma_wait3A_112 : memref<1x4096xi32, #tpu.memory_space<hbm>> -> memref<4096xi32, #tpu.memory_space<hbm>>
    tpu.wait_dma2 semaphore(%arg11 : memref<!tpu.dma_semaphore, #tpu.memory_space<semaphore_mem>>) src(%dma_wait3A_113 : memref<4096xi32, #tpu.memory_space<hbm>>) dst(%arg4 : memref<4096xi32, #tpu.memory_space<vmem>>)
    %dma_wait3A_114 = arith.constant 1 : i32
    %dma_wait3A_115 = tpu.memref_slice %arg2[%dma_wait3A_114, %mul3A_0] : memref<2x65536xi32, #tpu.memory_space<hbm>> -> memref<1x4096xi32, #tpu.memory_space<hbm>>
    %dma_wait3A_116 = tpu.memref_squeeze %dma_wait3A_115 : memref<1x4096xi32, #tpu.memory_space<hbm>> -> memref<4096xi32, #tpu.memory_space<hbm>>
    %dma_wait3A_117 = tpu.memref_slice %arg2[%dma_wait3A_114, %mul3A_0] : memref<2x65536xi32, #tpu.memory_space<hbm>> -> memref<1x4096xi32, #tpu.memory_space<hbm>>
    %dma_wait3A_118 = tpu.memref_squeeze %dma_wait3A_117 : memref<1x4096xi32, #tpu.memory_space<hbm>> -> memref<4096xi32, #tpu.memory_space<hbm>>
    tpu.wait_dma2 semaphore(%arg11 : memref<!tpu.dma_semaphore, #tpu.memory_space<semaphore_mem>>) src(%dma_wait3A_118 : memref<4096xi32, #tpu.memory_space<hbm>>) dst(%arg5 : memref<4096xi32, #tpu.memory_space<vmem>>)
    %scan3A_119 = arith.constant 0 : i32
    %scan3A_120 = arith.constant 0 : i32
    %scan3A_121 = arith.constant 32 : i32
    %scan3A_122 = arith.addi %scan3A_120, %scan3A_121 : i32
    %scan3A_123 = arith.constant 1 : i32
    scf.for %scan3A_1251 = %scan3A_120 to %scan3A_122 step %scan3A_123  : i32 {
      %mul3A_1252 = arith.constant 128 : i32
      %mul3A_1253 = arith.muli %scan3A_1251, %mul3A_1252 : i32
      %add3A_1254 = arith.constant 0 : i32
      %add3A_1255 = arith.addi %mul3A_1253, %add3A_1254 : i32
      %get3A = arith.index_cast %add3A_1255 : i32 to index
      %get3A_1256 = tpu.vector_load %arg4[%get3A] {strides = array<i32>} : memref<4096xi32, #tpu.memory_space<vmem>>, vector<16xi32>,
      %get3A_1257 = vector.shape_cast %get3A_1256 : vector<16xi32> to vector<16xi32>
      %get3A_1258 = arith.index_cast %add3A_1255 : i32 to index
      %get3A_1259 = tpu.vector_load %arg5[%get3A_1258] {strides = array<i32>} : memref<4096xi32, #tpu.memory_space<vmem>>, vector<16xi32>,
      %get3A_1260 = vector.shape_cast %get3A_1259 : vector<16xi32> to vector<16xi32>
      %shift_right_logical3A = arith.constant 9 : i32
      %shift_right_logical3A_1261 = vector.broadcast %shift_right_logical3A : i32 to vector<16xi32>
      %shift_right_logical3A_1262 = arith.shrui %get3A_1260, %shift_right_logical3A_1261 : vector<16xi32>
      %eq3A = vector.broadcast %arg0 : i32 to vector<16xi32>
      %eq3A_1263 = arith.cmpi eq, %shift_right_logical3A_1262, %eq3A : vector<16xi32>
      %mul3A_1264 = arith.constant 512 : i32
      %mul3A_1265 = arith.muli %arg0, %mul3A_1264 : i32
      %sub3A = vector.broadcast %mul3A_1265 : i32 to vector<16xi32>
      %sub3A_1266 = arith.subi %get3A_1260, %sub3A : vector<16xi32>
      %mul3A_1267 = arith.constant 1024 : i32
      %mul3A_1268 = vector.broadcast %mul3A_1267 : i32 to vector<16xi32>
      %mul3A_1269 = arith.muli %sub3A_1266, %mul3A_1268 : vector<16xi32>
      %add3A_1270 = arith.addi %mul3A_1269, %get3A_1257 : vector<16xi32>
      %and3A = arith.constant 524287 : i32
      %and3A_1271 = vector.broadcast %and3A : i32 to vector<16xi32>
      %and3A_1272 = arith.andi %add3A_1270, %and3A_1271 : vector<16xi32>
      %swap3A = arith.index_cast %scan3A_1251 : i32 to index
      %swap3A_1273 = arith.constant 0 : index
      %swap3A_1274 = tpu.vector_load %arg6[%swap3A, %swap3A_1273] {strides = array<i32>} : memref<32x128xi32, #tpu.memory_space<vmem>>, vector<1x16xi32>,
      %swap3A_1275 = vector.shape_cast %swap3A_1274 : vector<1x16xi32> to vector<16xi32>
      %swap3A_1276 = vector.shape_cast %and3A_1272 : vector<16xi32> to vector<1x16xi32>
      tpu.vector_store %arg6[%swap3A, %swap3A_1273], %swap3A_1276 {strides = array<i32>} : memref<32x128xi32, #tpu.memory_space<vmem>>, vector<1x16xi32>,
      %jit3A = arith.constant 1.000000e+00 : f32
      %jit3A_1277 = arith.constant 0.000000e+00 : f32
      %broadcast_in_dim3A = vector.broadcast %jit3A : f32 to vector<16xf32>
      %broadcast_in_dim3A_1278 = vector.broadcast %jit3A_1277 : f32 to vector<16xf32>
      %select_n3A = arith.select %eq3A_1263, %broadcast_in_dim3A, %broadcast_in_dim3A_1278 : vector<16xi1>, vector<16xf32>
      %swap3A_1279 = arith.index_cast %scan3A_1251 : i32 to index
      %swap3A_1280 = arith.constant 0 : index
      %swap3A_1281 = tpu.vector_load %arg7[%swap3A_1279, %swap3A_1280] {strides = array<i32>} : memref<32x128xf32, #tpu.memory_space<vmem>>, vector<1x16xf32>,
      %swap3A_1282 = vector.shape_cast %swap3A_1281 : vector<1x16xf32> to vector<16xf32>
      %swap3A_1283 = vector.shape_cast %select_n3A : vector<16xf32> to vector<1x16xf32>
      tpu.vector_store %arg7[%swap3A_1279, %swap3A_1280], %swap3A_1283 {strides = array<i32>} : memref<32x128xf32, #tpu.memory_space<vmem>>, vector<1x16xf32>,
      %mul3A_1284 = arith.constant 128 : i32
      %mul3A_1285 = arith.muli %scan3A_1251, %mul3A_1284 : i32
      %add3A_1286 = arith.constant 16 : i32
      %add3A_1287 = arith.addi %mul3A_1285, %add3A_1286 : i32
      %get3A_1288 = arith.index_cast %add3A_1287 : i32 to index
      %get3A_1289 = tpu.vector_load %arg4[%get3A_1288] {strides = array<i32>} : memref<4096xi32, #tpu.memory_space<vmem>>, vector<16xi32>,
      %get3A_1290 = vector.shape_cast %get3A_1289 : vector<16xi32> to vector<16xi32>
      %get3A_1291 = arith.index_cast %add3A_1287 : i32 to index
      %get3A_1292 = tpu.vector_load %arg5[%get3A_1291] {strides = array<i32>} : memref<4096xi32, #tpu.memory_space<vmem>>, vector<16xi32>,
      %get3A_1293 = vector.shape_cast %get3A_1292 : vector<16xi32> to vector<16xi32>
      %shift_right_logical3A_1294 = arith.constant 9 : i32
      %shift_right_logical3A_1295 = vector.broadcast %shift_right_logical3A_1294 : i32 to vector<16xi32>
      %shift_right_logical3A_1296 = arith.shrui %get3A_1293, %shift_right_logical3A_1295 : vector<16xi32>
      %eq3A_1297 = vector.broadcast %arg0 : i32 to vector<16xi32>
      %eq3A_1298 = arith.cmpi eq, %shift_right_logical3A_1296, %eq3A_1297 : vector<16xi32>
      %mul3A_1299 = arith.constant 512 : i32
      %mul3A_1300 = arith.muli %arg0, %mul3A_1299 : i32
      %sub3A_1301 = vector.broadcast %mul3A_1300 : i32 to vector<16xi32>
      %sub3A_1302 = arith.subi %get3A_1293, %sub3A_1301 : vector<16xi32>
      %mul3A_1303 = arith.constant 1024 : i32
      %mul3A_1304 = vector.broadcast %mul3A_1303 : i32 to vector<16xi32>
      %mul3A_1305 = arith.muli %sub3A_1302, %mul3A_1304 : vector<16xi32>
      %add3A_1306 = arith.addi %mul3A_1305, %get3A_1290 : vector<16xi32>
      %and3A_1307 = arith.constant 524287 : i32
      %and3A_1308 = vector.broadcast %and3A_1307 : i32 to vector<16xi32>
      %and3A_1309 = arith.andi %add3A_1306, %and3A_1308 : vector<16xi32>
      %swap3A_1310 = arith.index_cast %scan3A_1251 : i32 to index
      %swap3A_1311 = arith.constant 16 : index
      %swap3A_1312 = tpu.vector_load %arg6[%swap3A_1310, %swap3A_1311] {strides = array<i32>} : memref<32x128xi32, #tpu.memory_space<vmem>>, vector<1x16xi32>,
      %swap3A_1313 = vector.shape_cast %swap3A_1312 : vector<1x16xi32> to vector<16xi32>
      %swap3A_1314 = vector.shape_cast %and3A_1309 : vector<16xi32> to vector<1x16xi32>
      tpu.vector_store %arg6[%swap3A_1310, %swap3A_1311], %swap3A_1314 {strides = array<i32>} : memref<32x128xi32, #tpu.memory_space<vmem>>, vector<1x16xi32>,
      %jit3A_1315 = arith.constant 1.000000e+00 : f32
      %jit3A_1316 = arith.constant 0.000000e+00 : f32
      %broadcast_in_dim3A_1317 = vector.broadcast %jit3A_1315 : f32 to vector<16xf32>
      %broadcast_in_dim3A_1318 = vector.broadcast %jit3A_1316 : f32 to vector<16xf32>
      %select_n3A_1319 = arith.select %eq3A_1298, %broadcast_in_dim3A_1317, %broadcast_in_dim3A_1318 : vector<16xi1>, vector<16xf32>
      %swap3A_1320 = arith.index_cast %scan3A_1251 : i32 to index
      %swap3A_1321 = arith.constant 16 : index
      %swap3A_1322 = tpu.vector_load %arg7[%swap3A_1320, %swap3A_1321] {strides = array<i32>} : memref<32x128xf32, #tpu.memory_space<vmem>>, vector<1x16xf32>,
      %swap3A_1323 = vector.shape_cast %swap3A_1322 : vector<1x16xf32> to vector<16xf32>
      %swap3A_1324 = vector.shape_cast %select_n3A_1319 : vector<16xf32> to vector<1x16xf32>
      tpu.vector_store %arg7[%swap3A_1320, %swap3A_1321], %swap3A_1324 {strides = array<i32>} : memref<32x128xf32, #tpu.memory_space<vmem>>, vector<1x16xf32>,
      %mul3A_1325 = arith.constant 128 : i32
      %mul3A_1326 = arith.muli %scan3A_1251, %mul3A_1325 : i32
      %add3A_1327 = arith.constant 32 : i32
      %add3A_1328 = arith.addi %mul3A_1326, %add3A_1327 : i32
      %get3A_1329 = arith.index_cast %add3A_1328 : i32 to index
      %get3A_1330 = tpu.vector_load %arg4[%get3A_1329] {strides = array<i32>} : memref<4096xi32, #tpu.memory_space<vmem>>, vector<16xi32>,
      %get3A_1331 = vector.shape_cast %get3A_1330 : vector<16xi32> to vector<16xi32>
      %get3A_1332 = arith.index_cast %add3A_1328 : i32 to index
      %get3A_1333 = tpu.vector_load %arg5[%get3A_1332] {strides = array<i32>} : memref<4096xi32, #tpu.memory_space<vmem>>, vector<16xi32>,
      %get3A_1334 = vector.shape_cast %get3A_1333 : vector<16xi32> to vector<16xi32>
      %shift_right_logical3A_1335 = arith.constant 9 : i32
      %shift_right_logical3A_1336 = vector.broadcast %shift_right_logical3A_1335 : i32 to vector<16xi32>
      %shift_right_logical3A_1337 = arith.shrui %get3A_1334, %shift_right_logical3A_1336 : vector<16xi32>
      %eq3A_1338 = vector.broadcast %arg0 : i32 to vector<16xi32>
      %eq3A_1339 = arith.cmpi eq, %shift_right_logical3A_1337, %eq3A_1338 : vector<16xi32>
      %mul3A_1340 = arith.constant 512 : i32
      %mul3A_1341 = arith.muli %arg0, %mul3A_1340 : i32
      %sub3A_1342 = vector.broadcast %mul3A_1341 : i32 to vector<16xi32>
      %sub3A_1343 = arith.subi %get3A_1334, %sub3A_1342 : vector<16xi32>
      %mul3A_1344 = arith.constant 1024 : i32
      %mul3A_1345 = vector.broadcast %mul3A_1344 : i32 to vector<16xi32>
      %mul3A_1346 = arith.muli %sub3A_1343, %mul3A_1345 : vector<16xi32>
      %add3A_1347 = arith.addi %mul3A_1346, %get3A_1331 : vector<16xi32>
      %and3A_1348 = arith.constant 524287 : i32
      %and3A_1349 = vector.broadcast %and3A_1348 : i32 to vector<16xi32>
      %and3A_1350 = arith.andi %add3A_1347, %and3A_1349 : vector<16xi32>
      %swap3A_1351 = arith.index_cast %scan3A_1251 : i32 to index
      %swap3A_1352 = arith.constant 32 : index
      %swap3A_1353 = tpu.vector_load %arg6[%swap3A_1351, %swap3A_1352] {strides = array<i32>} : memref<32x128xi32, #tpu.memory_space<vmem>>, vector<1x16xi32>,
      %swap3A_1354 = vector.shape_cast %swap3A_1353 : vector<1x16xi32> to vector<16xi32>
      %swap3A_1355 = vector.shape_cast %and3A_1350 : vector<16xi32> to vector<1x16xi32>
      tpu.vector_store %arg6[%swap3A_1351, %swap3A_1352], %swap3A_1355 {strides = array<i32>} : memref<32x128xi32, #tpu.memory_space<vmem>>, vector<1x16xi32>,
      %jit3A_1356 = arith.constant 1.000000e+00 : f32
      %jit3A_1357 = arith.constant 0.000000e+00 : f32
      %broadcast_in_dim3A_1358 = vector.broadcast %jit3A_1356 : f32 to vector<16xf32>
      %broadcast_in_dim3A_1359 = vector.broadcast %jit3A_1357 : f32 to vector<16xf32>
      %select_n3A_1360 = arith.select %eq3A_1339, %broadcast_in_dim3A_1358, %broadcast_in_dim3A_1359 : vector<16xi1>, vector<16xf32>
      %swap3A_1361 = arith.index_cast %scan3A_1251 : i32 to index
      %swap3A_1362 = arith.constant 32 : index
      %swap3A_1363 = tpu.vector_load %arg7[%swap3A_1361, %swap3A_1362] {strides = array<i32>} : memref<32x128xf32, #tpu.memory_space<vmem>>, vector<1x16xf32>,
      %swap3A_1364 = vector.shape_cast %swap3A_1363 : vector<1x16xf32> to vector<16xf32>
      %swap3A_1365 = vector.shape_cast %select_n3A_1360 : vector<16xf32> to vector<1x16xf32>
      tpu.vector_store %arg7[%swap3A_1361, %swap3A_1362], %swap3A_1365 {strides = array<i32>} : memref<32x128xf32, #tpu.memory_space<vmem>>, vector<1x16xf32>,
      %mul3A_1366 = arith.constant 128 : i32
      %mul3A_1367 = arith.muli %scan3A_1251, %mul3A_1366 : i32
      %add3A_1368 = arith.constant 48 : i32
      %add3A_1369 = arith.addi %mul3A_1367, %add3A_1368 : i32
      %get3A_1370 = arith.index_cast %add3A_1369 : i32 to index
      %get3A_1371 = tpu.vector_load %arg4[%get3A_1370] {strides = array<i32>} : memref<4096xi32, #tpu.memory_space<vmem>>, vector<16xi32>,
      %get3A_1372 = vector.shape_cast %get3A_1371 : vector<16xi32> to vector<16xi32>
      %get3A_1373 = arith.index_cast %add3A_1369 : i32 to index
      %get3A_1374 = tpu.vector_load %arg5[%get3A_1373] {strides = array<i32>} : memref<4096xi32, #tpu.memory_space<vmem>>, vector<16xi32>,
      %get3A_1375 = vector.shape_cast %get3A_1374 : vector<16xi32> to vector<16xi32>
      %shift_right_logical3A_1376 = arith.constant 9 : i32
      %shift_right_logical3A_1377 = vector.broadcast %shift_right_logical3A_1376 : i32 to vector<16xi32>
      %shift_right_logical3A_1378 = arith.shrui %get3A_1375, %shift_right_logical3A_1377 : vector<16xi32>
      %eq3A_1379 = vector.broadcast %arg0 : i32 to vector<16xi32>
      %eq3A_1380 = arith.cmpi eq, %shift_right_logical3A_1378, %eq3A_1379 : vector<16xi32>
      %mul3A_1381 = arith.constant 512 : i32
      %mul3A_1382 = arith.muli %arg0, %mul3A_1381 : i32
      %sub3A_1383 = vector.broadcast %mul3A_1382 : i32 to vector<16xi32>
      %sub3A_1384 = arith.subi %get3A_1375, %sub3A_1383 : vector<16xi32>
      %mul3A_1385 = arith.constant 1024 : i32
      %mul3A_1386 = vector.broadcast %mul3A_1385 : i32 to vector<16xi32>
      %mul3A_1387 = arith.muli %sub3A_1384, %mul3A_1386 : vector<16xi32>
      %add3A_1388 = arith.addi %mul3A_1387, %get3A_1372 : vector<16xi32>
      %and3A_1389 = arith.constant 524287 : i32
      %and3A_1390 = vector.broadcast %and3A_1389 : i32 to vector<16xi32>
      %and3A_1391 = arith.andi %add3A_1388, %and3A_1390 : vector<16xi32>
      %swap3A_1392 = arith.index_cast %scan3A_1251 : i32 to index
      %swap3A_1393 = arith.constant 48 : index
      %swap3A_1394 = tpu.vector_load %arg6[%swap3A_1392, %swap3A_1393] {strides = array<i32>} : memref<32x128xi32, #tpu.memory_space<vmem>>, vector<1x16xi32>,
      %swap3A_1395 = vector.shape_cast %swap3A_1394 : vector<1x16xi32> to vector<16xi32>
      %swap3A_1396 = vector.shape_cast %and3A_1391 : vector<16xi32> to vector<1x16xi32>
      tpu.vector_store %arg6[%swap3A_1392, %swap3A_1393], %swap3A_1396 {strides = array<i32>} : memref<32x128xi32, #tpu.memory_space<vmem>>, vector<1x16xi32>,
      %jit3A_1397 = arith.constant 1.000000e+00 : f32
      %jit3A_1398 = arith.constant 0.000000e+00 : f32
      %broadcast_in_dim3A_1399 = vector.broadcast %jit3A_1397 : f32 to vector<16xf32>
      %broadcast_in_dim3A_1400 = vector.broadcast %jit3A_1398 : f32 to vector<16xf32>
      %select_n3A_1401 = arith.select %eq3A_1380, %broadcast_in_dim3A_1399, %broadcast_in_dim3A_1400 : vector<16xi1>, vector<16xf32>
      %swap3A_1402 = arith.index_cast %scan3A_1251 : i32 to index
      %swap3A_1403 = arith.constant 48 : index
      %swap3A_1404 = tpu.vector_load %arg7[%swap3A_1402, %swap3A_1403] {strides = array<i32>} : memref<32x128xf32, #tpu.memory_space<vmem>>, vector<1x16xf32>,
      %swap3A_1405 = vector.shape_cast %swap3A_1404 : vector<1x16xf32> to vector<16xf32>
      %swap3A_1406 = vector.shape_cast %select_n3A_1401 : vector<16xf32> to vector<1x16xf32>
      tpu.vector_store %arg7[%swap3A_1402, %swap3A_1403], %swap3A_1406 {strides = array<i32>} : memref<32x128xf32, #tpu.memory_space<vmem>>, vector<1x16xf32>,
      %mul3A_1407 = arith.constant 128 : i32
      %mul3A_1408 = arith.muli %scan3A_1251, %mul3A_1407 : i32
      %add3A_1409 = arith.constant 64 : i32
      %add3A_1410 = arith.addi %mul3A_1408, %add3A_1409 : i32
      %get3A_1411 = arith.index_cast %add3A_1410 : i32 to index
      %get3A_1412 = tpu.vector_load %arg4[%get3A_1411] {strides = array<i32>} : memref<4096xi32, #tpu.memory_space<vmem>>, vector<16xi32>,
      %get3A_1413 = vector.shape_cast %get3A_1412 : vector<16xi32> to vector<16xi32>
      %get3A_1414 = arith.index_cast %add3A_1410 : i32 to index
      %get3A_1415 = tpu.vector_load %arg5[%get3A_1414] {strides = array<i32>} : memref<4096xi32, #tpu.memory_space<vmem>>, vector<16xi32>,
      %get3A_1416 = vector.shape_cast %get3A_1415 : vector<16xi32> to vector<16xi32>
      %shift_right_logical3A_1417 = arith.constant 9 : i32
      %shift_right_logical3A_1418 = vector.broadcast %shift_right_logical3A_1417 : i32 to vector<16xi32>
      %shift_right_logical3A_1419 = arith.shrui %get3A_1416, %shift_right_logical3A_1418 : vector<16xi32>
      %eq3A_1420 = vector.broadcast %arg0 : i32 to vector<16xi32>
      %eq3A_1421 = arith.cmpi eq, %shift_right_logical3A_1419, %eq3A_1420 : vector<16xi32>
      %mul3A_1422 = arith.constant 512 : i32
      %mul3A_1423 = arith.muli %arg0, %mul3A_1422 : i32
      %sub3A_1424 = vector.broadcast %mul3A_1423 : i32 to vector<16xi32>
      %sub3A_1425 = arith.subi %get3A_1416, %sub3A_1424 : vector<16xi32>
      %mul3A_1426 = arith.constant 1024 : i32
      %mul3A_1427 = vector.broadcast %mul3A_1426 : i32 to vector<16xi32>
      %mul3A_1428 = arith.muli %sub3A_1425, %mul3A_1427 : vector<16xi32>
      %add3A_1429 = arith.addi %mul3A_1428, %get3A_1413 : vector<16xi32>
      %and3A_1430 = arith.constant 524287 : i32
      %and3A_1431 = vector.broadcast %and3A_1430 : i32 to vector<16xi32>
      %and3A_1432 = arith.andi %add3A_1429, %and3A_1431 : vector<16xi32>
      %swap3A_1433 = arith.index_cast %scan3A_1251 : i32 to index
      %swap3A_1434 = arith.constant 64 : index
      %swap3A_1435 = tpu.vector_load %arg6[%swap3A_1433, %swap3A_1434] {strides = array<i32>} : memref<32x128xi32, #tpu.memory_space<vmem>>, vector<1x16xi32>,
      %swap3A_1436 = vector.shape_cast %swap3A_1435 : vector<1x16xi32> to vector<16xi32>
      %swap3A_1437 = vector.shape_cast %and3A_1432 : vector<16xi32> to vector<1x16xi32>
      tpu.vector_store %arg6[%swap3A_1433, %swap3A_1434], %swap3A_1437 {strides = array<i32>} : memref<32x128xi32, #tpu.memory_space<vmem>>, vector<1x16xi32>,
      %jit3A_1438 = arith.constant 1.000000e+00 : f32
      %jit3A_1439 = arith.constant 0.000000e+00 : f32
      %broadcast_in_dim3A_1440 = vector.broadcast %jit3A_1438 : f32 to vector<16xf32>
      %broadcast_in_dim3A_1441 = vector.broadcast %jit3A_1439 : f32 to vector<16xf32>
      %select_n3A_1442 = arith.select %eq3A_1421, %broadcast_in_dim3A_1440, %broadcast_in_dim3A_1441 : vector<16xi1>, vector<16xf32>
      %swap3A_1443 = arith.index_cast %scan3A_1251 : i32 to index
      %swap3A_1444 = arith.constant 64 : index
      %swap3A_1445 = tpu.vector_load %arg7[%swap3A_1443, %swap3A_1444] {strides = array<i32>} : memref<32x128xf32, #tpu.memory_space<vmem>>, vector<1x16xf32>,
      %swap3A_1446 = vector.shape_cast %swap3A_1445 : vector<1x16xf32> to vector<16xf32>
      %swap3A_1447 = vector.shape_cast %select_n3A_1442 : vector<16xf32> to vector<1x16xf32>
      tpu.vector_store %arg7[%swap3A_1443, %swap3A_1444], %swap3A_1447 {strides = array<i32>} : memref<32x128xf32, #tpu.memory_space<vmem>>, vector<1x16xf32>,
      %mul3A_1448 = arith.constant 128 : i32
      %mul3A_1449 = arith.muli %scan3A_1251, %mul3A_1448 : i32
      %add3A_1450 = arith.constant 80 : i32
      %add3A_1451 = arith.addi %mul3A_1449, %add3A_1450 : i32
      %get3A_1452 = arith.index_cast %add3A_1451 : i32 to index
      %get3A_1453 = tpu.vector_load %arg4[%get3A_1452] {strides = array<i32>} : memref<4096xi32, #tpu.memory_space<vmem>>, vector<16xi32>,
      %get3A_1454 = vector.shape_cast %get3A_1453 : vector<16xi32> to vector<16xi32>
      %get3A_1455 = arith.index_cast %add3A_1451 : i32 to index
      %get3A_1456 = tpu.vector_load %arg5[%get3A_1455] {strides = array<i32>} : memref<4096xi32, #tpu.memory_space<vmem>>, vector<16xi32>,
      %get3A_1457 = vector.shape_cast %get3A_1456 : vector<16xi32> to vector<16xi32>
      %shift_right_logical3A_1458 = arith.constant 9 : i32
      %shift_right_logical3A_1459 = vector.broadcast %shift_right_logical3A_1458 : i32 to vector<16xi32>
      %shift_right_logical3A_1460 = arith.shrui %get3A_1457, %shift_right_logical3A_1459 : vector<16xi32>
      %eq3A_1461 = vector.broadcast %arg0 : i32 to vector<16xi32>
      %eq3A_1462 = arith.cmpi eq, %shift_right_logical3A_1460, %eq3A_1461 : vector<16xi32>
      %mul3A_1463 = arith.constant 512 : i32
      %mul3A_1464 = arith.muli %arg0, %mul3A_1463 : i32
      %sub3A_1465 = vector.broadcast %mul3A_1464 : i32 to vector<16xi32>
      %sub3A_1466 = arith.subi %get3A_1457, %sub3A_1465 : vector<16xi32>
      %mul3A_1467 = arith.constant 1024 : i32
      %mul3A_1468 = vector.broadcast %mul3A_1467 : i32 to vector<16xi32>
      %mul3A_1469 = arith.muli %sub3A_1466, %mul3A_1468 : vector<16xi32>
      %add3A_1470 = arith.addi %mul3A_1469, %get3A_1454 : vector<16xi32>
      %and3A_1471 = arith.constant 524287 : i32
      %and3A_1472 = vector.broadcast %and3A_1471 : i32 to vector<16xi32>
      %and3A_1473 = arith.andi %add3A_1470, %and3A_1472 : vector<16xi32>
      %swap3A_1474 = arith.index_cast %scan3A_1251 : i32 to index
      %swap3A_1475 = arith.constant 80 : index
      %swap3A_1476 = tpu.vector_load %arg6[%swap3A_1474, %swap3A_1475] {strides = array<i32>} : memref<32x128xi32, #tpu.memory_space<vmem>>, vector<1x16xi32>,
      %swap3A_1477 = vector.shape_cast %swap3A_1476 : vector<1x16xi32> to vector<16xi32>
      %swap3A_1478 = vector.shape_cast %and3A_1473 : vector<16xi32> to vector<1x16xi32>
      tpu.vector_store %arg6[%swap3A_1474, %swap3A_1475], %swap3A_1478 {strides = array<i32>} : memref<32x128xi32, #tpu.memory_space<vmem>>, vector<1x16xi32>,
      %jit3A_1479 = arith.constant 1.000000e+00 : f32
      %jit3A_1480 = arith.constant 0.000000e+00 : f32
      %broadcast_in_dim3A_1481 = vector.broadcast %jit3A_1479 : f32 to vector<16xf32>
      %broadcast_in_dim3A_1482 = vector.broadcast %jit3A_1480 : f32 to vector<16xf32>
      %select_n3A_1483 = arith.select %eq3A_1462, %broadcast_in_dim3A_1481, %broadcast_in_dim3A_1482 : vector<16xi1>, vector<16xf32>
      %swap3A_1484 = arith.index_cast %scan3A_1251 : i32 to index
      %swap3A_1485 = arith.constant 80 : index
      %swap3A_1486 = tpu.vector_load %arg7[%swap3A_1484, %swap3A_1485] {strides = array<i32>} : memref<32x128xf32, #tpu.memory_space<vmem>>, vector<1x16xf32>,
      %swap3A_1487 = vector.shape_cast %swap3A_1486 : vector<1x16xf32> to vector<16xf32>
      %swap3A_1488 = vector.shape_cast %select_n3A_1483 : vector<16xf32> to vector<1x16xf32>
      tpu.vector_store %arg7[%swap3A_1484, %swap3A_1485], %swap3A_1488 {strides = array<i32>} : memref<32x128xf32, #tpu.memory_space<vmem>>, vector<1x16xf32>,
      %mul3A_1489 = arith.constant 128 : i32
      %mul3A_1490 = arith.muli %scan3A_1251, %mul3A_1489 : i32
      %add3A_1491 = arith.constant 96 : i32
      %add3A_1492 = arith.addi %mul3A_1490, %add3A_1491 : i32
      %get3A_1493 = arith.index_cast %add3A_1492 : i32 to index
      %get3A_1494 = tpu.vector_load %arg4[%get3A_1493] {strides = array<i32>} : memref<4096xi32, #tpu.memory_space<vmem>>, vector<16xi32>,
      %get3A_1495 = vector.shape_cast %get3A_1494 : vector<16xi32> to vector<16xi32>
      %get3A_1496 = arith.index_cast %add3A_1492 : i32 to index
      %get3A_1497 = tpu.vector_load %arg5[%get3A_1496] {strides = array<i32>} : memref<4096xi32, #tpu.memory_space<vmem>>, vector<16xi32>,
      %get3A_1498 = vector.shape_cast %get3A_1497 : vector<16xi32> to vector<16xi32>
      %shift_right_logical3A_1499 = arith.constant 9 : i32
      %shift_right_logical3A_1500 = vector.broadcast %shift_right_logical3A_1499 : i32 to vector<16xi32>
      %shift_right_logical3A_1501 = arith.shrui %get3A_1498, %shift_right_logical3A_1500 : vector<16xi32>
      %eq3A_1502 = vector.broadcast %arg0 : i32 to vector<16xi32>
      %eq3A_1503 = arith.cmpi eq, %shift_right_logical3A_1501, %eq3A_1502 : vector<16xi32>
      %mul3A_1504 = arith.constant 512 : i32
      %mul3A_1505 = arith.muli %arg0, %mul3A_1504 : i32
      %sub3A_1506 = vector.broadcast %mul3A_1505 : i32 to vector<16xi32>
      %sub3A_1507 = arith.subi %get3A_1498, %sub3A_1506 : vector<16xi32>
      %mul3A_1508 = arith.constant 1024 : i32
      %mul3A_1509 = vector.broadcast %mul3A_1508 : i32 to vector<16xi32>
      %mul3A_1510 = arith.muli %sub3A_1507, %mul3A_1509 : vector<16xi32>
      %add3A_1511 = arith.addi %mul3A_1510, %get3A_1495 : vector<16xi32>
      %and3A_1512 = arith.constant 524287 : i32
      %and3A_1513 = vector.broadcast %and3A_1512 : i32 to vector<16xi32>
      %and3A_1514 = arith.andi %add3A_1511, %and3A_1513 : vector<16xi32>
      %swap3A_1515 = arith.index_cast %scan3A_1251 : i32 to index
      %swap3A_1516 = arith.constant 96 : index
      %swap3A_1517 = tpu.vector_load %arg6[%swap3A_1515, %swap3A_1516] {strides = array<i32>} : memref<32x128xi32, #tpu.memory_space<vmem>>, vector<1x16xi32>,
      %swap3A_1518 = vector.shape_cast %swap3A_1517 : vector<1x16xi32> to vector<16xi32>
      %swap3A_1519 = vector.shape_cast %and3A_1514 : vector<16xi32> to vector<1x16xi32>
      tpu.vector_store %arg6[%swap3A_1515, %swap3A_1516], %swap3A_1519 {strides = array<i32>} : memref<32x128xi32, #tpu.memory_space<vmem>>, vector<1x16xi32>,
      %jit3A_1520 = arith.constant 1.000000e+00 : f32
      %jit3A_1521 = arith.constant 0.000000e+00 : f32
      %broadcast_in_dim3A_1522 = vector.broadcast %jit3A_1520 : f32 to vector<16xf32>
      %broadcast_in_dim3A_1523 = vector.broadcast %jit3A_1521 : f32 to vector<16xf32>
      %select_n3A_1524 = arith.select %eq3A_1503, %broadcast_in_dim3A_1522, %broadcast_in_dim3A_1523 : vector<16xi1>, vector<16xf32>
      %swap3A_1525 = arith.index_cast %scan3A_1251 : i32 to index
      %swap3A_1526 = arith.constant 96 : index
      %swap3A_1527 = tpu.vector_load %arg7[%swap3A_1525, %swap3A_1526] {strides = array<i32>} : memref<32x128xf32, #tpu.memory_space<vmem>>, vector<1x16xf32>,
      %swap3A_1528 = vector.shape_cast %swap3A_1527 : vector<1x16xf32> to vector<16xf32>
      %swap3A_1529 = vector.shape_cast %select_n3A_1524 : vector<16xf32> to vector<1x16xf32>
      tpu.vector_store %arg7[%swap3A_1525, %swap3A_1526], %swap3A_1529 {strides = array<i32>} : memref<32x128xf32, #tpu.memory_space<vmem>>, vector<1x16xf32>,
      %mul3A_1530 = arith.constant 128 : i32
      %mul3A_1531 = arith.muli %scan3A_1251, %mul3A_1530 : i32
      %add3A_1532 = arith.constant 112 : i32
      %add3A_1533 = arith.addi %mul3A_1531, %add3A_1532 : i32
      %get3A_1534 = arith.index_cast %add3A_1533 : i32 to index
      %get3A_1535 = tpu.vector_load %arg4[%get3A_1534] {strides = array<i32>} : memref<4096xi32, #tpu.memory_space<vmem>>, vector<16xi32>,
      %get3A_1536 = vector.shape_cast %get3A_1535 : vector<16xi32> to vector<16xi32>
      %get3A_1537 = arith.index_cast %add3A_1533 : i32 to index
      %get3A_1538 = tpu.vector_load %arg5[%get3A_1537] {strides = array<i32>} : memref<4096xi32, #tpu.memory_space<vmem>>, vector<16xi32>,
      %get3A_1539 = vector.shape_cast %get3A_1538 : vector<16xi32> to vector<16xi32>
      %shift_right_logical3A_1540 = arith.constant 9 : i32
      %shift_right_logical3A_1541 = vector.broadcast %shift_right_logical3A_1540 : i32 to vector<16xi32>
      %shift_right_logical3A_1542 = arith.shrui %get3A_1539, %shift_right_logical3A_1541 : vector<16xi32>
      %eq3A_1543 = vector.broadcast %arg0 : i32 to vector<16xi32>
      %eq3A_1544 = arith.cmpi eq, %shift_right_logical3A_1542, %eq3A_1543 : vector<16xi32>
      %mul3A_1545 = arith.constant 512 : i32
      %mul3A_1546 = arith.muli %arg0, %mul3A_1545 : i32
      %sub3A_1547 = vector.broadcast %mul3A_1546 : i32 to vector<16xi32>
      %sub3A_1548 = arith.subi %get3A_1539, %sub3A_1547 : vector<16xi32>
      %mul3A_1549 = arith.constant 1024 : i32
      %mul3A_1550 = vector.broadcast %mul3A_1549 : i32 to vector<16xi32>
      %mul3A_1551 = arith.muli %sub3A_1548, %mul3A_1550 : vector<16xi32>
      %add3A_1552 = arith.addi %mul3A_1551, %get3A_1536 : vector<16xi32>
      %and3A_1553 = arith.constant 524287 : i32
      %and3A_1554 = vector.broadcast %and3A_1553 : i32 to vector<16xi32>
      %and3A_1555 = arith.andi %add3A_1552, %and3A_1554 : vector<16xi32>
      %swap3A_1556 = arith.index_cast %scan3A_1251 : i32 to index
      %swap3A_1557 = arith.constant 112 : index
      %swap3A_1558 = tpu.vector_load %arg6[%swap3A_1556, %swap3A_1557] {strides = array<i32>} : memref<32x128xi32, #tpu.memory_space<vmem>>, vector<1x16xi32>,
      %swap3A_1559 = vector.shape_cast %swap3A_1558 : vector<1x16xi32> to vector<16xi32>
      %swap3A_1560 = vector.shape_cast %and3A_1555 : vector<16xi32> to vector<1x16xi32>
      tpu.vector_store %arg6[%swap3A_1556, %swap3A_1557], %swap3A_1560 {strides = array<i32>} : memref<32x128xi32, #tpu.memory_space<vmem>>, vector<1x16xi32>,
      %jit3A_1561 = arith.constant 1.000000e+00 : f32
      %jit3A_1562 = arith.constant 0.000000e+00 : f32
      %broadcast_in_dim3A_1563 = vector.broadcast %jit3A_1561 : f32 to vector<16xf32>
      %broadcast_in_dim3A_1564 = vector.broadcast %jit3A_1562 : f32 to vector<16xf32>
      %select_n3A_1565 = arith.select %eq3A_1544, %broadcast_in_dim3A_1563, %broadcast_in_dim3A_1564 : vector<16xi1>, vector<16xf32>
      %swap3A_1566 = arith.index_cast %scan3A_1251 : i32 to index
      %swap3A_1567 = arith.constant 112 : index
      %swap3A_1568 = tpu.vector_load %arg7[%swap3A_1566, %swap3A_1567] {strides = array<i32>} : memref<32x128xf32, #tpu.memory_space<vmem>>, vector<1x16xf32>,
      %swap3A_1569 = vector.shape_cast %swap3A_1568 : vector<1x16xf32> to vector<16xf32>
      %swap3A_1570 = vector.shape_cast %select_n3A_1565 : vector<16xf32> to vector<1x16xf32>
      tpu.vector_store %arg7[%swap3A_1566, %swap3A_1567], %swap3A_1570 {strides = array<i32>} : memref<32x128xf32, #tpu.memory_space<vmem>>, vector<1x16xf32>,
    }
    %scan3A_124 = arith.constant 32 : i32
    %dma_wait3A_125 = tpu.memref_slice %arg9[%add3A_17] : memref<524288xf32, #tpu.memory_space<vmem_shared>> -> memref<2048xf32, #tpu.memory_space<vmem_shared>>
    %dma_wait3A_126 = tpu.memref_slice %arg9[%add3A_17] : memref<524288xf32, #tpu.memory_space<vmem_shared>> -> memref<2048xf32, #tpu.memory_space<vmem_shared>>
    tpu.wait_dma2 semaphore(%arg10 : memref<!tpu.dma_semaphore, #tpu.memory_space<semaphore_mem>>) src(%arg8 : memref<2048xf32, #tpu.memory_space<vmem>>) dst(%dma_wait3A_126 : memref<2048xf32, #tpu.memory_space<vmem_shared>>)
    %dma_wait3A_127 = tpu.memref_slice %arg9[%add3A_23] : memref<524288xf32, #tpu.memory_space<vmem_shared>> -> memref<2048xf32, #tpu.memory_space<vmem_shared>>
    %dma_wait3A_128 = tpu.memref_slice %arg9[%add3A_23] : memref<524288xf32, #tpu.memory_space<vmem_shared>> -> memref<2048xf32, #tpu.memory_space<vmem_shared>>
    tpu.wait_dma2 semaphore(%arg10 : memref<!tpu.dma_semaphore, #tpu.memory_space<semaphore_mem>>) src(%arg8 : memref<2048xf32, #tpu.memory_space<vmem>>) dst(%dma_wait3A_128 : memref<2048xf32, #tpu.memory_space<vmem_shared>>)
    %dma_wait3A_129 = tpu.memref_slice %arg9[%add3A_29] : memref<524288xf32, #tpu.memory_space<vmem_shared>> -> memref<2048xf32, #tpu.memory_space<vmem_shared>>
    %dma_wait3A_130 = tpu.memref_slice %arg9[%add3A_29] : memref<524288xf32, #tpu.memory_space<vmem_shared>> -> memref<2048xf32, #tpu.memory_space<vmem_shared>>
    tpu.wait_dma2 semaphore(%arg10 : memref<!tpu.dma_semaphore, #tpu.memory_space<semaphore_mem>>) src(%arg8 : memref<2048xf32, #tpu.memory_space<vmem>>) dst(%dma_wait3A_130 : memref<2048xf32, #tpu.memory_space<vmem_shared>>)
    %dma_wait3A_131 = tpu.memref_slice %arg9[%add3A_35] : memref<524288xf32, #tpu.memory_space<vmem_shared>> -> memref<2048xf32, #tpu.memory_space<vmem_shared>>
    %dma_wait3A_132 = tpu.memref_slice %arg9[%add3A_35] : memref<524288xf32, #tpu.memory_space<vmem_shared>> -> memref<2048xf32, #tpu.memory_space<vmem_shared>>
    tpu.wait_dma2 semaphore(%arg10 : memref<!tpu.dma_semaphore, #tpu.memory_space<semaphore_mem>>) src(%arg8 : memref<2048xf32, #tpu.memory_space<vmem>>) dst(%dma_wait3A_132 : memref<2048xf32, #tpu.memory_space<vmem_shared>>)
    %dma_wait3A_133 = tpu.memref_slice %arg9[%add3A_41] : memref<524288xf32, #tpu.memory_space<vmem_shared>> -> memref<2048xf32, #tpu.memory_space<vmem_shared>>
    %dma_wait3A_134 = tpu.memref_slice %arg9[%add3A_41] : memref<524288xf32, #tpu.memory_space<vmem_shared>> -> memref<2048xf32, #tpu.memory_space<vmem_shared>>
    tpu.wait_dma2 semaphore(%arg10 : memref<!tpu.dma_semaphore, #tpu.memory_space<semaphore_mem>>) src(%arg8 : memref<2048xf32, #tpu.memory_space<vmem>>) dst(%dma_wait3A_134 : memref<2048xf32, #tpu.memory_space<vmem_shared>>)
    %dma_wait3A_135 = tpu.memref_slice %arg9[%add3A_47] : memref<524288xf32, #tpu.memory_space<vmem_shared>> -> memref<2048xf32, #tpu.memory_space<vmem_shared>>
    %dma_wait3A_136 = tpu.memref_slice %arg9[%add3A_47] : memref<524288xf32, #tpu.memory_space<vmem_shared>> -> memref<2048xf32, #tpu.memory_space<vmem_shared>>
    tpu.wait_dma2 semaphore(%arg10 : memref<!tpu.dma_semaphore, #tpu.memory_space<semaphore_mem>>) src(%arg8 : memref<2048xf32, #tpu.memory_space<vmem>>) dst(%dma_wait3A_136 : memref<2048xf32, #tpu.memory_space<vmem_shared>>)
    %dma_wait3A_137 = tpu.memref_slice %arg9[%add3A_53] : memref<524288xf32, #tpu.memory_space<vmem_shared>> -> memref<2048xf32, #tpu.memory_space<vmem_shared>>
    %dma_wait3A_138 = tpu.memref_slice %arg9[%add3A_53] : memref<524288xf32, #tpu.memory_space<vmem_shared>> -> memref<2048xf32, #tpu.memory_space<vmem_shared>>
    tpu.wait_dma2 semaphore(%arg10 : memref<!tpu.dma_semaphore, #tpu.memory_space<semaphore_mem>>) src(%arg8 : memref<2048xf32, #tpu.memory_space<vmem>>) dst(%dma_wait3A_138 : memref<2048xf32, #tpu.memory_space<vmem_shared>>)
    %dma_wait3A_139 = tpu.memref_slice %arg9[%add3A_59] : memref<524288xf32, #tpu.memory_space<vmem_shared>> -> memref<2048xf32, #tpu.memory_space<vmem_shared>>
    %dma_wait3A_140 = tpu.memref_slice %arg9[%add3A_59] : memref<524288xf32, #tpu.memory_space<vmem_shared>> -> memref<2048xf32, #tpu.memory_space<vmem_shared>>
    tpu.wait_dma2 semaphore(%arg10 : memref<!tpu.dma_semaphore, #tpu.memory_space<semaphore_mem>>) src(%arg8 : memref<2048xf32, #tpu.memory_space<vmem>>) dst(%dma_wait3A_140 : memref<2048xf32, #tpu.memory_space<vmem_shared>>)
    %dma_wait3A_141 = tpu.memref_slice %arg9[%add3A_65] : memref<524288xf32, #tpu.memory_space<vmem_shared>> -> memref<2048xf32, #tpu.memory_space<vmem_shared>>
    %dma_wait3A_142 = tpu.memref_slice %arg9[%add3A_65] : memref<524288xf32, #tpu.memory_space<vmem_shared>> -> memref<2048xf32, #tpu.memory_space<vmem_shared>>
    tpu.wait_dma2 semaphore(%arg10 : memref<!tpu.dma_semaphore, #tpu.memory_space<semaphore_mem>>) src(%arg8 : memref<2048xf32, #tpu.memory_space<vmem>>) dst(%dma_wait3A_142 : memref<2048xf32, #tpu.memory_space<vmem_shared>>)
    %dma_wait3A_143 = tpu.memref_slice %arg9[%add3A_71] : memref<524288xf32, #tpu.memory_space<vmem_shared>> -> memref<2048xf32, #tpu.memory_space<vmem_shared>>
    %dma_wait3A_144 = tpu.memref_slice %arg9[%add3A_71] : memref<524288xf32, #tpu.memory_space<vmem_shared>> -> memref<2048xf32, #tpu.memory_space<vmem_shared>>
    tpu.wait_dma2 semaphore(%arg10 : memref<!tpu.dma_semaphore, #tpu.memory_space<semaphore_mem>>) src(%arg8 : memref<2048xf32, #tpu.memory_space<vmem>>) dst(%dma_wait3A_144 : memref<2048xf32, #tpu.memory_space<vmem_shared>>)
    %dma_wait3A_145 = tpu.memref_slice %arg9[%add3A_77] : memref<524288xf32, #tpu.memory_space<vmem_shared>> -> memref<2048xf32, #tpu.memory_space<vmem_shared>>
    %dma_wait3A_146 = tpu.memref_slice %arg9[%add3A_77] : memref<524288xf32, #tpu.memory_space<vmem_shared>> -> memref<2048xf32, #tpu.memory_space<vmem_shared>>
    tpu.wait_dma2 semaphore(%arg10 : memref<!tpu.dma_semaphore, #tpu.memory_space<semaphore_mem>>) src(%arg8 : memref<2048xf32, #tpu.memory_space<vmem>>) dst(%dma_wait3A_146 : memref<2048xf32, #tpu.memory_space<vmem_shared>>)
    %dma_wait3A_147 = tpu.memref_slice %arg9[%add3A_83] : memref<524288xf32, #tpu.memory_space<vmem_shared>> -> memref<2048xf32, #tpu.memory_space<vmem_shared>>
    %dma_wait3A_148 = tpu.memref_slice %arg9[%add3A_83] : memref<524288xf32, #tpu.memory_space<vmem_shared>> -> memref<2048xf32, #tpu.memory_space<vmem_shared>>
    tpu.wait_dma2 semaphore(%arg10 : memref<!tpu.dma_semaphore, #tpu.memory_space<semaphore_mem>>) src(%arg8 : memref<2048xf32, #tpu.memory_space<vmem>>) dst(%dma_wait3A_148 : memref<2048xf32, #tpu.memory_space<vmem_shared>>)
    %dma_wait3A_149 = tpu.memref_slice %arg9[%add3A_89] : memref<524288xf32, #tpu.memory_space<vmem_shared>> -> memref<2048xf32, #tpu.memory_space<vmem_shared>>
    %dma_wait3A_150 = tpu.memref_slice %arg9[%add3A_89] : memref<524288xf32, #tpu.memory_space<vmem_shared>> -> memref<2048xf32, #tpu.memory_space<vmem_shared>>
    tpu.wait_dma2 semaphore(%arg10 : memref<!tpu.dma_semaphore, #tpu.memory_space<semaphore_mem>>) src(%arg8 : memref<2048xf32, #tpu.memory_space<vmem>>) dst(%dma_wait3A_150 : memref<2048xf32, #tpu.memory_space<vmem_shared>>)
    %dma_wait3A_151 = tpu.memref_slice %arg9[%add3A_95] : memref<524288xf32, #tpu.memory_space<vmem_shared>> -> memref<2048xf32, #tpu.memory_space<vmem_shared>>
    %dma_wait3A_152 = tpu.memref_slice %arg9[%add3A_95] : memref<524288xf32, #tpu.memory_space<vmem_shared>> -> memref<2048xf32, #tpu.memory_space<vmem_shared>>
    tpu.wait_dma2 semaphore(%arg10 : memref<!tpu.dma_semaphore, #tpu.memory_space<semaphore_mem>>) src(%arg8 : memref<2048xf32, #tpu.memory_space<vmem>>) dst(%dma_wait3A_152 : memref<2048xf32, #tpu.memory_space<vmem_shared>>)
    %dma_wait3A_153 = tpu.memref_slice %arg9[%add3A_101] : memref<524288xf32, #tpu.memory_space<vmem_shared>> -> memref<2048xf32, #tpu.memory_space<vmem_shared>>
    %dma_wait3A_154 = tpu.memref_slice %arg9[%add3A_101] : memref<524288xf32, #tpu.memory_space<vmem_shared>> -> memref<2048xf32, #tpu.memory_space<vmem_shared>>
    tpu.wait_dma2 semaphore(%arg10 : memref<!tpu.dma_semaphore, #tpu.memory_space<semaphore_mem>>) src(%arg8 : memref<2048xf32, #tpu.memory_space<vmem>>) dst(%dma_wait3A_154 : memref<2048xf32, #tpu.memory_space<vmem_shared>>)
    %dma_wait3A_155 = tpu.memref_slice %arg9[%add3A_107] : memref<524288xf32, #tpu.memory_space<vmem_shared>> -> memref<2048xf32, #tpu.memory_space<vmem_shared>>
    %dma_wait3A_156 = tpu.memref_slice %arg9[%add3A_107] : memref<524288xf32, #tpu.memory_space<vmem_shared>> -> memref<2048xf32, #tpu.memory_space<vmem_shared>>
    tpu.wait_dma2 semaphore(%arg10 : memref<!tpu.dma_semaphore, #tpu.memory_space<semaphore_mem>>) src(%arg8 : memref<2048xf32, #tpu.memory_space<vmem>>) dst(%dma_wait3A_156 : memref<2048xf32, #tpu.memory_space<vmem_shared>>)
    %barrier3A = arith.constant 0 : index
    tpu.barrier barrier_id(%barrier3A)
    %dma_start3A_157 = arith.constant 0 : i32
    %dma_start3A_158 = arith.constant 0 : i32
    %dma_start3A_159 = arith.constant 0 : i32
    %dma_start3A_160 = tpu.memref_slice %arg7[%dma_start3A_157, %dma_start3A_159] : memref<32x128xf32, #tpu.memory_space<vmem>> -> memref<1x128xf32, #tpu.memory_space<vmem>>
    %dma_start3A_161 = tpu.memref_squeeze %dma_start3A_160 : memref<1x128xf32, #tpu.memory_space<vmem>> -> memref<128xf32, #tpu.memory_space<vmem>>
    %dma_start3A_162 = arith.constant 0 : i32
    %dma_start3A_163 = tpu.memref_slice %arg6[%dma_start3A_158, %dma_start3A_162] : memref<32x128xi32, #tpu.memory_space<vmem>> -> memref<1x128xi32, #tpu.memory_space<vmem>>
    %dma_start3A_164 = tpu.memref_squeeze %dma_start3A_163 : memref<1x128xi32, #tpu.memory_space<vmem>> -> memref<128xi32, #tpu.memory_space<vmem>>
    %dma_start3A_165 = arith.constant 0 : i32
    %dma_start3A_166 = tpu.memref_slice %arg9[%dma_start3A_165] : memref<524288xf32, #tpu.memory_space<vmem_shared>> -> memref<524288xf32, #tpu.memory_space<vmem_shared>>
    tpu.enqueue_indirect_dma source(%dma_start3A_161 : memref<128xf32, #tpu.memory_space<vmem>>) target(%dma_start3A_166 : memref<524288xf32, #tpu.memory_space<vmem_shared>>) offsets(%dma_start3A_164 : memref<128xi32, #tpu.memory_space<vmem>>) semaphore(%arg12 : memref<!tpu.dma_semaphore, #tpu.memory_space<semaphore_mem>>) {add = true}
    %dma_start3A_167 = arith.constant 1 : i32
    %dma_start3A_168 = arith.constant 1 : i32
    %dma_start3A_169 = arith.constant 0 : i32
    %dma_start3A_170 = tpu.memref_slice %arg7[%dma_start3A_167, %dma_start3A_169] : memref<32x128xf32, #tpu.memory_space<vmem>> -> memref<1x128xf32, #tpu.memory_space<vmem>>
    %dma_start3A_171 = tpu.memref_squeeze %dma_start3A_170 : memref<1x128xf32, #tpu.memory_space<vmem>> -> memref<128xf32, #tpu.memory_space<vmem>>
    %dma_start3A_172 = arith.constant 0 : i32
    %dma_start3A_173 = tpu.memref_slice %arg6[%dma_start3A_168, %dma_start3A_172] : memref<32x128xi32, #tpu.memory_space<vmem>> -> memref<1x128xi32, #tpu.memory_space<vmem>>
    %dma_start3A_174 = tpu.memref_squeeze %dma_start3A_173 : memref<1x128xi32, #tpu.memory_space<vmem>> -> memref<128xi32, #tpu.memory_space<vmem>>
    %dma_start3A_175 = arith.constant 0 : i32
    %dma_start3A_176 = tpu.memref_slice %arg9[%dma_start3A_175] : memref<524288xf32, #tpu.memory_space<vmem_shared>> -> memref<524288xf32, #tpu.memory_space<vmem_shared>>
    tpu.enqueue_indirect_dma source(%dma_start3A_171 : memref<128xf32, #tpu.memory_space<vmem>>) target(%dma_start3A_176 : memref<524288xf32, #tpu.memory_space<vmem_shared>>) offsets(%dma_start3A_174 : memref<128xi32, #tpu.memory_space<vmem>>) semaphore(%arg12 : memref<!tpu.dma_semaphore, #tpu.memory_space<semaphore_mem>>) {add = true}
    %dma_start3A_177 = arith.constant 2 : i32
    %dma_start3A_178 = arith.constant 2 : i32
    %dma_start3A_179 = arith.constant 0 : i32
    %dma_start3A_180 = tpu.memref_slice %arg7[%dma_start3A_177, %dma_start3A_179] : memref<32x128xf32, #tpu.memory_space<vmem>> -> memref<1x128xf32, #tpu.memory_space<vmem>>
    %dma_start3A_181 = tpu.memref_squeeze %dma_start3A_180 : memref<1x128xf32, #tpu.memory_space<vmem>> -> memref<128xf32, #tpu.memory_space<vmem>>
    %dma_start3A_182 = arith.constant 0 : i32
    %dma_start3A_183 = tpu.memref_slice %arg6[%dma_start3A_178, %dma_start3A_182] : memref<32x128xi32, #tpu.memory_space<vmem>> -> memref<1x128xi32, #tpu.memory_space<vmem>>
    %dma_start3A_184 = tpu.memref_squeeze %dma_start3A_183 : memref<1x128xi32, #tpu.memory_space<vmem>> -> memref<128xi32, #tpu.memory_space<vmem>>
    %dma_start3A_185 = arith.constant 0 : i32
    %dma_start3A_186 = tpu.memref_slice %arg9[%dma_start3A_185] : memref<524288xf32, #tpu.memory_space<vmem_shared>> -> memref<524288xf32, #tpu.memory_space<vmem_shared>>
    tpu.enqueue_indirect_dma source(%dma_start3A_181 : memref<128xf32, #tpu.memory_space<vmem>>) target(%dma_start3A_186 : memref<524288xf32, #tpu.memory_space<vmem_shared>>) offsets(%dma_start3A_184 : memref<128xi32, #tpu.memory_space<vmem>>) semaphore(%arg12 : memref<!tpu.dma_semaphore, #tpu.memory_space<semaphore_mem>>) {add = true}
    %dma_start3A_187 = arith.constant 3 : i32
    %dma_start3A_188 = arith.constant 3 : i32
    %dma_start3A_189 = arith.constant 0 : i32
    %dma_start3A_190 = tpu.memref_slice %arg7[%dma_start3A_187, %dma_start3A_189] : memref<32x128xf32, #tpu.memory_space<vmem>> -> memref<1x128xf32, #tpu.memory_space<vmem>>
    %dma_start3A_191 = tpu.memref_squeeze %dma_start3A_190 : memref<1x128xf32, #tpu.memory_space<vmem>> -> memref<128xf32, #tpu.memory_space<vmem>>
    %dma_start3A_192 = arith.constant 0 : i32
    %dma_start3A_193 = tpu.memref_slice %arg6[%dma_start3A_188, %dma_start3A_192] : memref<32x128xi32, #tpu.memory_space<vmem>> -> memref<1x128xi32, #tpu.memory_space<vmem>>
    %dma_start3A_194 = tpu.memref_squeeze %dma_start3A_193 : memref<1x128xi32, #tpu.memory_space<vmem>> -> memref<128xi32, #tpu.memory_space<vmem>>
    %dma_start3A_195 = arith.constant 0 : i32
    %dma_start3A_196 = tpu.memref_slice %arg9[%dma_start3A_195] : memref<524288xf32, #tpu.memory_space<vmem_shared>> -> memref<524288xf32, #tpu.memory_space<vmem_shared>>
    tpu.enqueue_indirect_dma source(%dma_start3A_191 : memref<128xf32, #tpu.memory_space<vmem>>) target(%dma_start3A_196 : memref<524288xf32, #tpu.memory_space<vmem_shared>>) offsets(%dma_start3A_194 : memref<128xi32, #tpu.memory_space<vmem>>) semaphore(%arg12 : memref<!tpu.dma_semaphore, #tpu.memory_space<semaphore_mem>>) {add = true}
    %dma_start3A_197 = arith.constant 4 : i32
    %dma_start3A_198 = arith.constant 4 : i32
    %dma_start3A_199 = arith.constant 0 : i32
    %dma_start3A_200 = tpu.memref_slice %arg7[%dma_start3A_197, %dma_start3A_199] : memref<32x128xf32, #tpu.memory_space<vmem>> -> memref<1x128xf32, #tpu.memory_space<vmem>>
    %dma_start3A_201 = tpu.memref_squeeze %dma_start3A_200 : memref<1x128xf32, #tpu.memory_space<vmem>> -> memref<128xf32, #tpu.memory_space<vmem>>
    %dma_start3A_202 = arith.constant 0 : i32
    %dma_start3A_203 = tpu.memref_slice %arg6[%dma_start3A_198, %dma_start3A_202] : memref<32x128xi32, #tpu.memory_space<vmem>> -> memref<1x128xi32, #tpu.memory_space<vmem>>
    %dma_start3A_204 = tpu.memref_squeeze %dma_start3A_203 : memref<1x128xi32, #tpu.memory_space<vmem>> -> memref<128xi32, #tpu.memory_space<vmem>>
    %dma_start3A_205 = arith.constant 0 : i32
    %dma_start3A_206 = tpu.memref_slice %arg9[%dma_start3A_205] : memref<524288xf32, #tpu.memory_space<vmem_shared>> -> memref<524288xf32, #tpu.memory_space<vmem_shared>>
    tpu.enqueue_indirect_dma source(%dma_start3A_201 : memref<128xf32, #tpu.memory_space<vmem>>) target(%dma_start3A_206 : memref<524288xf32, #tpu.memory_space<vmem_shared>>) offsets(%dma_start3A_204 : memref<128xi32, #tpu.memory_space<vmem>>) semaphore(%arg12 : memref<!tpu.dma_semaphore, #tpu.memory_space<semaphore_mem>>) {add = true}
    %dma_start3A_207 = arith.constant 5 : i32
    %dma_start3A_208 = arith.constant 5 : i32
    %dma_start3A_209 = arith.constant 0 : i32
    %dma_start3A_210 = tpu.memref_slice %arg7[%dma_start3A_207, %dma_start3A_209] : memref<32x128xf32, #tpu.memory_space<vmem>> -> memref<1x128xf32, #tpu.memory_space<vmem>>
    %dma_start3A_211 = tpu.memref_squeeze %dma_start3A_210 : memref<1x128xf32, #tpu.memory_space<vmem>> -> memref<128xf32, #tpu.memory_space<vmem>>
    %dma_start3A_212 = arith.constant 0 : i32
    %dma_start3A_213 = tpu.memref_slice %arg6[%dma_start3A_208, %dma_start3A_212] : memref<32x128xi32, #tpu.memory_space<vmem>> -> memref<1x128xi32, #tpu.memory_space<vmem>>
    %dma_start3A_214 = tpu.memref_squeeze %dma_start3A_213 : memref<1x128xi32, #tpu.memory_space<vmem>> -> memref<128xi32, #tpu.memory_space<vmem>>
    %dma_start3A_215 = arith.constant 0 : i32
    %dma_start3A_216 = tpu.memref_slice %arg9[%dma_start3A_215] : memref<524288xf32, #tpu.memory_space<vmem_shared>> -> memref<524288xf32, #tpu.memory_space<vmem_shared>>
    tpu.enqueue_indirect_dma source(%dma_start3A_211 : memref<128xf32, #tpu.memory_space<vmem>>) target(%dma_start3A_216 : memref<524288xf32, #tpu.memory_space<vmem_shared>>) offsets(%dma_start3A_214 : memref<128xi32, #tpu.memory_space<vmem>>) semaphore(%arg12 : memref<!tpu.dma_semaphore, #tpu.memory_space<semaphore_mem>>) {add = true}
    %dma_start3A_217 = arith.constant 6 : i32
    %dma_start3A_218 = arith.constant 6 : i32
    %dma_start3A_219 = arith.constant 0 : i32
    %dma_start3A_220 = tpu.memref_slice %arg7[%dma_start3A_217, %dma_start3A_219] : memref<32x128xf32, #tpu.memory_space<vmem>> -> memref<1x128xf32, #tpu.memory_space<vmem>>
    %dma_start3A_221 = tpu.memref_squeeze %dma_start3A_220 : memref<1x128xf32, #tpu.memory_space<vmem>> -> memref<128xf32, #tpu.memory_space<vmem>>
    %dma_start3A_222 = arith.constant 0 : i32
    %dma_start3A_223 = tpu.memref_slice %arg6[%dma_start3A_218, %dma_start3A_222] : memref<32x128xi32, #tpu.memory_space<vmem>> -> memref<1x128xi32, #tpu.memory_space<vmem>>
    %dma_start3A_224 = tpu.memref_squeeze %dma_start3A_223 : memref<1x128xi32, #tpu.memory_space<vmem>> -> memref<128xi32, #tpu.memory_space<vmem>>
    %dma_start3A_225 = arith.constant 0 : i32
    %dma_start3A_226 = tpu.memref_slice %arg9[%dma_start3A_225] : memref<524288xf32, #tpu.memory_space<vmem_shared>> -> memref<524288xf32, #tpu.memory_space<vmem_shared>>
    tpu.enqueue_indirect_dma source(%dma_start3A_221 : memref<128xf32, #tpu.memory_space<vmem>>) target(%dma_start3A_226 : memref<524288xf32, #tpu.memory_space<vmem_shared>>) offsets(%dma_start3A_224 : memref<128xi32, #tpu.memory_space<vmem>>) semaphore(%arg12 : memref<!tpu.dma_semaphore, #tpu.memory_space<semaphore_mem>>) {add = true}
    %dma_start3A_227 = arith.constant 7 : i32
    %dma_start3A_228 = arith.constant 7 : i32
    %dma_start3A_229 = arith.constant 0 : i32
    %dma_start3A_230 = tpu.memref_slice %arg7[%dma_start3A_227, %dma_start3A_229] : memref<32x128xf32, #tpu.memory_space<vmem>> -> memref<1x128xf32, #tpu.memory_space<vmem>>
    %dma_start3A_231 = tpu.memref_squeeze %dma_start3A_230 : memref<1x128xf32, #tpu.memory_space<vmem>> -> memref<128xf32, #tpu.memory_space<vmem>>
    %dma_start3A_232 = arith.constant 0 : i32
    %dma_start3A_233 = tpu.memref_slice %arg6[%dma_start3A_228, %dma_start3A_232] : memref<32x128xi32, #tpu.memory_space<vmem>> -> memref<1x128xi32, #tpu.memory_space<vmem>>
    %dma_start3A_234 = tpu.memref_squeeze %dma_start3A_233 : memref<1x128xi32, #tpu.memory_space<vmem>> -> memref<128xi32, #tpu.memory_space<vmem>>
    %dma_start3A_235 = arith.constant 0 : i32
    %dma_start3A_236 = tpu.memref_slice %arg9[%dma_start3A_235] : memref<524288xf32, #tpu.memory_space<vmem_shared>> -> memref<524288xf32, #tpu.memory_space<vmem_shared>>
    tpu.enqueue_indirect_dma source(%dma_start3A_231 : memref<128xf32, #tpu.memory_space<vmem>>) target(%dma_start3A_236 : memref<524288xf32, #tpu.memory_space<vmem_shared>>) offsets(%dma_start3A_234 : memref<128xi32, #tpu.memory_space<vmem>>) semaphore(%arg12 : memref<!tpu.dma_semaphore, #tpu.memory_space<semaphore_mem>>) {add = true}
    %dma_start3A_237 = arith.constant 8 : i32
    %dma_start3A_238 = arith.constant 8 : i32
    %dma_start3A_239 = arith.constant 0 : i32
    %dma_start3A_240 = tpu.memref_slice %arg7[%dma_start3A_237, %dma_start3A_239] : memref<32x128xf32, #tpu.memory_space<vmem>> -> memref<1x128xf32, #tpu.memory_space<vmem>>
    %dma_start3A_241 = tpu.memref_squeeze %dma_start3A_240 : memref<1x128xf32, #tpu.memory_space<vmem>> -> memref<128xf32, #tpu.memory_space<vmem>>
    %dma_start3A_242 = arith.constant 0 : i32
    %dma_start3A_243 = tpu.memref_slice %arg6[%dma_start3A_238, %dma_start3A_242] : memref<32x128xi32, #tpu.memory_space<vmem>> -> memref<1x128xi32, #tpu.memory_space<vmem>>
    %dma_start3A_244 = tpu.memref_squeeze %dma_start3A_243 : memref<1x128xi32, #tpu.memory_space<vmem>> -> memref<128xi32, #tpu.memory_space<vmem>>
    %dma_start3A_245 = arith.constant 0 : i32
    %dma_start3A_246 = tpu.memref_slice %arg9[%dma_start3A_245] : memref<524288xf32, #tpu.memory_space<vmem_shared>> -> memref<524288xf32, #tpu.memory_space<vmem_shared>>
    tpu.enqueue_indirect_dma source(%dma_start3A_241 : memref<128xf32, #tpu.memory_space<vmem>>) target(%dma_start3A_246 : memref<524288xf32, #tpu.memory_space<vmem_shared>>) offsets(%dma_start3A_244 : memref<128xi32, #tpu.memory_space<vmem>>) semaphore(%arg12 : memref<!tpu.dma_semaphore, #tpu.memory_space<semaphore_mem>>) {add = true}
    %dma_start3A_247 = arith.constant 9 : i32
    %dma_start3A_248 = arith.constant 9 : i32
    %dma_start3A_249 = arith.constant 0 : i32
    %dma_start3A_250 = tpu.memref_slice %arg7[%dma_start3A_247, %dma_start3A_249] : memref<32x128xf32, #tpu.memory_space<vmem>> -> memref<1x128xf32, #tpu.memory_space<vmem>>
    %dma_start3A_251 = tpu.memref_squeeze %dma_start3A_250 : memref<1x128xf32, #tpu.memory_space<vmem>> -> memref<128xf32, #tpu.memory_space<vmem>>
    %dma_start3A_252 = arith.constant 0 : i32
    %dma_start3A_253 = tpu.memref_slice %arg6[%dma_start3A_248, %dma_start3A_252] : memref<32x128xi32, #tpu.memory_space<vmem>> -> memref<1x128xi32, #tpu.memory_space<vmem>>
    %dma_start3A_254 = tpu.memref_squeeze %dma_start3A_253 : memref<1x128xi32, #tpu.memory_space<vmem>> -> memref<128xi32, #tpu.memory_space<vmem>>
    %dma_start3A_255 = arith.constant 0 : i32
    %dma_start3A_256 = tpu.memref_slice %arg9[%dma_start3A_255] : memref<524288xf32, #tpu.memory_space<vmem_shared>> -> memref<524288xf32, #tpu.memory_space<vmem_shared>>
    tpu.enqueue_indirect_dma source(%dma_start3A_251 : memref<128xf32, #tpu.memory_space<vmem>>) target(%dma_start3A_256 : memref<524288xf32, #tpu.memory_space<vmem_shared>>) offsets(%dma_start3A_254 : memref<128xi32, #tpu.memory_space<vmem>>) semaphore(%arg12 : memref<!tpu.dma_semaphore, #tpu.memory_space<semaphore_mem>>) {add = true}
    %dma_start3A_257 = arith.constant 10 : i32
    %dma_start3A_258 = arith.constant 10 : i32
    %dma_start3A_259 = arith.constant 0 : i32
    %dma_start3A_260 = tpu.memref_slice %arg7[%dma_start3A_257, %dma_start3A_259] : memref<32x128xf32, #tpu.memory_space<vmem>> -> memref<1x128xf32, #tpu.memory_space<vmem>>
    %dma_start3A_261 = tpu.memref_squeeze %dma_start3A_260 : memref<1x128xf32, #tpu.memory_space<vmem>> -> memref<128xf32, #tpu.memory_space<vmem>>
    %dma_start3A_262 = arith.constant 0 : i32
    %dma_start3A_263 = tpu.memref_slice %arg6[%dma_start3A_258, %dma_start3A_262] : memref<32x128xi32, #tpu.memory_space<vmem>> -> memref<1x128xi32, #tpu.memory_space<vmem>>
    %dma_start3A_264 = tpu.memref_squeeze %dma_start3A_263 : memref<1x128xi32, #tpu.memory_space<vmem>> -> memref<128xi32, #tpu.memory_space<vmem>>
    %dma_start3A_265 = arith.constant 0 : i32
    %dma_start3A_266 = tpu.memref_slice %arg9[%dma_start3A_265] : memref<524288xf32, #tpu.memory_space<vmem_shared>> -> memref<524288xf32, #tpu.memory_space<vmem_shared>>
    tpu.enqueue_indirect_dma source(%dma_start3A_261 : memref<128xf32, #tpu.memory_space<vmem>>) target(%dma_start3A_266 : memref<524288xf32, #tpu.memory_space<vmem_shared>>) offsets(%dma_start3A_264 : memref<128xi32, #tpu.memory_space<vmem>>) semaphore(%arg12 : memref<!tpu.dma_semaphore, #tpu.memory_space<semaphore_mem>>) {add = true}
    %dma_start3A_267 = arith.constant 11 : i32
    %dma_start3A_268 = arith.constant 11 : i32
    %dma_start3A_269 = arith.constant 0 : i32
    %dma_start3A_270 = tpu.memref_slice %arg7[%dma_start3A_267, %dma_start3A_269] : memref<32x128xf32, #tpu.memory_space<vmem>> -> memref<1x128xf32, #tpu.memory_space<vmem>>
    %dma_start3A_271 = tpu.memref_squeeze %dma_start3A_270 : memref<1x128xf32, #tpu.memory_space<vmem>> -> memref<128xf32, #tpu.memory_space<vmem>>
    %dma_start3A_272 = arith.constant 0 : i32
    %dma_start3A_273 = tpu.memref_slice %arg6[%dma_start3A_268, %dma_start3A_272] : memref<32x128xi32, #tpu.memory_space<vmem>> -> memref<1x128xi32, #tpu.memory_space<vmem>>
    %dma_start3A_274 = tpu.memref_squeeze %dma_start3A_273 : memref<1x128xi32, #tpu.memory_space<vmem>> -> memref<128xi32, #tpu.memory_space<vmem>>
    %dma_start3A_275 = arith.constant 0 : i32
    %dma_start3A_276 = tpu.memref_slice %arg9[%dma_start3A_275] : memref<524288xf32, #tpu.memory_space<vmem_shared>> -> memref<524288xf32, #tpu.memory_space<vmem_shared>>
    tpu.enqueue_indirect_dma source(%dma_start3A_271 : memref<128xf32, #tpu.memory_space<vmem>>) target(%dma_start3A_276 : memref<524288xf32, #tpu.memory_space<vmem_shared>>) offsets(%dma_start3A_274 : memref<128xi32, #tpu.memory_space<vmem>>) semaphore(%arg12 : memref<!tpu.dma_semaphore, #tpu.memory_space<semaphore_mem>>) {add = true}
    %dma_start3A_277 = arith.constant 12 : i32
    %dma_start3A_278 = arith.constant 12 : i32
    %dma_start3A_279 = arith.constant 0 : i32
    %dma_start3A_280 = tpu.memref_slice %arg7[%dma_start3A_277, %dma_start3A_279] : memref<32x128xf32, #tpu.memory_space<vmem>> -> memref<1x128xf32, #tpu.memory_space<vmem>>
    %dma_start3A_281 = tpu.memref_squeeze %dma_start3A_280 : memref<1x128xf32, #tpu.memory_space<vmem>> -> memref<128xf32, #tpu.memory_space<vmem>>
    %dma_start3A_282 = arith.constant 0 : i32
    %dma_start3A_283 = tpu.memref_slice %arg6[%dma_start3A_278, %dma_start3A_282] : memref<32x128xi32, #tpu.memory_space<vmem>> -> memref<1x128xi32, #tpu.memory_space<vmem>>
    %dma_start3A_284 = tpu.memref_squeeze %dma_start3A_283 : memref<1x128xi32, #tpu.memory_space<vmem>> -> memref<128xi32, #tpu.memory_space<vmem>>
    %dma_start3A_285 = arith.constant 0 : i32
    %dma_start3A_286 = tpu.memref_slice %arg9[%dma_start3A_285] : memref<524288xf32, #tpu.memory_space<vmem_shared>> -> memref<524288xf32, #tpu.memory_space<vmem_shared>>
    tpu.enqueue_indirect_dma source(%dma_start3A_281 : memref<128xf32, #tpu.memory_space<vmem>>) target(%dma_start3A_286 : memref<524288xf32, #tpu.memory_space<vmem_shared>>) offsets(%dma_start3A_284 : memref<128xi32, #tpu.memory_space<vmem>>) semaphore(%arg12 : memref<!tpu.dma_semaphore, #tpu.memory_space<semaphore_mem>>) {add = true}
    %dma_start3A_287 = arith.constant 13 : i32
    %dma_start3A_288 = arith.constant 13 : i32
    %dma_start3A_289 = arith.constant 0 : i32
    %dma_start3A_290 = tpu.memref_slice %arg7[%dma_start3A_287, %dma_start3A_289] : memref<32x128xf32, #tpu.memory_space<vmem>> -> memref<1x128xf32, #tpu.memory_space<vmem>>
    %dma_start3A_291 = tpu.memref_squeeze %dma_start3A_290 : memref<1x128xf32, #tpu.memory_space<vmem>> -> memref<128xf32, #tpu.memory_space<vmem>>
    %dma_start3A_292 = arith.constant 0 : i32
    %dma_start3A_293 = tpu.memref_slice %arg6[%dma_start3A_288, %dma_start3A_292] : memref<32x128xi32, #tpu.memory_space<vmem>> -> memref<1x128xi32, #tpu.memory_space<vmem>>
    %dma_start3A_294 = tpu.memref_squeeze %dma_start3A_293 : memref<1x128xi32, #tpu.memory_space<vmem>> -> memref<128xi32, #tpu.memory_space<vmem>>
    %dma_start3A_295 = arith.constant 0 : i32
    %dma_start3A_296 = tpu.memref_slice %arg9[%dma_start3A_295] : memref<524288xf32, #tpu.memory_space<vmem_shared>> -> memref<524288xf32, #tpu.memory_space<vmem_shared>>
    tpu.enqueue_indirect_dma source(%dma_start3A_291 : memref<128xf32, #tpu.memory_space<vmem>>) target(%dma_start3A_296 : memref<524288xf32, #tpu.memory_space<vmem_shared>>) offsets(%dma_start3A_294 : memref<128xi32, #tpu.memory_space<vmem>>) semaphore(%arg12 : memref<!tpu.dma_semaphore, #tpu.memory_space<semaphore_mem>>) {add = true}
    %dma_start3A_297 = arith.constant 14 : i32
    %dma_start3A_298 = arith.constant 14 : i32
    %dma_start3A_299 = arith.constant 0 : i32
    %dma_start3A_300 = tpu.memref_slice %arg7[%dma_start3A_297, %dma_start3A_299] : memref<32x128xf32, #tpu.memory_space<vmem>> -> memref<1x128xf32, #tpu.memory_space<vmem>>
    %dma_start3A_301 = tpu.memref_squeeze %dma_start3A_300 : memref<1x128xf32, #tpu.memory_space<vmem>> -> memref<128xf32, #tpu.memory_space<vmem>>
    %dma_start3A_302 = arith.constant 0 : i32
    %dma_start3A_303 = tpu.memref_slice %arg6[%dma_start3A_298, %dma_start3A_302] : memref<32x128xi32, #tpu.memory_space<vmem>> -> memref<1x128xi32, #tpu.memory_space<vmem>>
    %dma_start3A_304 = tpu.memref_squeeze %dma_start3A_303 : memref<1x128xi32, #tpu.memory_space<vmem>> -> memref<128xi32, #tpu.memory_space<vmem>>
    %dma_start3A_305 = arith.constant 0 : i32
    %dma_start3A_306 = tpu.memref_slice %arg9[%dma_start3A_305] : memref<524288xf32, #tpu.memory_space<vmem_shared>> -> memref<524288xf32, #tpu.memory_space<vmem_shared>>
    tpu.enqueue_indirect_dma source(%dma_start3A_301 : memref<128xf32, #tpu.memory_space<vmem>>) target(%dma_start3A_306 : memref<524288xf32, #tpu.memory_space<vmem_shared>>) offsets(%dma_start3A_304 : memref<128xi32, #tpu.memory_space<vmem>>) semaphore(%arg12 : memref<!tpu.dma_semaphore, #tpu.memory_space<semaphore_mem>>) {add = true}
    %dma_start3A_307 = arith.constant 15 : i32
    %dma_start3A_308 = arith.constant 15 : i32
    %dma_start3A_309 = arith.constant 0 : i32
    %dma_start3A_310 = tpu.memref_slice %arg7[%dma_start3A_307, %dma_start3A_309] : memref<32x128xf32, #tpu.memory_space<vmem>> -> memref<1x128xf32, #tpu.memory_space<vmem>>
    %dma_start3A_311 = tpu.memref_squeeze %dma_start3A_310 : memref<1x128xf32, #tpu.memory_space<vmem>> -> memref<128xf32, #tpu.memory_space<vmem>>
    %dma_start3A_312 = arith.constant 0 : i32
    %dma_start3A_313 = tpu.memref_slice %arg6[%dma_start3A_308, %dma_start3A_312] : memref<32x128xi32, #tpu.memory_space<vmem>> -> memref<1x128xi32, #tpu.memory_space<vmem>>
    %dma_start3A_314 = tpu.memref_squeeze %dma_start3A_313 : memref<1x128xi32, #tpu.memory_space<vmem>> -> memref<128xi32, #tpu.memory_space<vmem>>
    %dma_start3A_315 = arith.constant 0 : i32
    %dma_start3A_316 = tpu.memref_slice %arg9[%dma_start3A_315] : memref<524288xf32, #tpu.memory_space<vmem_shared>> -> memref<524288xf32, #tpu.memory_space<vmem_shared>>
    tpu.enqueue_indirect_dma source(%dma_start3A_311 : memref<128xf32, #tpu.memory_space<vmem>>) target(%dma_start3A_316 : memref<524288xf32, #tpu.memory_space<vmem_shared>>) offsets(%dma_start3A_314 : memref<128xi32, #tpu.memory_space<vmem>>) semaphore(%arg12 : memref<!tpu.dma_semaphore, #tpu.memory_space<semaphore_mem>>) {add = true}
    %dma_wait3A_317 = arith.constant 0 : i32
    %dma_wait3A_318 = arith.constant 0 : i32
    %dma_wait3A_319 = arith.constant 0 : i32
    %dma_wait3A_320 = tpu.memref_slice %arg7[%dma_wait3A_317, %dma_wait3A_319] : memref<32x128xf32, #tpu.memory_space<vmem>> -> memref<1x128xf32, #tpu.memory_space<vmem>>
    %dma_wait3A_321 = tpu.memref_squeeze %dma_wait3A_320 : memref<1x128xf32, #tpu.memory_space<vmem>> -> memref<128xf32, #tpu.memory_space<vmem>>
    %dma_wait3A_322 = arith.constant 0 : i32
    %dma_wait3A_323 = tpu.memref_slice %arg6[%dma_wait3A_318, %dma_wait3A_322] : memref<32x128xi32, #tpu.memory_space<vmem>> -> memref<1x128xi32, #tpu.memory_space<vmem>>
    %dma_wait3A_324 = tpu.memref_squeeze %dma_wait3A_323 : memref<1x128xi32, #tpu.memory_space<vmem>> -> memref<128xi32, #tpu.memory_space<vmem>>
    %dma_wait3A_325 = arith.constant 0 : i32
    %dma_wait3A_326 = tpu.memref_slice %arg9[%dma_wait3A_325] : memref<524288xf32, #tpu.memory_space<vmem_shared>> -> memref<524288xf32, #tpu.memory_space<vmem_shared>>
    tpu.wait_indirect_dma semaphore(%arg12 : memref<!tpu.dma_semaphore, #tpu.memory_space<semaphore_mem>>) src(%dma_wait3A_321 : memref<128xf32, #tpu.memory_space<vmem>>) dst(%dma_wait3A_326 : memref<524288xf32, #tpu.memory_space<vmem_shared>>)
    %dma_wait3A_327 = arith.constant 1 : i32
    %dma_wait3A_328 = arith.constant 1 : i32
    %dma_wait3A_329 = arith.constant 0 : i32
    %dma_wait3A_330 = tpu.memref_slice %arg7[%dma_wait3A_327, %dma_wait3A_329] : memref<32x128xf32, #tpu.memory_space<vmem>> -> memref<1x128xf32, #tpu.memory_space<vmem>>
    %dma_wait3A_331 = tpu.memref_squeeze %dma_wait3A_330 : memref<1x128xf32, #tpu.memory_space<vmem>> -> memref<128xf32, #tpu.memory_space<vmem>>
    %dma_wait3A_332 = arith.constant 0 : i32
    %dma_wait3A_333 = tpu.memref_slice %arg6[%dma_wait3A_328, %dma_wait3A_332] : memref<32x128xi32, #tpu.memory_space<vmem>> -> memref<1x128xi32, #tpu.memory_space<vmem>>
    %dma_wait3A_334 = tpu.memref_squeeze %dma_wait3A_333 : memref<1x128xi32, #tpu.memory_space<vmem>> -> memref<128xi32, #tpu.memory_space<vmem>>
    %dma_wait3A_335 = arith.constant 0 : i32
    %dma_wait3A_336 = tpu.memref_slice %arg9[%dma_wait3A_335] : memref<524288xf32, #tpu.memory_space<vmem_shared>> -> memref<524288xf32, #tpu.memory_space<vmem_shared>>
    tpu.wait_indirect_dma semaphore(%arg12 : memref<!tpu.dma_semaphore, #tpu.memory_space<semaphore_mem>>) src(%dma_wait3A_331 : memref<128xf32, #tpu.memory_space<vmem>>) dst(%dma_wait3A_336 : memref<524288xf32, #tpu.memory_space<vmem_shared>>)
    %dma_wait3A_337 = arith.constant 2 : i32
    %dma_wait3A_338 = arith.constant 2 : i32
    %dma_wait3A_339 = arith.constant 0 : i32
    %dma_wait3A_340 = tpu.memref_slice %arg7[%dma_wait3A_337, %dma_wait3A_339] : memref<32x128xf32, #tpu.memory_space<vmem>> -> memref<1x128xf32, #tpu.memory_space<vmem>>
    %dma_wait3A_341 = tpu.memref_squeeze %dma_wait3A_340 : memref<1x128xf32, #tpu.memory_space<vmem>> -> memref<128xf32, #tpu.memory_space<vmem>>
    %dma_wait3A_342 = arith.constant 0 : i32
    %dma_wait3A_343 = tpu.memref_slice %arg6[%dma_wait3A_338, %dma_wait3A_342] : memref<32x128xi32, #tpu.memory_space<vmem>> -> memref<1x128xi32, #tpu.memory_space<vmem>>
    %dma_wait3A_344 = tpu.memref_squeeze %dma_wait3A_343 : memref<1x128xi32, #tpu.memory_space<vmem>> -> memref<128xi32, #tpu.memory_space<vmem>>
    %dma_wait3A_345 = arith.constant 0 : i32
    %dma_wait3A_346 = tpu.memref_slice %arg9[%dma_wait3A_345] : memref<524288xf32, #tpu.memory_space<vmem_shared>> -> memref<524288xf32, #tpu.memory_space<vmem_shared>>
    tpu.wait_indirect_dma semaphore(%arg12 : memref<!tpu.dma_semaphore, #tpu.memory_space<semaphore_mem>>) src(%dma_wait3A_341 : memref<128xf32, #tpu.memory_space<vmem>>) dst(%dma_wait3A_346 : memref<524288xf32, #tpu.memory_space<vmem_shared>>)
    %dma_wait3A_347 = arith.constant 3 : i32
    %dma_wait3A_348 = arith.constant 3 : i32
    %dma_wait3A_349 = arith.constant 0 : i32
    %dma_wait3A_350 = tpu.memref_slice %arg7[%dma_wait3A_347, %dma_wait3A_349] : memref<32x128xf32, #tpu.memory_space<vmem>> -> memref<1x128xf32, #tpu.memory_space<vmem>>
    %dma_wait3A_351 = tpu.memref_squeeze %dma_wait3A_350 : memref<1x128xf32, #tpu.memory_space<vmem>> -> memref<128xf32, #tpu.memory_space<vmem>>
    %dma_wait3A_352 = arith.constant 0 : i32
    %dma_wait3A_353 = tpu.memref_slice %arg6[%dma_wait3A_348, %dma_wait3A_352] : memref<32x128xi32, #tpu.memory_space<vmem>> -> memref<1x128xi32, #tpu.memory_space<vmem>>
    %dma_wait3A_354 = tpu.memref_squeeze %dma_wait3A_353 : memref<1x128xi32, #tpu.memory_space<vmem>> -> memref<128xi32, #tpu.memory_space<vmem>>
    %dma_wait3A_355 = arith.constant 0 : i32
    %dma_wait3A_356 = tpu.memref_slice %arg9[%dma_wait3A_355] : memref<524288xf32, #tpu.memory_space<vmem_shared>> -> memref<524288xf32, #tpu.memory_space<vmem_shared>>
    tpu.wait_indirect_dma semaphore(%arg12 : memref<!tpu.dma_semaphore, #tpu.memory_space<semaphore_mem>>) src(%dma_wait3A_351 : memref<128xf32, #tpu.memory_space<vmem>>) dst(%dma_wait3A_356 : memref<524288xf32, #tpu.memory_space<vmem_shared>>)
    %dma_wait3A_357 = arith.constant 4 : i32
    %dma_wait3A_358 = arith.constant 4 : i32
    %dma_wait3A_359 = arith.constant 0 : i32
    %dma_wait3A_360 = tpu.memref_slice %arg7[%dma_wait3A_357, %dma_wait3A_359] : memref<32x128xf32, #tpu.memory_space<vmem>> -> memref<1x128xf32, #tpu.memory_space<vmem>>
    %dma_wait3A_361 = tpu.memref_squeeze %dma_wait3A_360 : memref<1x128xf32, #tpu.memory_space<vmem>> -> memref<128xf32, #tpu.memory_space<vmem>>
    %dma_wait3A_362 = arith.constant 0 : i32
    %dma_wait3A_363 = tpu.memref_slice %arg6[%dma_wait3A_358, %dma_wait3A_362] : memref<32x128xi32, #tpu.memory_space<vmem>> -> memref<1x128xi32, #tpu.memory_space<vmem>>
    %dma_wait3A_364 = tpu.memref_squeeze %dma_wait3A_363 : memref<1x128xi32, #tpu.memory_space<vmem>> -> memref<128xi32, #tpu.memory_space<vmem>>
    %dma_wait3A_365 = arith.constant 0 : i32
    %dma_wait3A_366 = tpu.memref_slice %arg9[%dma_wait3A_365] : memref<524288xf32, #tpu.memory_space<vmem_shared>> -> memref<524288xf32, #tpu.memory_space<vmem_shared>>
    tpu.wait_indirect_dma semaphore(%arg12 : memref<!tpu.dma_semaphore, #tpu.memory_space<semaphore_mem>>) src(%dma_wait3A_361 : memref<128xf32, #tpu.memory_space<vmem>>) dst(%dma_wait3A_366 : memref<524288xf32, #tpu.memory_space<vmem_shared>>)
    %dma_wait3A_367 = arith.constant 5 : i32
    %dma_wait3A_368 = arith.constant 5 : i32
    %dma_wait3A_369 = arith.constant 0 : i32
    %dma_wait3A_370 = tpu.memref_slice %arg7[%dma_wait3A_367, %dma_wait3A_369] : memref<32x128xf32, #tpu.memory_space<vmem>> -> memref<1x128xf32, #tpu.memory_space<vmem>>
    %dma_wait3A_371 = tpu.memref_squeeze %dma_wait3A_370 : memref<1x128xf32, #tpu.memory_space<vmem>> -> memref<128xf32, #tpu.memory_space<vmem>>
    %dma_wait3A_372 = arith.constant 0 : i32
    %dma_wait3A_373 = tpu.memref_slice %arg6[%dma_wait3A_368, %dma_wait3A_372] : memref<32x128xi32, #tpu.memory_space<vmem>> -> memref<1x128xi32, #tpu.memory_space<vmem>>
    %dma_wait3A_374 = tpu.memref_squeeze %dma_wait3A_373 : memref<1x128xi32, #tpu.memory_space<vmem>> -> memref<128xi32, #tpu.memory_space<vmem>>
    %dma_wait3A_375 = arith.constant 0 : i32
    %dma_wait3A_376 = tpu.memref_slice %arg9[%dma_wait3A_375] : memref<524288xf32, #tpu.memory_space<vmem_shared>> -> memref<524288xf32, #tpu.memory_space<vmem_shared>>
    tpu.wait_indirect_dma semaphore(%arg12 : memref<!tpu.dma_semaphore, #tpu.memory_space<semaphore_mem>>) src(%dma_wait3A_371 : memref<128xf32, #tpu.memory_space<vmem>>) dst(%dma_wait3A_376 : memref<524288xf32, #tpu.memory_space<vmem_shared>>)
    %dma_wait3A_377 = arith.constant 6 : i32
    %dma_wait3A_378 = arith.constant 6 : i32
    %dma_wait3A_379 = arith.constant 0 : i32
    %dma_wait3A_380 = tpu.memref_slice %arg7[%dma_wait3A_377, %dma_wait3A_379] : memref<32x128xf32, #tpu.memory_space<vmem>> -> memref<1x128xf32, #tpu.memory_space<vmem>>
    %dma_wait3A_381 = tpu.memref_squeeze %dma_wait3A_380 : memref<1x128xf32, #tpu.memory_space<vmem>> -> memref<128xf32, #tpu.memory_space<vmem>>
    %dma_wait3A_382 = arith.constant 0 : i32
    %dma_wait3A_383 = tpu.memref_slice %arg6[%dma_wait3A_378, %dma_wait3A_382] : memref<32x128xi32, #tpu.memory_space<vmem>> -> memref<1x128xi32, #tpu.memory_space<vmem>>
    %dma_wait3A_384 = tpu.memref_squeeze %dma_wait3A_383 : memref<1x128xi32, #tpu.memory_space<vmem>> -> memref<128xi32, #tpu.memory_space<vmem>>
    %dma_wait3A_385 = arith.constant 0 : i32
    %dma_wait3A_386 = tpu.memref_slice %arg9[%dma_wait3A_385] : memref<524288xf32, #tpu.memory_space<vmem_shared>> -> memref<524288xf32, #tpu.memory_space<vmem_shared>>
    tpu.wait_indirect_dma semaphore(%arg12 : memref<!tpu.dma_semaphore, #tpu.memory_space<semaphore_mem>>) src(%dma_wait3A_381 : memref<128xf32, #tpu.memory_space<vmem>>) dst(%dma_wait3A_386 : memref<524288xf32, #tpu.memory_space<vmem_shared>>)
    %dma_wait3A_387 = arith.constant 7 : i32
    %dma_wait3A_388 = arith.constant 7 : i32
    %dma_wait3A_389 = arith.constant 0 : i32
    %dma_wait3A_390 = tpu.memref_slice %arg7[%dma_wait3A_387, %dma_wait3A_389] : memref<32x128xf32, #tpu.memory_space<vmem>> -> memref<1x128xf32, #tpu.memory_space<vmem>>
    %dma_wait3A_391 = tpu.memref_squeeze %dma_wait3A_390 : memref<1x128xf32, #tpu.memory_space<vmem>> -> memref<128xf32, #tpu.memory_space<vmem>>
    %dma_wait3A_392 = arith.constant 0 : i32
    %dma_wait3A_393 = tpu.memref_slice %arg6[%dma_wait3A_388, %dma_wait3A_392] : memref<32x128xi32, #tpu.memory_space<vmem>> -> memref<1x128xi32, #tpu.memory_space<vmem>>
    %dma_wait3A_394 = tpu.memref_squeeze %dma_wait3A_393 : memref<1x128xi32, #tpu.memory_space<vmem>> -> memref<128xi32, #tpu.memory_space<vmem>>
    %dma_wait3A_395 = arith.constant 0 : i32
    %dma_wait3A_396 = tpu.memref_slice %arg9[%dma_wait3A_395] : memref<524288xf32, #tpu.memory_space<vmem_shared>> -> memref<524288xf32, #tpu.memory_space<vmem_shared>>
    tpu.wait_indirect_dma semaphore(%arg12 : memref<!tpu.dma_semaphore, #tpu.memory_space<semaphore_mem>>) src(%dma_wait3A_391 : memref<128xf32, #tpu.memory_space<vmem>>) dst(%dma_wait3A_396 : memref<524288xf32, #tpu.memory_space<vmem_shared>>)
    %dma_wait3A_397 = arith.constant 8 : i32
    %dma_wait3A_398 = arith.constant 8 : i32
    %dma_wait3A_399 = arith.constant 0 : i32
    %dma_wait3A_400 = tpu.memref_slice %arg7[%dma_wait3A_397, %dma_wait3A_399] : memref<32x128xf32, #tpu.memory_space<vmem>> -> memref<1x128xf32, #tpu.memory_space<vmem>>
    %dma_wait3A_401 = tpu.memref_squeeze %dma_wait3A_400 : memref<1x128xf32, #tpu.memory_space<vmem>> -> memref<128xf32, #tpu.memory_space<vmem>>
    %dma_wait3A_402 = arith.constant 0 : i32
    %dma_wait3A_403 = tpu.memref_slice %arg6[%dma_wait3A_398, %dma_wait3A_402] : memref<32x128xi32, #tpu.memory_space<vmem>> -> memref<1x128xi32, #tpu.memory_space<vmem>>
    %dma_wait3A_404 = tpu.memref_squeeze %dma_wait3A_403 : memref<1x128xi32, #tpu.memory_space<vmem>> -> memref<128xi32, #tpu.memory_space<vmem>>
    %dma_wait3A_405 = arith.constant 0 : i32
    %dma_wait3A_406 = tpu.memref_slice %arg9[%dma_wait3A_405] : memref<524288xf32, #tpu.memory_space<vmem_shared>> -> memref<524288xf32, #tpu.memory_space<vmem_shared>>
    tpu.wait_indirect_dma semaphore(%arg12 : memref<!tpu.dma_semaphore, #tpu.memory_space<semaphore_mem>>) src(%dma_wait3A_401 : memref<128xf32, #tpu.memory_space<vmem>>) dst(%dma_wait3A_406 : memref<524288xf32, #tpu.memory_space<vmem_shared>>)
    %dma_wait3A_407 = arith.constant 9 : i32
    %dma_wait3A_408 = arith.constant 9 : i32
    %dma_wait3A_409 = arith.constant 0 : i32
    %dma_wait3A_410 = tpu.memref_slice %arg7[%dma_wait3A_407, %dma_wait3A_409] : memref<32x128xf32, #tpu.memory_space<vmem>> -> memref<1x128xf32, #tpu.memory_space<vmem>>
    %dma_wait3A_411 = tpu.memref_squeeze %dma_wait3A_410 : memref<1x128xf32, #tpu.memory_space<vmem>> -> memref<128xf32, #tpu.memory_space<vmem>>
    %dma_wait3A_412 = arith.constant 0 : i32
    %dma_wait3A_413 = tpu.memref_slice %arg6[%dma_wait3A_408, %dma_wait3A_412] : memref<32x128xi32, #tpu.memory_space<vmem>> -> memref<1x128xi32, #tpu.memory_space<vmem>>
    %dma_wait3A_414 = tpu.memref_squeeze %dma_wait3A_413 : memref<1x128xi32, #tpu.memory_space<vmem>> -> memref<128xi32, #tpu.memory_space<vmem>>
    %dma_wait3A_415 = arith.constant 0 : i32
    %dma_wait3A_416 = tpu.memref_slice %arg9[%dma_wait3A_415] : memref<524288xf32, #tpu.memory_space<vmem_shared>> -> memref<524288xf32, #tpu.memory_space<vmem_shared>>
    tpu.wait_indirect_dma semaphore(%arg12 : memref<!tpu.dma_semaphore, #tpu.memory_space<semaphore_mem>>) src(%dma_wait3A_411 : memref<128xf32, #tpu.memory_space<vmem>>) dst(%dma_wait3A_416 : memref<524288xf32, #tpu.memory_space<vmem_shared>>)
    %dma_wait3A_417 = arith.constant 10 : i32
    %dma_wait3A_418 = arith.constant 10 : i32
    %dma_wait3A_419 = arith.constant 0 : i32
    %dma_wait3A_420 = tpu.memref_slice %arg7[%dma_wait3A_417, %dma_wait3A_419] : memref<32x128xf32, #tpu.memory_space<vmem>> -> memref<1x128xf32, #tpu.memory_space<vmem>>
    %dma_wait3A_421 = tpu.memref_squeeze %dma_wait3A_420 : memref<1x128xf32, #tpu.memory_space<vmem>> -> memref<128xf32, #tpu.memory_space<vmem>>
    %dma_wait3A_422 = arith.constant 0 : i32
    %dma_wait3A_423 = tpu.memref_slice %arg6[%dma_wait3A_418, %dma_wait3A_422] : memref<32x128xi32, #tpu.memory_space<vmem>> -> memref<1x128xi32, #tpu.memory_space<vmem>>
    %dma_wait3A_424 = tpu.memref_squeeze %dma_wait3A_423 : memref<1x128xi32, #tpu.memory_space<vmem>> -> memref<128xi32, #tpu.memory_space<vmem>>
    %dma_wait3A_425 = arith.constant 0 : i32
    %dma_wait3A_426 = tpu.memref_slice %arg9[%dma_wait3A_425] : memref<524288xf32, #tpu.memory_space<vmem_shared>> -> memref<524288xf32, #tpu.memory_space<vmem_shared>>
    tpu.wait_indirect_dma semaphore(%arg12 : memref<!tpu.dma_semaphore, #tpu.memory_space<semaphore_mem>>) src(%dma_wait3A_421 : memref<128xf32, #tpu.memory_space<vmem>>) dst(%dma_wait3A_426 : memref<524288xf32, #tpu.memory_space<vmem_shared>>)
    %dma_wait3A_427 = arith.constant 11 : i32
    %dma_wait3A_428 = arith.constant 11 : i32
    %dma_wait3A_429 = arith.constant 0 : i32
    %dma_wait3A_430 = tpu.memref_slice %arg7[%dma_wait3A_427, %dma_wait3A_429] : memref<32x128xf32, #tpu.memory_space<vmem>> -> memref<1x128xf32, #tpu.memory_space<vmem>>
    %dma_wait3A_431 = tpu.memref_squeeze %dma_wait3A_430 : memref<1x128xf32, #tpu.memory_space<vmem>> -> memref<128xf32, #tpu.memory_space<vmem>>
    %dma_wait3A_432 = arith.constant 0 : i32
    %dma_wait3A_433 = tpu.memref_slice %arg6[%dma_wait3A_428, %dma_wait3A_432] : memref<32x128xi32, #tpu.memory_space<vmem>> -> memref<1x128xi32, #tpu.memory_space<vmem>>
    %dma_wait3A_434 = tpu.memref_squeeze %dma_wait3A_433 : memref<1x128xi32, #tpu.memory_space<vmem>> -> memref<128xi32, #tpu.memory_space<vmem>>
    %dma_wait3A_435 = arith.constant 0 : i32
    %dma_wait3A_436 = tpu.memref_slice %arg9[%dma_wait3A_435] : memref<524288xf32, #tpu.memory_space<vmem_shared>> -> memref<524288xf32, #tpu.memory_space<vmem_shared>>
    tpu.wait_indirect_dma semaphore(%arg12 : memref<!tpu.dma_semaphore, #tpu.memory_space<semaphore_mem>>) src(%dma_wait3A_431 : memref<128xf32, #tpu.memory_space<vmem>>) dst(%dma_wait3A_436 : memref<524288xf32, #tpu.memory_space<vmem_shared>>)
    %dma_wait3A_437 = arith.constant 12 : i32
    %dma_wait3A_438 = arith.constant 12 : i32
    %dma_wait3A_439 = arith.constant 0 : i32
    %dma_wait3A_440 = tpu.memref_slice %arg7[%dma_wait3A_437, %dma_wait3A_439] : memref<32x128xf32, #tpu.memory_space<vmem>> -> memref<1x128xf32, #tpu.memory_space<vmem>>
    %dma_wait3A_441 = tpu.memref_squeeze %dma_wait3A_440 : memref<1x128xf32, #tpu.memory_space<vmem>> -> memref<128xf32, #tpu.memory_space<vmem>>
    %dma_wait3A_442 = arith.constant 0 : i32
    %dma_wait3A_443 = tpu.memref_slice %arg6[%dma_wait3A_438, %dma_wait3A_442] : memref<32x128xi32, #tpu.memory_space<vmem>> -> memref<1x128xi32, #tpu.memory_space<vmem>>
    %dma_wait3A_444 = tpu.memref_squeeze %dma_wait3A_443 : memref<1x128xi32, #tpu.memory_space<vmem>> -> memref<128xi32, #tpu.memory_space<vmem>>
    %dma_wait3A_445 = arith.constant 0 : i32
    %dma_wait3A_446 = tpu.memref_slice %arg9[%dma_wait3A_445] : memref<524288xf32, #tpu.memory_space<vmem_shared>> -> memref<524288xf32, #tpu.memory_space<vmem_shared>>
    tpu.wait_indirect_dma semaphore(%arg12 : memref<!tpu.dma_semaphore, #tpu.memory_space<semaphore_mem>>) src(%dma_wait3A_441 : memref<128xf32, #tpu.memory_space<vmem>>) dst(%dma_wait3A_446 : memref<524288xf32, #tpu.memory_space<vmem_shared>>)
    %dma_wait3A_447 = arith.constant 13 : i32
    %dma_wait3A_448 = arith.constant 13 : i32
    %dma_wait3A_449 = arith.constant 0 : i32
    %dma_wait3A_450 = tpu.memref_slice %arg7[%dma_wait3A_447, %dma_wait3A_449] : memref<32x128xf32, #tpu.memory_space<vmem>> -> memref<1x128xf32, #tpu.memory_space<vmem>>
    %dma_wait3A_451 = tpu.memref_squeeze %dma_wait3A_450 : memref<1x128xf32, #tpu.memory_space<vmem>> -> memref<128xf32, #tpu.memory_space<vmem>>
    %dma_wait3A_452 = arith.constant 0 : i32
    %dma_wait3A_453 = tpu.memref_slice %arg6[%dma_wait3A_448, %dma_wait3A_452] : memref<32x128xi32, #tpu.memory_space<vmem>> -> memref<1x128xi32, #tpu.memory_space<vmem>>
    %dma_wait3A_454 = tpu.memref_squeeze %dma_wait3A_453 : memref<1x128xi32, #tpu.memory_space<vmem>> -> memref<128xi32, #tpu.memory_space<vmem>>
    %dma_wait3A_455 = arith.constant 0 : i32
    %dma_wait3A_456 = tpu.memref_slice %arg9[%dma_wait3A_455] : memref<524288xf32, #tpu.memory_space<vmem_shared>> -> memref<524288xf32, #tpu.memory_space<vmem_shared>>
    tpu.wait_indirect_dma semaphore(%arg12 : memref<!tpu.dma_semaphore, #tpu.memory_space<semaphore_mem>>) src(%dma_wait3A_451 : memref<128xf32, #tpu.memory_space<vmem>>) dst(%dma_wait3A_456 : memref<524288xf32, #tpu.memory_space<vmem_shared>>)
    %dma_wait3A_457 = arith.constant 14 : i32
    %dma_wait3A_458 = arith.constant 14 : i32
    %dma_wait3A_459 = arith.constant 0 : i32
    %dma_wait3A_460 = tpu.memref_slice %arg7[%dma_wait3A_457, %dma_wait3A_459] : memref<32x128xf32, #tpu.memory_space<vmem>> -> memref<1x128xf32, #tpu.memory_space<vmem>>
    %dma_wait3A_461 = tpu.memref_squeeze %dma_wait3A_460 : memref<1x128xf32, #tpu.memory_space<vmem>> -> memref<128xf32, #tpu.memory_space<vmem>>
    %dma_wait3A_462 = arith.constant 0 : i32
    %dma_wait3A_463 = tpu.memref_slice %arg6[%dma_wait3A_458, %dma_wait3A_462] : memref<32x128xi32, #tpu.memory_space<vmem>> -> memref<1x128xi32, #tpu.memory_space<vmem>>
    %dma_wait3A_464 = tpu.memref_squeeze %dma_wait3A_463 : memref<1x128xi32, #tpu.memory_space<vmem>> -> memref<128xi32, #tpu.memory_space<vmem>>
    %dma_wait3A_465 = arith.constant 0 : i32
    %dma_wait3A_466 = tpu.memref_slice %arg9[%dma_wait3A_465] : memref<524288xf32, #tpu.memory_space<vmem_shared>> -> memref<524288xf32, #tpu.memory_space<vmem_shared>>
    tpu.wait_indirect_dma semaphore(%arg12 : memref<!tpu.dma_semaphore, #tpu.memory_space<semaphore_mem>>) src(%dma_wait3A_461 : memref<128xf32, #tpu.memory_space<vmem>>) dst(%dma_wait3A_466 : memref<524288xf32, #tpu.memory_space<vmem_shared>>)
    %dma_wait3A_467 = arith.constant 15 : i32
    %dma_wait3A_468 = arith.constant 15 : i32
    %dma_wait3A_469 = arith.constant 0 : i32
    %dma_wait3A_470 = tpu.memref_slice %arg7[%dma_wait3A_467, %dma_wait3A_469] : memref<32x128xf32, #tpu.memory_space<vmem>> -> memref<1x128xf32, #tpu.memory_space<vmem>>
    %dma_wait3A_471 = tpu.memref_squeeze %dma_wait3A_470 : memref<1x128xf32, #tpu.memory_space<vmem>> -> memref<128xf32, #tpu.memory_space<vmem>>
    %dma_wait3A_472 = arith.constant 0 : i32
    %dma_wait3A_473 = tpu.memref_slice %arg6[%dma_wait3A_468, %dma_wait3A_472] : memref<32x128xi32, #tpu.memory_space<vmem>> -> memref<1x128xi32, #tpu.memory_space<vmem>>
    %dma_wait3A_474 = tpu.memref_squeeze %dma_wait3A_473 : memref<1x128xi32, #tpu.memory_space<vmem>> -> memref<128xi32, #tpu.memory_space<vmem>>
    %dma_wait3A_475 = arith.constant 0 : i32
    %dma_wait3A_476 = tpu.memref_slice %arg9[%dma_wait3A_475] : memref<524288xf32, #tpu.memory_space<vmem_shared>> -> memref<524288xf32, #tpu.memory_space<vmem_shared>>
    tpu.wait_indirect_dma semaphore(%arg12 : memref<!tpu.dma_semaphore, #tpu.memory_space<semaphore_mem>>) src(%dma_wait3A_471 : memref<128xf32, #tpu.memory_space<vmem>>) dst(%dma_wait3A_476 : memref<524288xf32, #tpu.memory_space<vmem_shared>>)
    %dma_start3A_477 = arith.constant 16 : i32
    %dma_start3A_478 = arith.constant 16 : i32
    %dma_start3A_479 = arith.constant 0 : i32
    %dma_start3A_480 = tpu.memref_slice %arg7[%dma_start3A_477, %dma_start3A_479] : memref<32x128xf32, #tpu.memory_space<vmem>> -> memref<1x128xf32, #tpu.memory_space<vmem>>
    %dma_start3A_481 = tpu.memref_squeeze %dma_start3A_480 : memref<1x128xf32, #tpu.memory_space<vmem>> -> memref<128xf32, #tpu.memory_space<vmem>>
    %dma_start3A_482 = arith.constant 0 : i32
    %dma_start3A_483 = tpu.memref_slice %arg6[%dma_start3A_478, %dma_start3A_482] : memref<32x128xi32, #tpu.memory_space<vmem>> -> memref<1x128xi32, #tpu.memory_space<vmem>>
    %dma_start3A_484 = tpu.memref_squeeze %dma_start3A_483 : memref<1x128xi32, #tpu.memory_space<vmem>> -> memref<128xi32, #tpu.memory_space<vmem>>
    %dma_start3A_485 = arith.constant 0 : i32
    %dma_start3A_486 = tpu.memref_slice %arg9[%dma_start3A_485] : memref<524288xf32, #tpu.memory_space<vmem_shared>> -> memref<524288xf32, #tpu.memory_space<vmem_shared>>
    tpu.enqueue_indirect_dma source(%dma_start3A_481 : memref<128xf32, #tpu.memory_space<vmem>>) target(%dma_start3A_486 : memref<524288xf32, #tpu.memory_space<vmem_shared>>) offsets(%dma_start3A_484 : memref<128xi32, #tpu.memory_space<vmem>>) semaphore(%arg12 : memref<!tpu.dma_semaphore, #tpu.memory_space<semaphore_mem>>) {add = true}
    %dma_start3A_487 = arith.constant 17 : i32
    %dma_start3A_488 = arith.constant 17 : i32
    %dma_start3A_489 = arith.constant 0 : i32
    %dma_start3A_490 = tpu.memref_slice %arg7[%dma_start3A_487, %dma_start3A_489] : memref<32x128xf32, #tpu.memory_space<vmem>> -> memref<1x128xf32, #tpu.memory_space<vmem>>
    %dma_start3A_491 = tpu.memref_squeeze %dma_start3A_490 : memref<1x128xf32, #tpu.memory_space<vmem>> -> memref<128xf32, #tpu.memory_space<vmem>>
    %dma_start3A_492 = arith.constant 0 : i32
    %dma_start3A_493 = tpu.memref_slice %arg6[%dma_start3A_488, %dma_start3A_492] : memref<32x128xi32, #tpu.memory_space<vmem>> -> memref<1x128xi32, #tpu.memory_space<vmem>>
    %dma_start3A_494 = tpu.memref_squeeze %dma_start3A_493 : memref<1x128xi32, #tpu.memory_space<vmem>> -> memref<128xi32, #tpu.memory_space<vmem>>
    %dma_start3A_495 = arith.constant 0 : i32
    %dma_start3A_496 = tpu.memref_slice %arg9[%dma_start3A_495] : memref<524288xf32, #tpu.memory_space<vmem_shared>> -> memref<524288xf32, #tpu.memory_space<vmem_shared>>
    tpu.enqueue_indirect_dma source(%dma_start3A_491 : memref<128xf32, #tpu.memory_space<vmem>>) target(%dma_start3A_496 : memref<524288xf32, #tpu.memory_space<vmem_shared>>) offsets(%dma_start3A_494 : memref<128xi32, #tpu.memory_space<vmem>>) semaphore(%arg12 : memref<!tpu.dma_semaphore, #tpu.memory_space<semaphore_mem>>) {add = true}
    %dma_start3A_497 = arith.constant 18 : i32
    %dma_start3A_498 = arith.constant 18 : i32
    %dma_start3A_499 = arith.constant 0 : i32
    %dma_start3A_500 = tpu.memref_slice %arg7[%dma_start3A_497, %dma_start3A_499] : memref<32x128xf32, #tpu.memory_space<vmem>> -> memref<1x128xf32, #tpu.memory_space<vmem>>
    %dma_start3A_501 = tpu.memref_squeeze %dma_start3A_500 : memref<1x128xf32, #tpu.memory_space<vmem>> -> memref<128xf32, #tpu.memory_space<vmem>>
    %dma_start3A_502 = arith.constant 0 : i32
    %dma_start3A_503 = tpu.memref_slice %arg6[%dma_start3A_498, %dma_start3A_502] : memref<32x128xi32, #tpu.memory_space<vmem>> -> memref<1x128xi32, #tpu.memory_space<vmem>>
    %dma_start3A_504 = tpu.memref_squeeze %dma_start3A_503 : memref<1x128xi32, #tpu.memory_space<vmem>> -> memref<128xi32, #tpu.memory_space<vmem>>
    %dma_start3A_505 = arith.constant 0 : i32
    %dma_start3A_506 = tpu.memref_slice %arg9[%dma_start3A_505] : memref<524288xf32, #tpu.memory_space<vmem_shared>> -> memref<524288xf32, #tpu.memory_space<vmem_shared>>
    tpu.enqueue_indirect_dma source(%dma_start3A_501 : memref<128xf32, #tpu.memory_space<vmem>>) target(%dma_start3A_506 : memref<524288xf32, #tpu.memory_space<vmem_shared>>) offsets(%dma_start3A_504 : memref<128xi32, #tpu.memory_space<vmem>>) semaphore(%arg12 : memref<!tpu.dma_semaphore, #tpu.memory_space<semaphore_mem>>) {add = true}
    %dma_start3A_507 = arith.constant 19 : i32
    %dma_start3A_508 = arith.constant 19 : i32
    %dma_start3A_509 = arith.constant 0 : i32
    %dma_start3A_510 = tpu.memref_slice %arg7[%dma_start3A_507, %dma_start3A_509] : memref<32x128xf32, #tpu.memory_space<vmem>> -> memref<1x128xf32, #tpu.memory_space<vmem>>
    %dma_start3A_511 = tpu.memref_squeeze %dma_start3A_510 : memref<1x128xf32, #tpu.memory_space<vmem>> -> memref<128xf32, #tpu.memory_space<vmem>>
    %dma_start3A_512 = arith.constant 0 : i32
    %dma_start3A_513 = tpu.memref_slice %arg6[%dma_start3A_508, %dma_start3A_512] : memref<32x128xi32, #tpu.memory_space<vmem>> -> memref<1x128xi32, #tpu.memory_space<vmem>>
    %dma_start3A_514 = tpu.memref_squeeze %dma_start3A_513 : memref<1x128xi32, #tpu.memory_space<vmem>> -> memref<128xi32, #tpu.memory_space<vmem>>
    %dma_start3A_515 = arith.constant 0 : i32
    %dma_start3A_516 = tpu.memref_slice %arg9[%dma_start3A_515] : memref<524288xf32, #tpu.memory_space<vmem_shared>> -> memref<524288xf32, #tpu.memory_space<vmem_shared>>
    tpu.enqueue_indirect_dma source(%dma_start3A_511 : memref<128xf32, #tpu.memory_space<vmem>>) target(%dma_start3A_516 : memref<524288xf32, #tpu.memory_space<vmem_shared>>) offsets(%dma_start3A_514 : memref<128xi32, #tpu.memory_space<vmem>>) semaphore(%arg12 : memref<!tpu.dma_semaphore, #tpu.memory_space<semaphore_mem>>) {add = true}
    %dma_start3A_517 = arith.constant 20 : i32
    %dma_start3A_518 = arith.constant 20 : i32
    %dma_start3A_519 = arith.constant 0 : i32
    %dma_start3A_520 = tpu.memref_slice %arg7[%dma_start3A_517, %dma_start3A_519] : memref<32x128xf32, #tpu.memory_space<vmem>> -> memref<1x128xf32, #tpu.memory_space<vmem>>
    %dma_start3A_521 = tpu.memref_squeeze %dma_start3A_520 : memref<1x128xf32, #tpu.memory_space<vmem>> -> memref<128xf32, #tpu.memory_space<vmem>>
    %dma_start3A_522 = arith.constant 0 : i32
    %dma_start3A_523 = tpu.memref_slice %arg6[%dma_start3A_518, %dma_start3A_522] : memref<32x128xi32, #tpu.memory_space<vmem>> -> memref<1x128xi32, #tpu.memory_space<vmem>>
    %dma_start3A_524 = tpu.memref_squeeze %dma_start3A_523 : memref<1x128xi32, #tpu.memory_space<vmem>> -> memref<128xi32, #tpu.memory_space<vmem>>
    %dma_start3A_525 = arith.constant 0 : i32
    %dma_start3A_526 = tpu.memref_slice %arg9[%dma_start3A_525] : memref<524288xf32, #tpu.memory_space<vmem_shared>> -> memref<524288xf32, #tpu.memory_space<vmem_shared>>
    tpu.enqueue_indirect_dma source(%dma_start3A_521 : memref<128xf32, #tpu.memory_space<vmem>>) target(%dma_start3A_526 : memref<524288xf32, #tpu.memory_space<vmem_shared>>) offsets(%dma_start3A_524 : memref<128xi32, #tpu.memory_space<vmem>>) semaphore(%arg12 : memref<!tpu.dma_semaphore, #tpu.memory_space<semaphore_mem>>) {add = true}
    %dma_start3A_527 = arith.constant 21 : i32
    %dma_start3A_528 = arith.constant 21 : i32
    %dma_start3A_529 = arith.constant 0 : i32
    %dma_start3A_530 = tpu.memref_slice %arg7[%dma_start3A_527, %dma_start3A_529] : memref<32x128xf32, #tpu.memory_space<vmem>> -> memref<1x128xf32, #tpu.memory_space<vmem>>
    %dma_start3A_531 = tpu.memref_squeeze %dma_start3A_530 : memref<1x128xf32, #tpu.memory_space<vmem>> -> memref<128xf32, #tpu.memory_space<vmem>>
    %dma_start3A_532 = arith.constant 0 : i32
    %dma_start3A_533 = tpu.memref_slice %arg6[%dma_start3A_528, %dma_start3A_532] : memref<32x128xi32, #tpu.memory_space<vmem>> -> memref<1x128xi32, #tpu.memory_space<vmem>>
    %dma_start3A_534 = tpu.memref_squeeze %dma_start3A_533 : memref<1x128xi32, #tpu.memory_space<vmem>> -> memref<128xi32, #tpu.memory_space<vmem>>
    %dma_start3A_535 = arith.constant 0 : i32
    %dma_start3A_536 = tpu.memref_slice %arg9[%dma_start3A_535] : memref<524288xf32, #tpu.memory_space<vmem_shared>> -> memref<524288xf32, #tpu.memory_space<vmem_shared>>
    tpu.enqueue_indirect_dma source(%dma_start3A_531 : memref<128xf32, #tpu.memory_space<vmem>>) target(%dma_start3A_536 : memref<524288xf32, #tpu.memory_space<vmem_shared>>) offsets(%dma_start3A_534 : memref<128xi32, #tpu.memory_space<vmem>>) semaphore(%arg12 : memref<!tpu.dma_semaphore, #tpu.memory_space<semaphore_mem>>) {add = true}
    %dma_start3A_537 = arith.constant 22 : i32
    %dma_start3A_538 = arith.constant 22 : i32
    %dma_start3A_539 = arith.constant 0 : i32
    %dma_start3A_540 = tpu.memref_slice %arg7[%dma_start3A_537, %dma_start3A_539] : memref<32x128xf32, #tpu.memory_space<vmem>> -> memref<1x128xf32, #tpu.memory_space<vmem>>
    %dma_start3A_541 = tpu.memref_squeeze %dma_start3A_540 : memref<1x128xf32, #tpu.memory_space<vmem>> -> memref<128xf32, #tpu.memory_space<vmem>>
    %dma_start3A_542 = arith.constant 0 : i32
    %dma_start3A_543 = tpu.memref_slice %arg6[%dma_start3A_538, %dma_start3A_542] : memref<32x128xi32, #tpu.memory_space<vmem>> -> memref<1x128xi32, #tpu.memory_space<vmem>>
    %dma_start3A_544 = tpu.memref_squeeze %dma_start3A_543 : memref<1x128xi32, #tpu.memory_space<vmem>> -> memref<128xi32, #tpu.memory_space<vmem>>
    %dma_start3A_545 = arith.constant 0 : i32
    %dma_start3A_546 = tpu.memref_slice %arg9[%dma_start3A_545] : memref<524288xf32, #tpu.memory_space<vmem_shared>> -> memref<524288xf32, #tpu.memory_space<vmem_shared>>
    tpu.enqueue_indirect_dma source(%dma_start3A_541 : memref<128xf32, #tpu.memory_space<vmem>>) target(%dma_start3A_546 : memref<524288xf32, #tpu.memory_space<vmem_shared>>) offsets(%dma_start3A_544 : memref<128xi32, #tpu.memory_space<vmem>>) semaphore(%arg12 : memref<!tpu.dma_semaphore, #tpu.memory_space<semaphore_mem>>) {add = true}
    %dma_start3A_547 = arith.constant 23 : i32
    %dma_start3A_548 = arith.constant 23 : i32
    %dma_start3A_549 = arith.constant 0 : i32
    %dma_start3A_550 = tpu.memref_slice %arg7[%dma_start3A_547, %dma_start3A_549] : memref<32x128xf32, #tpu.memory_space<vmem>> -> memref<1x128xf32, #tpu.memory_space<vmem>>
    %dma_start3A_551 = tpu.memref_squeeze %dma_start3A_550 : memref<1x128xf32, #tpu.memory_space<vmem>> -> memref<128xf32, #tpu.memory_space<vmem>>
    %dma_start3A_552 = arith.constant 0 : i32
    %dma_start3A_553 = tpu.memref_slice %arg6[%dma_start3A_548, %dma_start3A_552] : memref<32x128xi32, #tpu.memory_space<vmem>> -> memref<1x128xi32, #tpu.memory_space<vmem>>
    %dma_start3A_554 = tpu.memref_squeeze %dma_start3A_553 : memref<1x128xi32, #tpu.memory_space<vmem>> -> memref<128xi32, #tpu.memory_space<vmem>>
    %dma_start3A_555 = arith.constant 0 : i32
    %dma_start3A_556 = tpu.memref_slice %arg9[%dma_start3A_555] : memref<524288xf32, #tpu.memory_space<vmem_shared>> -> memref<524288xf32, #tpu.memory_space<vmem_shared>>
    tpu.enqueue_indirect_dma source(%dma_start3A_551 : memref<128xf32, #tpu.memory_space<vmem>>) target(%dma_start3A_556 : memref<524288xf32, #tpu.memory_space<vmem_shared>>) offsets(%dma_start3A_554 : memref<128xi32, #tpu.memory_space<vmem>>) semaphore(%arg12 : memref<!tpu.dma_semaphore, #tpu.memory_space<semaphore_mem>>) {add = true}
    %dma_start3A_557 = arith.constant 24 : i32
    %dma_start3A_558 = arith.constant 24 : i32
    %dma_start3A_559 = arith.constant 0 : i32
    %dma_start3A_560 = tpu.memref_slice %arg7[%dma_start3A_557, %dma_start3A_559] : memref<32x128xf32, #tpu.memory_space<vmem>> -> memref<1x128xf32, #tpu.memory_space<vmem>>
    %dma_start3A_561 = tpu.memref_squeeze %dma_start3A_560 : memref<1x128xf32, #tpu.memory_space<vmem>> -> memref<128xf32, #tpu.memory_space<vmem>>
    %dma_start3A_562 = arith.constant 0 : i32
    %dma_start3A_563 = tpu.memref_slice %arg6[%dma_start3A_558, %dma_start3A_562] : memref<32x128xi32, #tpu.memory_space<vmem>> -> memref<1x128xi32, #tpu.memory_space<vmem>>
    %dma_start3A_564 = tpu.memref_squeeze %dma_start3A_563 : memref<1x128xi32, #tpu.memory_space<vmem>> -> memref<128xi32, #tpu.memory_space<vmem>>
    %dma_start3A_565 = arith.constant 0 : i32
    %dma_start3A_566 = tpu.memref_slice %arg9[%dma_start3A_565] : memref<524288xf32, #tpu.memory_space<vmem_shared>> -> memref<524288xf32, #tpu.memory_space<vmem_shared>>
    tpu.enqueue_indirect_dma source(%dma_start3A_561 : memref<128xf32, #tpu.memory_space<vmem>>) target(%dma_start3A_566 : memref<524288xf32, #tpu.memory_space<vmem_shared>>) offsets(%dma_start3A_564 : memref<128xi32, #tpu.memory_space<vmem>>) semaphore(%arg12 : memref<!tpu.dma_semaphore, #tpu.memory_space<semaphore_mem>>) {add = true}
    %dma_start3A_567 = arith.constant 25 : i32
    %dma_start3A_568 = arith.constant 25 : i32
    %dma_start3A_569 = arith.constant 0 : i32
    %dma_start3A_570 = tpu.memref_slice %arg7[%dma_start3A_567, %dma_start3A_569] : memref<32x128xf32, #tpu.memory_space<vmem>> -> memref<1x128xf32, #tpu.memory_space<vmem>>
    %dma_start3A_571 = tpu.memref_squeeze %dma_start3A_570 : memref<1x128xf32, #tpu.memory_space<vmem>> -> memref<128xf32, #tpu.memory_space<vmem>>
    %dma_start3A_572 = arith.constant 0 : i32
    %dma_start3A_573 = tpu.memref_slice %arg6[%dma_start3A_568, %dma_start3A_572] : memref<32x128xi32, #tpu.memory_space<vmem>> -> memref<1x128xi32, #tpu.memory_space<vmem>>
    %dma_start3A_574 = tpu.memref_squeeze %dma_start3A_573 : memref<1x128xi32, #tpu.memory_space<vmem>> -> memref<128xi32, #tpu.memory_space<vmem>>
    %dma_start3A_575 = arith.constant 0 : i32
    %dma_start3A_576 = tpu.memref_slice %arg9[%dma_start3A_575] : memref<524288xf32, #tpu.memory_space<vmem_shared>> -> memref<524288xf32, #tpu.memory_space<vmem_shared>>
    tpu.enqueue_indirect_dma source(%dma_start3A_571 : memref<128xf32, #tpu.memory_space<vmem>>) target(%dma_start3A_576 : memref<524288xf32, #tpu.memory_space<vmem_shared>>) offsets(%dma_start3A_574 : memref<128xi32, #tpu.memory_space<vmem>>) semaphore(%arg12 : memref<!tpu.dma_semaphore, #tpu.memory_space<semaphore_mem>>) {add = true}
    %dma_start3A_577 = arith.constant 26 : i32
    %dma_start3A_578 = arith.constant 26 : i32
    %dma_start3A_579 = arith.constant 0 : i32
    %dma_start3A_580 = tpu.memref_slice %arg7[%dma_start3A_577, %dma_start3A_579] : memref<32x128xf32, #tpu.memory_space<vmem>> -> memref<1x128xf32, #tpu.memory_space<vmem>>
    %dma_start3A_581 = tpu.memref_squeeze %dma_start3A_580 : memref<1x128xf32, #tpu.memory_space<vmem>> -> memref<128xf32, #tpu.memory_space<vmem>>
    %dma_start3A_582 = arith.constant 0 : i32
    %dma_start3A_583 = tpu.memref_slice %arg6[%dma_start3A_578, %dma_start3A_582] : memref<32x128xi32, #tpu.memory_space<vmem>> -> memref<1x128xi32, #tpu.memory_space<vmem>>
    %dma_start3A_584 = tpu.memref_squeeze %dma_start3A_583 : memref<1x128xi32, #tpu.memory_space<vmem>> -> memref<128xi32, #tpu.memory_space<vmem>>
    %dma_start3A_585 = arith.constant 0 : i32
    %dma_start3A_586 = tpu.memref_slice %arg9[%dma_start3A_585] : memref<524288xf32, #tpu.memory_space<vmem_shared>> -> memref<524288xf32, #tpu.memory_space<vmem_shared>>
    tpu.enqueue_indirect_dma source(%dma_start3A_581 : memref<128xf32, #tpu.memory_space<vmem>>) target(%dma_start3A_586 : memref<524288xf32, #tpu.memory_space<vmem_shared>>) offsets(%dma_start3A_584 : memref<128xi32, #tpu.memory_space<vmem>>) semaphore(%arg12 : memref<!tpu.dma_semaphore, #tpu.memory_space<semaphore_mem>>) {add = true}
    %dma_start3A_587 = arith.constant 27 : i32
    %dma_start3A_588 = arith.constant 27 : i32
    %dma_start3A_589 = arith.constant 0 : i32
    %dma_start3A_590 = tpu.memref_slice %arg7[%dma_start3A_587, %dma_start3A_589] : memref<32x128xf32, #tpu.memory_space<vmem>> -> memref<1x128xf32, #tpu.memory_space<vmem>>
    %dma_start3A_591 = tpu.memref_squeeze %dma_start3A_590 : memref<1x128xf32, #tpu.memory_space<vmem>> -> memref<128xf32, #tpu.memory_space<vmem>>
    %dma_start3A_592 = arith.constant 0 : i32
    %dma_start3A_593 = tpu.memref_slice %arg6[%dma_start3A_588, %dma_start3A_592] : memref<32x128xi32, #tpu.memory_space<vmem>> -> memref<1x128xi32, #tpu.memory_space<vmem>>
    %dma_start3A_594 = tpu.memref_squeeze %dma_start3A_593 : memref<1x128xi32, #tpu.memory_space<vmem>> -> memref<128xi32, #tpu.memory_space<vmem>>
    %dma_start3A_595 = arith.constant 0 : i32
    %dma_start3A_596 = tpu.memref_slice %arg9[%dma_start3A_595] : memref<524288xf32, #tpu.memory_space<vmem_shared>> -> memref<524288xf32, #tpu.memory_space<vmem_shared>>
    tpu.enqueue_indirect_dma source(%dma_start3A_591 : memref<128xf32, #tpu.memory_space<vmem>>) target(%dma_start3A_596 : memref<524288xf32, #tpu.memory_space<vmem_shared>>) offsets(%dma_start3A_594 : memref<128xi32, #tpu.memory_space<vmem>>) semaphore(%arg12 : memref<!tpu.dma_semaphore, #tpu.memory_space<semaphore_mem>>) {add = true}
    %dma_start3A_597 = arith.constant 28 : i32
    %dma_start3A_598 = arith.constant 28 : i32
    %dma_start3A_599 = arith.constant 0 : i32
    %dma_start3A_600 = tpu.memref_slice %arg7[%dma_start3A_597, %dma_start3A_599] : memref<32x128xf32, #tpu.memory_space<vmem>> -> memref<1x128xf32, #tpu.memory_space<vmem>>
    %dma_start3A_601 = tpu.memref_squeeze %dma_start3A_600 : memref<1x128xf32, #tpu.memory_space<vmem>> -> memref<128xf32, #tpu.memory_space<vmem>>
    %dma_start3A_602 = arith.constant 0 : i32
    %dma_start3A_603 = tpu.memref_slice %arg6[%dma_start3A_598, %dma_start3A_602] : memref<32x128xi32, #tpu.memory_space<vmem>> -> memref<1x128xi32, #tpu.memory_space<vmem>>
    %dma_start3A_604 = tpu.memref_squeeze %dma_start3A_603 : memref<1x128xi32, #tpu.memory_space<vmem>> -> memref<128xi32, #tpu.memory_space<vmem>>
    %dma_start3A_605 = arith.constant 0 : i32
    %dma_start3A_606 = tpu.memref_slice %arg9[%dma_start3A_605] : memref<524288xf32, #tpu.memory_space<vmem_shared>> -> memref<524288xf32, #tpu.memory_space<vmem_shared>>
    tpu.enqueue_indirect_dma source(%dma_start3A_601 : memref<128xf32, #tpu.memory_space<vmem>>) target(%dma_start3A_606 : memref<524288xf32, #tpu.memory_space<vmem_shared>>) offsets(%dma_start3A_604 : memref<128xi32, #tpu.memory_space<vmem>>) semaphore(%arg12 : memref<!tpu.dma_semaphore, #tpu.memory_space<semaphore_mem>>) {add = true}
    %dma_start3A_607 = arith.constant 29 : i32
    %dma_start3A_608 = arith.constant 29 : i32
    %dma_start3A_609 = arith.constant 0 : i32
    %dma_start3A_610 = tpu.memref_slice %arg7[%dma_start3A_607, %dma_start3A_609] : memref<32x128xf32, #tpu.memory_space<vmem>> -> memref<1x128xf32, #tpu.memory_space<vmem>>
    %dma_start3A_611 = tpu.memref_squeeze %dma_start3A_610 : memref<1x128xf32, #tpu.memory_space<vmem>> -> memref<128xf32, #tpu.memory_space<vmem>>
    %dma_start3A_612 = arith.constant 0 : i32
    %dma_start3A_613 = tpu.memref_slice %arg6[%dma_start3A_608, %dma_start3A_612] : memref<32x128xi32, #tpu.memory_space<vmem>> -> memref<1x128xi32, #tpu.memory_space<vmem>>
    %dma_start3A_614 = tpu.memref_squeeze %dma_start3A_613 : memref<1x128xi32, #tpu.memory_space<vmem>> -> memref<128xi32, #tpu.memory_space<vmem>>
    %dma_start3A_615 = arith.constant 0 : i32
    %dma_start3A_616 = tpu.memref_slice %arg9[%dma_start3A_615] : memref<524288xf32, #tpu.memory_space<vmem_shared>> -> memref<524288xf32, #tpu.memory_space<vmem_shared>>
    tpu.enqueue_indirect_dma source(%dma_start3A_611 : memref<128xf32, #tpu.memory_space<vmem>>) target(%dma_start3A_616 : memref<524288xf32, #tpu.memory_space<vmem_shared>>) offsets(%dma_start3A_614 : memref<128xi32, #tpu.memory_space<vmem>>) semaphore(%arg12 : memref<!tpu.dma_semaphore, #tpu.memory_space<semaphore_mem>>) {add = true}
    %dma_start3A_617 = arith.constant 30 : i32
    %dma_start3A_618 = arith.constant 30 : i32
    %dma_start3A_619 = arith.constant 0 : i32
    %dma_start3A_620 = tpu.memref_slice %arg7[%dma_start3A_617, %dma_start3A_619] : memref<32x128xf32, #tpu.memory_space<vmem>> -> memref<1x128xf32, #tpu.memory_space<vmem>>
    %dma_start3A_621 = tpu.memref_squeeze %dma_start3A_620 : memref<1x128xf32, #tpu.memory_space<vmem>> -> memref<128xf32, #tpu.memory_space<vmem>>
    %dma_start3A_622 = arith.constant 0 : i32
    %dma_start3A_623 = tpu.memref_slice %arg6[%dma_start3A_618, %dma_start3A_622] : memref<32x128xi32, #tpu.memory_space<vmem>> -> memref<1x128xi32, #tpu.memory_space<vmem>>
    %dma_start3A_624 = tpu.memref_squeeze %dma_start3A_623 : memref<1x128xi32, #tpu.memory_space<vmem>> -> memref<128xi32, #tpu.memory_space<vmem>>
    %dma_start3A_625 = arith.constant 0 : i32
    %dma_start3A_626 = tpu.memref_slice %arg9[%dma_start3A_625] : memref<524288xf32, #tpu.memory_space<vmem_shared>> -> memref<524288xf32, #tpu.memory_space<vmem_shared>>
    tpu.enqueue_indirect_dma source(%dma_start3A_621 : memref<128xf32, #tpu.memory_space<vmem>>) target(%dma_start3A_626 : memref<524288xf32, #tpu.memory_space<vmem_shared>>) offsets(%dma_start3A_624 : memref<128xi32, #tpu.memory_space<vmem>>) semaphore(%arg12 : memref<!tpu.dma_semaphore, #tpu.memory_space<semaphore_mem>>) {add = true}
    %dma_start3A_627 = arith.constant 31 : i32
    %dma_start3A_628 = arith.constant 31 : i32
    %dma_start3A_629 = arith.constant 0 : i32
    %dma_start3A_630 = tpu.memref_slice %arg7[%dma_start3A_627, %dma_start3A_629] : memref<32x128xf32, #tpu.memory_space<vmem>> -> memref<1x128xf32, #tpu.memory_space<vmem>>
    %dma_start3A_631 = tpu.memref_squeeze %dma_start3A_630 : memref<1x128xf32, #tpu.memory_space<vmem>> -> memref<128xf32, #tpu.memory_space<vmem>>
    %dma_start3A_632 = arith.constant 0 : i32
    %dma_start3A_633 = tpu.memref_slice %arg6[%dma_start3A_628, %dma_start3A_632] : memref<32x128xi32, #tpu.memory_space<vmem>> -> memref<1x128xi32, #tpu.memory_space<vmem>>
    %dma_start3A_634 = tpu.memref_squeeze %dma_start3A_633 : memref<1x128xi32, #tpu.memory_space<vmem>> -> memref<128xi32, #tpu.memory_space<vmem>>
    %dma_start3A_635 = arith.constant 0 : i32
    %dma_start3A_636 = tpu.memref_slice %arg9[%dma_start3A_635] : memref<524288xf32, #tpu.memory_space<vmem_shared>> -> memref<524288xf32, #tpu.memory_space<vmem_shared>>
    tpu.enqueue_indirect_dma source(%dma_start3A_631 : memref<128xf32, #tpu.memory_space<vmem>>) target(%dma_start3A_636 : memref<524288xf32, #tpu.memory_space<vmem_shared>>) offsets(%dma_start3A_634 : memref<128xi32, #tpu.memory_space<vmem>>) semaphore(%arg12 : memref<!tpu.dma_semaphore, #tpu.memory_space<semaphore_mem>>) {add = true}
    %dma_wait3A_637 = arith.constant 16 : i32
    %dma_wait3A_638 = arith.constant 16 : i32
    %dma_wait3A_639 = arith.constant 0 : i32
    %dma_wait3A_640 = tpu.memref_slice %arg7[%dma_wait3A_637, %dma_wait3A_639] : memref<32x128xf32, #tpu.memory_space<vmem>> -> memref<1x128xf32, #tpu.memory_space<vmem>>
    %dma_wait3A_641 = tpu.memref_squeeze %dma_wait3A_640 : memref<1x128xf32, #tpu.memory_space<vmem>> -> memref<128xf32, #tpu.memory_space<vmem>>
    %dma_wait3A_642 = arith.constant 0 : i32
    %dma_wait3A_643 = tpu.memref_slice %arg6[%dma_wait3A_638, %dma_wait3A_642] : memref<32x128xi32, #tpu.memory_space<vmem>> -> memref<1x128xi32, #tpu.memory_space<vmem>>
    %dma_wait3A_644 = tpu.memref_squeeze %dma_wait3A_643 : memref<1x128xi32, #tpu.memory_space<vmem>> -> memref<128xi32, #tpu.memory_space<vmem>>
    %dma_wait3A_645 = arith.constant 0 : i32
    %dma_wait3A_646 = tpu.memref_slice %arg9[%dma_wait3A_645] : memref<524288xf32, #tpu.memory_space<vmem_shared>> -> memref<524288xf32, #tpu.memory_space<vmem_shared>>
    tpu.wait_indirect_dma semaphore(%arg12 : memref<!tpu.dma_semaphore, #tpu.memory_space<semaphore_mem>>) src(%dma_wait3A_641 : memref<128xf32, #tpu.memory_space<vmem>>) dst(%dma_wait3A_646 : memref<524288xf32, #tpu.memory_space<vmem_shared>>)
    %dma_wait3A_647 = arith.constant 17 : i32
    %dma_wait3A_648 = arith.constant 17 : i32
    %dma_wait3A_649 = arith.constant 0 : i32
    %dma_wait3A_650 = tpu.memref_slice %arg7[%dma_wait3A_647, %dma_wait3A_649] : memref<32x128xf32, #tpu.memory_space<vmem>> -> memref<1x128xf32, #tpu.memory_space<vmem>>
    %dma_wait3A_651 = tpu.memref_squeeze %dma_wait3A_650 : memref<1x128xf32, #tpu.memory_space<vmem>> -> memref<128xf32, #tpu.memory_space<vmem>>
    %dma_wait3A_652 = arith.constant 0 : i32
    %dma_wait3A_653 = tpu.memref_slice %arg6[%dma_wait3A_648, %dma_wait3A_652] : memref<32x128xi32, #tpu.memory_space<vmem>> -> memref<1x128xi32, #tpu.memory_space<vmem>>
    %dma_wait3A_654 = tpu.memref_squeeze %dma_wait3A_653 : memref<1x128xi32, #tpu.memory_space<vmem>> -> memref<128xi32, #tpu.memory_space<vmem>>
    %dma_wait3A_655 = arith.constant 0 : i32
    %dma_wait3A_656 = tpu.memref_slice %arg9[%dma_wait3A_655] : memref<524288xf32, #tpu.memory_space<vmem_shared>> -> memref<524288xf32, #tpu.memory_space<vmem_shared>>
    tpu.wait_indirect_dma semaphore(%arg12 : memref<!tpu.dma_semaphore, #tpu.memory_space<semaphore_mem>>) src(%dma_wait3A_651 : memref<128xf32, #tpu.memory_space<vmem>>) dst(%dma_wait3A_656 : memref<524288xf32, #tpu.memory_space<vmem_shared>>)
    %dma_wait3A_657 = arith.constant 18 : i32
    %dma_wait3A_658 = arith.constant 18 : i32
    %dma_wait3A_659 = arith.constant 0 : i32
    %dma_wait3A_660 = tpu.memref_slice %arg7[%dma_wait3A_657, %dma_wait3A_659] : memref<32x128xf32, #tpu.memory_space<vmem>> -> memref<1x128xf32, #tpu.memory_space<vmem>>
    %dma_wait3A_661 = tpu.memref_squeeze %dma_wait3A_660 : memref<1x128xf32, #tpu.memory_space<vmem>> -> memref<128xf32, #tpu.memory_space<vmem>>
    %dma_wait3A_662 = arith.constant 0 : i32
    %dma_wait3A_663 = tpu.memref_slice %arg6[%dma_wait3A_658, %dma_wait3A_662] : memref<32x128xi32, #tpu.memory_space<vmem>> -> memref<1x128xi32, #tpu.memory_space<vmem>>
    %dma_wait3A_664 = tpu.memref_squeeze %dma_wait3A_663 : memref<1x128xi32, #tpu.memory_space<vmem>> -> memref<128xi32, #tpu.memory_space<vmem>>
    %dma_wait3A_665 = arith.constant 0 : i32
    %dma_wait3A_666 = tpu.memref_slice %arg9[%dma_wait3A_665] : memref<524288xf32, #tpu.memory_space<vmem_shared>> -> memref<524288xf32, #tpu.memory_space<vmem_shared>>
    tpu.wait_indirect_dma semaphore(%arg12 : memref<!tpu.dma_semaphore, #tpu.memory_space<semaphore_mem>>) src(%dma_wait3A_661 : memref<128xf32, #tpu.memory_space<vmem>>) dst(%dma_wait3A_666 : memref<524288xf32, #tpu.memory_space<vmem_shared>>)
    %dma_wait3A_667 = arith.constant 19 : i32
    %dma_wait3A_668 = arith.constant 19 : i32
    %dma_wait3A_669 = arith.constant 0 : i32
    %dma_wait3A_670 = tpu.memref_slice %arg7[%dma_wait3A_667, %dma_wait3A_669] : memref<32x128xf32, #tpu.memory_space<vmem>> -> memref<1x128xf32, #tpu.memory_space<vmem>>
    %dma_wait3A_671 = tpu.memref_squeeze %dma_wait3A_670 : memref<1x128xf32, #tpu.memory_space<vmem>> -> memref<128xf32, #tpu.memory_space<vmem>>
    %dma_wait3A_672 = arith.constant 0 : i32
    %dma_wait3A_673 = tpu.memref_slice %arg6[%dma_wait3A_668, %dma_wait3A_672] : memref<32x128xi32, #tpu.memory_space<vmem>> -> memref<1x128xi32, #tpu.memory_space<vmem>>
    %dma_wait3A_674 = tpu.memref_squeeze %dma_wait3A_673 : memref<1x128xi32, #tpu.memory_space<vmem>> -> memref<128xi32, #tpu.memory_space<vmem>>
    %dma_wait3A_675 = arith.constant 0 : i32
    %dma_wait3A_676 = tpu.memref_slice %arg9[%dma_wait3A_675] : memref<524288xf32, #tpu.memory_space<vmem_shared>> -> memref<524288xf32, #tpu.memory_space<vmem_shared>>
    tpu.wait_indirect_dma semaphore(%arg12 : memref<!tpu.dma_semaphore, #tpu.memory_space<semaphore_mem>>) src(%dma_wait3A_671 : memref<128xf32, #tpu.memory_space<vmem>>) dst(%dma_wait3A_676 : memref<524288xf32, #tpu.memory_space<vmem_shared>>)
    %dma_wait3A_677 = arith.constant 20 : i32
    %dma_wait3A_678 = arith.constant 20 : i32
    %dma_wait3A_679 = arith.constant 0 : i32
    %dma_wait3A_680 = tpu.memref_slice %arg7[%dma_wait3A_677, %dma_wait3A_679] : memref<32x128xf32, #tpu.memory_space<vmem>> -> memref<1x128xf32, #tpu.memory_space<vmem>>
    %dma_wait3A_681 = tpu.memref_squeeze %dma_wait3A_680 : memref<1x128xf32, #tpu.memory_space<vmem>> -> memref<128xf32, #tpu.memory_space<vmem>>
    %dma_wait3A_682 = arith.constant 0 : i32
    %dma_wait3A_683 = tpu.memref_slice %arg6[%dma_wait3A_678, %dma_wait3A_682] : memref<32x128xi32, #tpu.memory_space<vmem>> -> memref<1x128xi32, #tpu.memory_space<vmem>>
    %dma_wait3A_684 = tpu.memref_squeeze %dma_wait3A_683 : memref<1x128xi32, #tpu.memory_space<vmem>> -> memref<128xi32, #tpu.memory_space<vmem>>
    %dma_wait3A_685 = arith.constant 0 : i32
    %dma_wait3A_686 = tpu.memref_slice %arg9[%dma_wait3A_685] : memref<524288xf32, #tpu.memory_space<vmem_shared>> -> memref<524288xf32, #tpu.memory_space<vmem_shared>>
    tpu.wait_indirect_dma semaphore(%arg12 : memref<!tpu.dma_semaphore, #tpu.memory_space<semaphore_mem>>) src(%dma_wait3A_681 : memref<128xf32, #tpu.memory_space<vmem>>) dst(%dma_wait3A_686 : memref<524288xf32, #tpu.memory_space<vmem_shared>>)
    %dma_wait3A_687 = arith.constant 21 : i32
    %dma_wait3A_688 = arith.constant 21 : i32
    %dma_wait3A_689 = arith.constant 0 : i32
    %dma_wait3A_690 = tpu.memref_slice %arg7[%dma_wait3A_687, %dma_wait3A_689] : memref<32x128xf32, #tpu.memory_space<vmem>> -> memref<1x128xf32, #tpu.memory_space<vmem>>
    %dma_wait3A_691 = tpu.memref_squeeze %dma_wait3A_690 : memref<1x128xf32, #tpu.memory_space<vmem>> -> memref<128xf32, #tpu.memory_space<vmem>>
    %dma_wait3A_692 = arith.constant 0 : i32
    %dma_wait3A_693 = tpu.memref_slice %arg6[%dma_wait3A_688, %dma_wait3A_692] : memref<32x128xi32, #tpu.memory_space<vmem>> -> memref<1x128xi32, #tpu.memory_space<vmem>>
    %dma_wait3A_694 = tpu.memref_squeeze %dma_wait3A_693 : memref<1x128xi32, #tpu.memory_space<vmem>> -> memref<128xi32, #tpu.memory_space<vmem>>
    %dma_wait3A_695 = arith.constant 0 : i32
    %dma_wait3A_696 = tpu.memref_slice %arg9[%dma_wait3A_695] : memref<524288xf32, #tpu.memory_space<vmem_shared>> -> memref<524288xf32, #tpu.memory_space<vmem_shared>>
    tpu.wait_indirect_dma semaphore(%arg12 : memref<!tpu.dma_semaphore, #tpu.memory_space<semaphore_mem>>) src(%dma_wait3A_691 : memref<128xf32, #tpu.memory_space<vmem>>) dst(%dma_wait3A_696 : memref<524288xf32, #tpu.memory_space<vmem_shared>>)
    %dma_wait3A_697 = arith.constant 22 : i32
    %dma_wait3A_698 = arith.constant 22 : i32
    %dma_wait3A_699 = arith.constant 0 : i32
    %dma_wait3A_700 = tpu.memref_slice %arg7[%dma_wait3A_697, %dma_wait3A_699] : memref<32x128xf32, #tpu.memory_space<vmem>> -> memref<1x128xf32, #tpu.memory_space<vmem>>
    %dma_wait3A_701 = tpu.memref_squeeze %dma_wait3A_700 : memref<1x128xf32, #tpu.memory_space<vmem>> -> memref<128xf32, #tpu.memory_space<vmem>>
    %dma_wait3A_702 = arith.constant 0 : i32
    %dma_wait3A_703 = tpu.memref_slice %arg6[%dma_wait3A_698, %dma_wait3A_702] : memref<32x128xi32, #tpu.memory_space<vmem>> -> memref<1x128xi32, #tpu.memory_space<vmem>>
    %dma_wait3A_704 = tpu.memref_squeeze %dma_wait3A_703 : memref<1x128xi32, #tpu.memory_space<vmem>> -> memref<128xi32, #tpu.memory_space<vmem>>
    %dma_wait3A_705 = arith.constant 0 : i32
    %dma_wait3A_706 = tpu.memref_slice %arg9[%dma_wait3A_705] : memref<524288xf32, #tpu.memory_space<vmem_shared>> -> memref<524288xf32, #tpu.memory_space<vmem_shared>>
    tpu.wait_indirect_dma semaphore(%arg12 : memref<!tpu.dma_semaphore, #tpu.memory_space<semaphore_mem>>) src(%dma_wait3A_701 : memref<128xf32, #tpu.memory_space<vmem>>) dst(%dma_wait3A_706 : memref<524288xf32, #tpu.memory_space<vmem_shared>>)
    %dma_wait3A_707 = arith.constant 23 : i32
    %dma_wait3A_708 = arith.constant 23 : i32
    %dma_wait3A_709 = arith.constant 0 : i32
    %dma_wait3A_710 = tpu.memref_slice %arg7[%dma_wait3A_707, %dma_wait3A_709] : memref<32x128xf32, #tpu.memory_space<vmem>> -> memref<1x128xf32, #tpu.memory_space<vmem>>
    %dma_wait3A_711 = tpu.memref_squeeze %dma_wait3A_710 : memref<1x128xf32, #tpu.memory_space<vmem>> -> memref<128xf32, #tpu.memory_space<vmem>>
    %dma_wait3A_712 = arith.constant 0 : i32
    %dma_wait3A_713 = tpu.memref_slice %arg6[%dma_wait3A_708, %dma_wait3A_712] : memref<32x128xi32, #tpu.memory_space<vmem>> -> memref<1x128xi32, #tpu.memory_space<vmem>>
    %dma_wait3A_714 = tpu.memref_squeeze %dma_wait3A_713 : memref<1x128xi32, #tpu.memory_space<vmem>> -> memref<128xi32, #tpu.memory_space<vmem>>
    %dma_wait3A_715 = arith.constant 0 : i32
    %dma_wait3A_716 = tpu.memref_slice %arg9[%dma_wait3A_715] : memref<524288xf32, #tpu.memory_space<vmem_shared>> -> memref<524288xf32, #tpu.memory_space<vmem_shared>>
    tpu.wait_indirect_dma semaphore(%arg12 : memref<!tpu.dma_semaphore, #tpu.memory_space<semaphore_mem>>) src(%dma_wait3A_711 : memref<128xf32, #tpu.memory_space<vmem>>) dst(%dma_wait3A_716 : memref<524288xf32, #tpu.memory_space<vmem_shared>>)
    %dma_wait3A_717 = arith.constant 24 : i32
    %dma_wait3A_718 = arith.constant 24 : i32
    %dma_wait3A_719 = arith.constant 0 : i32
    %dma_wait3A_720 = tpu.memref_slice %arg7[%dma_wait3A_717, %dma_wait3A_719] : memref<32x128xf32, #tpu.memory_space<vmem>> -> memref<1x128xf32, #tpu.memory_space<vmem>>
    %dma_wait3A_721 = tpu.memref_squeeze %dma_wait3A_720 : memref<1x128xf32, #tpu.memory_space<vmem>> -> memref<128xf32, #tpu.memory_space<vmem>>
    %dma_wait3A_722 = arith.constant 0 : i32
    %dma_wait3A_723 = tpu.memref_slice %arg6[%dma_wait3A_718, %dma_wait3A_722] : memref<32x128xi32, #tpu.memory_space<vmem>> -> memref<1x128xi32, #tpu.memory_space<vmem>>
    %dma_wait3A_724 = tpu.memref_squeeze %dma_wait3A_723 : memref<1x128xi32, #tpu.memory_space<vmem>> -> memref<128xi32, #tpu.memory_space<vmem>>
    %dma_wait3A_725 = arith.constant 0 : i32
    %dma_wait3A_726 = tpu.memref_slice %arg9[%dma_wait3A_725] : memref<524288xf32, #tpu.memory_space<vmem_shared>> -> memref<524288xf32, #tpu.memory_space<vmem_shared>>
    tpu.wait_indirect_dma semaphore(%arg12 : memref<!tpu.dma_semaphore, #tpu.memory_space<semaphore_mem>>) src(%dma_wait3A_721 : memref<128xf32, #tpu.memory_space<vmem>>) dst(%dma_wait3A_726 : memref<524288xf32, #tpu.memory_space<vmem_shared>>)
    %dma_wait3A_727 = arith.constant 25 : i32
    %dma_wait3A_728 = arith.constant 25 : i32
    %dma_wait3A_729 = arith.constant 0 : i32
    %dma_wait3A_730 = tpu.memref_slice %arg7[%dma_wait3A_727, %dma_wait3A_729] : memref<32x128xf32, #tpu.memory_space<vmem>> -> memref<1x128xf32, #tpu.memory_space<vmem>>
    %dma_wait3A_731 = tpu.memref_squeeze %dma_wait3A_730 : memref<1x128xf32, #tpu.memory_space<vmem>> -> memref<128xf32, #tpu.memory_space<vmem>>
    %dma_wait3A_732 = arith.constant 0 : i32
    %dma_wait3A_733 = tpu.memref_slice %arg6[%dma_wait3A_728, %dma_wait3A_732] : memref<32x128xi32, #tpu.memory_space<vmem>> -> memref<1x128xi32, #tpu.memory_space<vmem>>
    %dma_wait3A_734 = tpu.memref_squeeze %dma_wait3A_733 : memref<1x128xi32, #tpu.memory_space<vmem>> -> memref<128xi32, #tpu.memory_space<vmem>>
    %dma_wait3A_735 = arith.constant 0 : i32
    %dma_wait3A_736 = tpu.memref_slice %arg9[%dma_wait3A_735] : memref<524288xf32, #tpu.memory_space<vmem_shared>> -> memref<524288xf32, #tpu.memory_space<vmem_shared>>
    tpu.wait_indirect_dma semaphore(%arg12 : memref<!tpu.dma_semaphore, #tpu.memory_space<semaphore_mem>>) src(%dma_wait3A_731 : memref<128xf32, #tpu.memory_space<vmem>>) dst(%dma_wait3A_736 : memref<524288xf32, #tpu.memory_space<vmem_shared>>)
    %dma_wait3A_737 = arith.constant 26 : i32
    %dma_wait3A_738 = arith.constant 26 : i32
    %dma_wait3A_739 = arith.constant 0 : i32
    %dma_wait3A_740 = tpu.memref_slice %arg7[%dma_wait3A_737, %dma_wait3A_739] : memref<32x128xf32, #tpu.memory_space<vmem>> -> memref<1x128xf32, #tpu.memory_space<vmem>>
    %dma_wait3A_741 = tpu.memref_squeeze %dma_wait3A_740 : memref<1x128xf32, #tpu.memory_space<vmem>> -> memref<128xf32, #tpu.memory_space<vmem>>
    %dma_wait3A_742 = arith.constant 0 : i32
    %dma_wait3A_743 = tpu.memref_slice %arg6[%dma_wait3A_738, %dma_wait3A_742] : memref<32x128xi32, #tpu.memory_space<vmem>> -> memref<1x128xi32, #tpu.memory_space<vmem>>
    %dma_wait3A_744 = tpu.memref_squeeze %dma_wait3A_743 : memref<1x128xi32, #tpu.memory_space<vmem>> -> memref<128xi32, #tpu.memory_space<vmem>>
    %dma_wait3A_745 = arith.constant 0 : i32
    %dma_wait3A_746 = tpu.memref_slice %arg9[%dma_wait3A_745] : memref<524288xf32, #tpu.memory_space<vmem_shared>> -> memref<524288xf32, #tpu.memory_space<vmem_shared>>
    tpu.wait_indirect_dma semaphore(%arg12 : memref<!tpu.dma_semaphore, #tpu.memory_space<semaphore_mem>>) src(%dma_wait3A_741 : memref<128xf32, #tpu.memory_space<vmem>>) dst(%dma_wait3A_746 : memref<524288xf32, #tpu.memory_space<vmem_shared>>)
    %dma_wait3A_747 = arith.constant 27 : i32
    %dma_wait3A_748 = arith.constant 27 : i32
    %dma_wait3A_749 = arith.constant 0 : i32
    %dma_wait3A_750 = tpu.memref_slice %arg7[%dma_wait3A_747, %dma_wait3A_749] : memref<32x128xf32, #tpu.memory_space<vmem>> -> memref<1x128xf32, #tpu.memory_space<vmem>>
    %dma_wait3A_751 = tpu.memref_squeeze %dma_wait3A_750 : memref<1x128xf32, #tpu.memory_space<vmem>> -> memref<128xf32, #tpu.memory_space<vmem>>
    %dma_wait3A_752 = arith.constant 0 : i32
    %dma_wait3A_753 = tpu.memref_slice %arg6[%dma_wait3A_748, %dma_wait3A_752] : memref<32x128xi32, #tpu.memory_space<vmem>> -> memref<1x128xi32, #tpu.memory_space<vmem>>
    %dma_wait3A_754 = tpu.memref_squeeze %dma_wait3A_753 : memref<1x128xi32, #tpu.memory_space<vmem>> -> memref<128xi32, #tpu.memory_space<vmem>>
    %dma_wait3A_755 = arith.constant 0 : i32
    %dma_wait3A_756 = tpu.memref_slice %arg9[%dma_wait3A_755] : memref<524288xf32, #tpu.memory_space<vmem_shared>> -> memref<524288xf32, #tpu.memory_space<vmem_shared>>
    tpu.wait_indirect_dma semaphore(%arg12 : memref<!tpu.dma_semaphore, #tpu.memory_space<semaphore_mem>>) src(%dma_wait3A_751 : memref<128xf32, #tpu.memory_space<vmem>>) dst(%dma_wait3A_756 : memref<524288xf32, #tpu.memory_space<vmem_shared>>)
    %dma_wait3A_757 = arith.constant 28 : i32
    %dma_wait3A_758 = arith.constant 28 : i32
    %dma_wait3A_759 = arith.constant 0 : i32
    %dma_wait3A_760 = tpu.memref_slice %arg7[%dma_wait3A_757, %dma_wait3A_759] : memref<32x128xf32, #tpu.memory_space<vmem>> -> memref<1x128xf32, #tpu.memory_space<vmem>>
    %dma_wait3A_761 = tpu.memref_squeeze %dma_wait3A_760 : memref<1x128xf32, #tpu.memory_space<vmem>> -> memref<128xf32, #tpu.memory_space<vmem>>
    %dma_wait3A_762 = arith.constant 0 : i32
    %dma_wait3A_763 = tpu.memref_slice %arg6[%dma_wait3A_758, %dma_wait3A_762] : memref<32x128xi32, #tpu.memory_space<vmem>> -> memref<1x128xi32, #tpu.memory_space<vmem>>
    %dma_wait3A_764 = tpu.memref_squeeze %dma_wait3A_763 : memref<1x128xi32, #tpu.memory_space<vmem>> -> memref<128xi32, #tpu.memory_space<vmem>>
    %dma_wait3A_765 = arith.constant 0 : i32
    %dma_wait3A_766 = tpu.memref_slice %arg9[%dma_wait3A_765] : memref<524288xf32, #tpu.memory_space<vmem_shared>> -> memref<524288xf32, #tpu.memory_space<vmem_shared>>
    tpu.wait_indirect_dma semaphore(%arg12 : memref<!tpu.dma_semaphore, #tpu.memory_space<semaphore_mem>>) src(%dma_wait3A_761 : memref<128xf32, #tpu.memory_space<vmem>>) dst(%dma_wait3A_766 : memref<524288xf32, #tpu.memory_space<vmem_shared>>)
    %dma_wait3A_767 = arith.constant 29 : i32
    %dma_wait3A_768 = arith.constant 29 : i32
    %dma_wait3A_769 = arith.constant 0 : i32
    %dma_wait3A_770 = tpu.memref_slice %arg7[%dma_wait3A_767, %dma_wait3A_769] : memref<32x128xf32, #tpu.memory_space<vmem>> -> memref<1x128xf32, #tpu.memory_space<vmem>>
    %dma_wait3A_771 = tpu.memref_squeeze %dma_wait3A_770 : memref<1x128xf32, #tpu.memory_space<vmem>> -> memref<128xf32, #tpu.memory_space<vmem>>
    %dma_wait3A_772 = arith.constant 0 : i32
    %dma_wait3A_773 = tpu.memref_slice %arg6[%dma_wait3A_768, %dma_wait3A_772] : memref<32x128xi32, #tpu.memory_space<vmem>> -> memref<1x128xi32, #tpu.memory_space<vmem>>
    %dma_wait3A_774 = tpu.memref_squeeze %dma_wait3A_773 : memref<1x128xi32, #tpu.memory_space<vmem>> -> memref<128xi32, #tpu.memory_space<vmem>>
    %dma_wait3A_775 = arith.constant 0 : i32
    %dma_wait3A_776 = tpu.memref_slice %arg9[%dma_wait3A_775] : memref<524288xf32, #tpu.memory_space<vmem_shared>> -> memref<524288xf32, #tpu.memory_space<vmem_shared>>
    tpu.wait_indirect_dma semaphore(%arg12 : memref<!tpu.dma_semaphore, #tpu.memory_space<semaphore_mem>>) src(%dma_wait3A_771 : memref<128xf32, #tpu.memory_space<vmem>>) dst(%dma_wait3A_776 : memref<524288xf32, #tpu.memory_space<vmem_shared>>)
    %dma_wait3A_777 = arith.constant 30 : i32
    %dma_wait3A_778 = arith.constant 30 : i32
    %dma_wait3A_779 = arith.constant 0 : i32
    %dma_wait3A_780 = tpu.memref_slice %arg7[%dma_wait3A_777, %dma_wait3A_779] : memref<32x128xf32, #tpu.memory_space<vmem>> -> memref<1x128xf32, #tpu.memory_space<vmem>>
    %dma_wait3A_781 = tpu.memref_squeeze %dma_wait3A_780 : memref<1x128xf32, #tpu.memory_space<vmem>> -> memref<128xf32, #tpu.memory_space<vmem>>
    %dma_wait3A_782 = arith.constant 0 : i32
    %dma_wait3A_783 = tpu.memref_slice %arg6[%dma_wait3A_778, %dma_wait3A_782] : memref<32x128xi32, #tpu.memory_space<vmem>> -> memref<1x128xi32, #tpu.memory_space<vmem>>
    %dma_wait3A_784 = tpu.memref_squeeze %dma_wait3A_783 : memref<1x128xi32, #tpu.memory_space<vmem>> -> memref<128xi32, #tpu.memory_space<vmem>>
    %dma_wait3A_785 = arith.constant 0 : i32
    %dma_wait3A_786 = tpu.memref_slice %arg9[%dma_wait3A_785] : memref<524288xf32, #tpu.memory_space<vmem_shared>> -> memref<524288xf32, #tpu.memory_space<vmem_shared>>
    tpu.wait_indirect_dma semaphore(%arg12 : memref<!tpu.dma_semaphore, #tpu.memory_space<semaphore_mem>>) src(%dma_wait3A_781 : memref<128xf32, #tpu.memory_space<vmem>>) dst(%dma_wait3A_786 : memref<524288xf32, #tpu.memory_space<vmem_shared>>)
    %dma_wait3A_787 = arith.constant 31 : i32
    %dma_wait3A_788 = arith.constant 31 : i32
    %dma_wait3A_789 = arith.constant 0 : i32
    %dma_wait3A_790 = tpu.memref_slice %arg7[%dma_wait3A_787, %dma_wait3A_789] : memref<32x128xf32, #tpu.memory_space<vmem>> -> memref<1x128xf32, #tpu.memory_space<vmem>>
    %dma_wait3A_791 = tpu.memref_squeeze %dma_wait3A_790 : memref<1x128xf32, #tpu.memory_space<vmem>> -> memref<128xf32, #tpu.memory_space<vmem>>
    %dma_wait3A_792 = arith.constant 0 : i32
    %dma_wait3A_793 = tpu.memref_slice %arg6[%dma_wait3A_788, %dma_wait3A_792] : memref<32x128xi32, #tpu.memory_space<vmem>> -> memref<1x128xi32, #tpu.memory_space<vmem>>
    %dma_wait3A_794 = tpu.memref_squeeze %dma_wait3A_793 : memref<1x128xi32, #tpu.memory_space<vmem>> -> memref<128xi32, #tpu.memory_space<vmem>>
    %dma_wait3A_795 = arith.constant 0 : i32
    %dma_wait3A_796 = tpu.memref_slice %arg9[%dma_wait3A_795] : memref<524288xf32, #tpu.memory_space<vmem_shared>> -> memref<524288xf32, #tpu.memory_space<vmem_shared>>
    tpu.wait_indirect_dma semaphore(%arg12 : memref<!tpu.dma_semaphore, #tpu.memory_space<semaphore_mem>>) src(%dma_wait3A_791 : memref<128xf32, #tpu.memory_space<vmem>>) dst(%dma_wait3A_796 : memref<524288xf32, #tpu.memory_space<vmem_shared>>)
    %barrier3A_797 = arith.constant 0 : index
    tpu.barrier barrier_id(%barrier3A_797)
    %mul3A_798 = arith.constant 512 : i32
    %mul3A_799 = arith.muli %arg0, %mul3A_798 : i32
    %mul3A_800 = arith.constant 32 : i32
    %mul3A_801 = arith.muli %arg1, %mul3A_800 : i32
    %add3A_802 = arith.addi %mul3A_799, %mul3A_801 : i32
    %mul3A_803 = arith.constant 32768 : i32
    %mul3A_804 = arith.muli %arg1, %mul3A_803 : i32
    %add3A_805 = arith.constant 0 : i32
    %add3A_806 = arith.addi %mul3A_804, %add3A_805 : i32
    %add3A_807 = arith.constant 0 : i32
    %add3A_808 = arith.addi %add3A_802, %add3A_807 : i32
    %dma_start3A_809 = arith.constant 0 : i32
    %dma_start3A_810 = tpu.memref_slice %arg3[%add3A_808, %dma_start3A_809] : memref<1024x1024xf32, #tpu.memory_space<hbm>> -> memref<1x1024xf32, #tpu.memory_space<hbm>>
    %dma_start3A_811 = tpu.memref_squeeze %dma_start3A_810 : memref<1x1024xf32, #tpu.memory_space<hbm>> -> memref<1024xf32, #tpu.memory_space<hbm>>
    %dma_start3A_812 = tpu.memref_slice %arg9[%add3A_806] : memref<524288xf32, #tpu.memory_space<vmem_shared>> -> memref<1024xf32, #tpu.memory_space<vmem_shared>>
    tpu.enqueue_dma source(%dma_start3A_812 : memref<1024xf32, #tpu.memory_space<vmem_shared>>) target(%dma_start3A_811 : memref<1024xf32, #tpu.memory_space<hbm>>) target_semaphore(%arg10 : memref<!tpu.dma_semaphore, #tpu.memory_space<semaphore_mem>>)
    %mul3A_813 = arith.constant 32768 : i32
    %mul3A_814 = arith.muli %arg1, %mul3A_813 : i32
    %add3A_815 = arith.constant 1024 : i32
    %add3A_816 = arith.addi %mul3A_814, %add3A_815 : i32
    %add3A_817 = arith.constant 1 : i32
    %add3A_818 = arith.addi %add3A_802, %add3A_817 : i32
    %dma_start3A_819 = arith.constant 0 : i32
    %dma_start3A_820 = tpu.memref_slice %arg3[%add3A_818, %dma_start3A_819] : memref<1024x1024xf32, #tpu.memory_space<hbm>> -> memref<1x1024xf32, #tpu.memory_space<hbm>>
    %dma_start3A_821 = tpu.memref_squeeze %dma_start3A_820 : memref<1x1024xf32, #tpu.memory_space<hbm>> -> memref<1024xf32, #tpu.memory_space<hbm>>
    %dma_start3A_822 = tpu.memref_slice %arg9[%add3A_816] : memref<524288xf32, #tpu.memory_space<vmem_shared>> -> memref<1024xf32, #tpu.memory_space<vmem_shared>>
    tpu.enqueue_dma source(%dma_start3A_822 : memref<1024xf32, #tpu.memory_space<vmem_shared>>) target(%dma_start3A_821 : memref<1024xf32, #tpu.memory_space<hbm>>) target_semaphore(%arg10 : memref<!tpu.dma_semaphore, #tpu.memory_space<semaphore_mem>>)
    %mul3A_823 = arith.constant 32768 : i32
    %mul3A_824 = arith.muli %arg1, %mul3A_823 : i32
    %add3A_825 = arith.constant 2048 : i32
    %add3A_826 = arith.addi %mul3A_824, %add3A_825 : i32
    %add3A_827 = arith.constant 2 : i32
    %add3A_828 = arith.addi %add3A_802, %add3A_827 : i32
    %dma_start3A_829 = arith.constant 0 : i32
    %dma_start3A_830 = tpu.memref_slice %arg3[%add3A_828, %dma_start3A_829] : memref<1024x1024xf32, #tpu.memory_space<hbm>> -> memref<1x1024xf32, #tpu.memory_space<hbm>>
    %dma_start3A_831 = tpu.memref_squeeze %dma_start3A_830 : memref<1x1024xf32, #tpu.memory_space<hbm>> -> memref<1024xf32, #tpu.memory_space<hbm>>
    %dma_start3A_832 = tpu.memref_slice %arg9[%add3A_826] : memref<524288xf32, #tpu.memory_space<vmem_shared>> -> memref<1024xf32, #tpu.memory_space<vmem_shared>>
    tpu.enqueue_dma source(%dma_start3A_832 : memref<1024xf32, #tpu.memory_space<vmem_shared>>) target(%dma_start3A_831 : memref<1024xf32, #tpu.memory_space<hbm>>) target_semaphore(%arg10 : memref<!tpu.dma_semaphore, #tpu.memory_space<semaphore_mem>>)
    %mul3A_833 = arith.constant 32768 : i32
    %mul3A_834 = arith.muli %arg1, %mul3A_833 : i32
    %add3A_835 = arith.constant 3072 : i32
    %add3A_836 = arith.addi %mul3A_834, %add3A_835 : i32
    %add3A_837 = arith.constant 3 : i32
    %add3A_838 = arith.addi %add3A_802, %add3A_837 : i32
    %dma_start3A_839 = arith.constant 0 : i32
    %dma_start3A_840 = tpu.memref_slice %arg3[%add3A_838, %dma_start3A_839] : memref<1024x1024xf32, #tpu.memory_space<hbm>> -> memref<1x1024xf32, #tpu.memory_space<hbm>>
    %dma_start3A_841 = tpu.memref_squeeze %dma_start3A_840 : memref<1x1024xf32, #tpu.memory_space<hbm>> -> memref<1024xf32, #tpu.memory_space<hbm>>
    %dma_start3A_842 = tpu.memref_slice %arg9[%add3A_836] : memref<524288xf32, #tpu.memory_space<vmem_shared>> -> memref<1024xf32, #tpu.memory_space<vmem_shared>>
    tpu.enqueue_dma source(%dma_start3A_842 : memref<1024xf32, #tpu.memory_space<vmem_shared>>) target(%dma_start3A_841 : memref<1024xf32, #tpu.memory_space<hbm>>) target_semaphore(%arg10 : memref<!tpu.dma_semaphore, #tpu.memory_space<semaphore_mem>>)
    %mul3A_843 = arith.constant 32768 : i32
    %mul3A_844 = arith.muli %arg1, %mul3A_843 : i32
    %add3A_845 = arith.constant 4096 : i32
    %add3A_846 = arith.addi %mul3A_844, %add3A_845 : i32
    %add3A_847 = arith.constant 4 : i32
    %add3A_848 = arith.addi %add3A_802, %add3A_847 : i32
    %dma_start3A_849 = arith.constant 0 : i32
    %dma_start3A_850 = tpu.memref_slice %arg3[%add3A_848, %dma_start3A_849] : memref<1024x1024xf32, #tpu.memory_space<hbm>> -> memref<1x1024xf32, #tpu.memory_space<hbm>>
    %dma_start3A_851 = tpu.memref_squeeze %dma_start3A_850 : memref<1x1024xf32, #tpu.memory_space<hbm>> -> memref<1024xf32, #tpu.memory_space<hbm>>
    %dma_start3A_852 = tpu.memref_slice %arg9[%add3A_846] : memref<524288xf32, #tpu.memory_space<vmem_shared>> -> memref<1024xf32, #tpu.memory_space<vmem_shared>>
    tpu.enqueue_dma source(%dma_start3A_852 : memref<1024xf32, #tpu.memory_space<vmem_shared>>) target(%dma_start3A_851 : memref<1024xf32, #tpu.memory_space<hbm>>) target_semaphore(%arg10 : memref<!tpu.dma_semaphore, #tpu.memory_space<semaphore_mem>>)
    %mul3A_853 = arith.constant 32768 : i32
    %mul3A_854 = arith.muli %arg1, %mul3A_853 : i32
    %add3A_855 = arith.constant 5120 : i32
    %add3A_856 = arith.addi %mul3A_854, %add3A_855 : i32
    %add3A_857 = arith.constant 5 : i32
    %add3A_858 = arith.addi %add3A_802, %add3A_857 : i32
    %dma_start3A_859 = arith.constant 0 : i32
    %dma_start3A_860 = tpu.memref_slice %arg3[%add3A_858, %dma_start3A_859] : memref<1024x1024xf32, #tpu.memory_space<hbm>> -> memref<1x1024xf32, #tpu.memory_space<hbm>>
    %dma_start3A_861 = tpu.memref_squeeze %dma_start3A_860 : memref<1x1024xf32, #tpu.memory_space<hbm>> -> memref<1024xf32, #tpu.memory_space<hbm>>
    %dma_start3A_862 = tpu.memref_slice %arg9[%add3A_856] : memref<524288xf32, #tpu.memory_space<vmem_shared>> -> memref<1024xf32, #tpu.memory_space<vmem_shared>>
    tpu.enqueue_dma source(%dma_start3A_862 : memref<1024xf32, #tpu.memory_space<vmem_shared>>) target(%dma_start3A_861 : memref<1024xf32, #tpu.memory_space<hbm>>) target_semaphore(%arg10 : memref<!tpu.dma_semaphore, #tpu.memory_space<semaphore_mem>>)
    %mul3A_863 = arith.constant 32768 : i32
    %mul3A_864 = arith.muli %arg1, %mul3A_863 : i32
    %add3A_865 = arith.constant 6144 : i32
    %add3A_866 = arith.addi %mul3A_864, %add3A_865 : i32
    %add3A_867 = arith.constant 6 : i32
    %add3A_868 = arith.addi %add3A_802, %add3A_867 : i32
    %dma_start3A_869 = arith.constant 0 : i32
    %dma_start3A_870 = tpu.memref_slice %arg3[%add3A_868, %dma_start3A_869] : memref<1024x1024xf32, #tpu.memory_space<hbm>> -> memref<1x1024xf32, #tpu.memory_space<hbm>>
    %dma_start3A_871 = tpu.memref_squeeze %dma_start3A_870 : memref<1x1024xf32, #tpu.memory_space<hbm>> -> memref<1024xf32, #tpu.memory_space<hbm>>
    %dma_start3A_872 = tpu.memref_slice %arg9[%add3A_866] : memref<524288xf32, #tpu.memory_space<vmem_shared>> -> memref<1024xf32, #tpu.memory_space<vmem_shared>>
    tpu.enqueue_dma source(%dma_start3A_872 : memref<1024xf32, #tpu.memory_space<vmem_shared>>) target(%dma_start3A_871 : memref<1024xf32, #tpu.memory_space<hbm>>) target_semaphore(%arg10 : memref<!tpu.dma_semaphore, #tpu.memory_space<semaphore_mem>>)
    %mul3A_873 = arith.constant 32768 : i32
    %mul3A_874 = arith.muli %arg1, %mul3A_873 : i32
    %add3A_875 = arith.constant 7168 : i32
    %add3A_876 = arith.addi %mul3A_874, %add3A_875 : i32
    %add3A_877 = arith.constant 7 : i32
    %add3A_878 = arith.addi %add3A_802, %add3A_877 : i32
    %dma_start3A_879 = arith.constant 0 : i32
    %dma_start3A_880 = tpu.memref_slice %arg3[%add3A_878, %dma_start3A_879] : memref<1024x1024xf32, #tpu.memory_space<hbm>> -> memref<1x1024xf32, #tpu.memory_space<hbm>>
    %dma_start3A_881 = tpu.memref_squeeze %dma_start3A_880 : memref<1x1024xf32, #tpu.memory_space<hbm>> -> memref<1024xf32, #tpu.memory_space<hbm>>
    %dma_start3A_882 = tpu.memref_slice %arg9[%add3A_876] : memref<524288xf32, #tpu.memory_space<vmem_shared>> -> memref<1024xf32, #tpu.memory_space<vmem_shared>>
    tpu.enqueue_dma source(%dma_start3A_882 : memref<1024xf32, #tpu.memory_space<vmem_shared>>) target(%dma_start3A_881 : memref<1024xf32, #tpu.memory_space<hbm>>) target_semaphore(%arg10 : memref<!tpu.dma_semaphore, #tpu.memory_space<semaphore_mem>>)
    %mul3A_883 = arith.constant 32768 : i32
    %mul3A_884 = arith.muli %arg1, %mul3A_883 : i32
    %add3A_885 = arith.constant 8192 : i32
    %add3A_886 = arith.addi %mul3A_884, %add3A_885 : i32
    %add3A_887 = arith.constant 8 : i32
    %add3A_888 = arith.addi %add3A_802, %add3A_887 : i32
    %dma_start3A_889 = arith.constant 0 : i32
    %dma_start3A_890 = tpu.memref_slice %arg3[%add3A_888, %dma_start3A_889] : memref<1024x1024xf32, #tpu.memory_space<hbm>> -> memref<1x1024xf32, #tpu.memory_space<hbm>>
    %dma_start3A_891 = tpu.memref_squeeze %dma_start3A_890 : memref<1x1024xf32, #tpu.memory_space<hbm>> -> memref<1024xf32, #tpu.memory_space<hbm>>
    %dma_start3A_892 = tpu.memref_slice %arg9[%add3A_886] : memref<524288xf32, #tpu.memory_space<vmem_shared>> -> memref<1024xf32, #tpu.memory_space<vmem_shared>>
    tpu.enqueue_dma source(%dma_start3A_892 : memref<1024xf32, #tpu.memory_space<vmem_shared>>) target(%dma_start3A_891 : memref<1024xf32, #tpu.memory_space<hbm>>) target_semaphore(%arg10 : memref<!tpu.dma_semaphore, #tpu.memory_space<semaphore_mem>>)
    %mul3A_893 = arith.constant 32768 : i32
    %mul3A_894 = arith.muli %arg1, %mul3A_893 : i32
    %add3A_895 = arith.constant 9216 : i32
    %add3A_896 = arith.addi %mul3A_894, %add3A_895 : i32
    %add3A_897 = arith.constant 9 : i32
    %add3A_898 = arith.addi %add3A_802, %add3A_897 : i32
    %dma_start3A_899 = arith.constant 0 : i32
    %dma_start3A_900 = tpu.memref_slice %arg3[%add3A_898, %dma_start3A_899] : memref<1024x1024xf32, #tpu.memory_space<hbm>> -> memref<1x1024xf32, #tpu.memory_space<hbm>>
    %dma_start3A_901 = tpu.memref_squeeze %dma_start3A_900 : memref<1x1024xf32, #tpu.memory_space<hbm>> -> memref<1024xf32, #tpu.memory_space<hbm>>
    %dma_start3A_902 = tpu.memref_slice %arg9[%add3A_896] : memref<524288xf32, #tpu.memory_space<vmem_shared>> -> memref<1024xf32, #tpu.memory_space<vmem_shared>>
    tpu.enqueue_dma source(%dma_start3A_902 : memref<1024xf32, #tpu.memory_space<vmem_shared>>) target(%dma_start3A_901 : memref<1024xf32, #tpu.memory_space<hbm>>) target_semaphore(%arg10 : memref<!tpu.dma_semaphore, #tpu.memory_space<semaphore_mem>>)
    %mul3A_903 = arith.constant 32768 : i32
    %mul3A_904 = arith.muli %arg1, %mul3A_903 : i32
    %add3A_905 = arith.constant 10240 : i32
    %add3A_906 = arith.addi %mul3A_904, %add3A_905 : i32
    %add3A_907 = arith.constant 10 : i32
    %add3A_908 = arith.addi %add3A_802, %add3A_907 : i32
    %dma_start3A_909 = arith.constant 0 : i32
    %dma_start3A_910 = tpu.memref_slice %arg3[%add3A_908, %dma_start3A_909] : memref<1024x1024xf32, #tpu.memory_space<hbm>> -> memref<1x1024xf32, #tpu.memory_space<hbm>>
    %dma_start3A_911 = tpu.memref_squeeze %dma_start3A_910 : memref<1x1024xf32, #tpu.memory_space<hbm>> -> memref<1024xf32, #tpu.memory_space<hbm>>
    %dma_start3A_912 = tpu.memref_slice %arg9[%add3A_906] : memref<524288xf32, #tpu.memory_space<vmem_shared>> -> memref<1024xf32, #tpu.memory_space<vmem_shared>>
    tpu.enqueue_dma source(%dma_start3A_912 : memref<1024xf32, #tpu.memory_space<vmem_shared>>) target(%dma_start3A_911 : memref<1024xf32, #tpu.memory_space<hbm>>) target_semaphore(%arg10 : memref<!tpu.dma_semaphore, #tpu.memory_space<semaphore_mem>>)
    %mul3A_913 = arith.constant 32768 : i32
    %mul3A_914 = arith.muli %arg1, %mul3A_913 : i32
    %add3A_915 = arith.constant 11264 : i32
    %add3A_916 = arith.addi %mul3A_914, %add3A_915 : i32
    %add3A_917 = arith.constant 11 : i32
    %add3A_918 = arith.addi %add3A_802, %add3A_917 : i32
    %dma_start3A_919 = arith.constant 0 : i32
    %dma_start3A_920 = tpu.memref_slice %arg3[%add3A_918, %dma_start3A_919] : memref<1024x1024xf32, #tpu.memory_space<hbm>> -> memref<1x1024xf32, #tpu.memory_space<hbm>>
    %dma_start3A_921 = tpu.memref_squeeze %dma_start3A_920 : memref<1x1024xf32, #tpu.memory_space<hbm>> -> memref<1024xf32, #tpu.memory_space<hbm>>
    %dma_start3A_922 = tpu.memref_slice %arg9[%add3A_916] : memref<524288xf32, #tpu.memory_space<vmem_shared>> -> memref<1024xf32, #tpu.memory_space<vmem_shared>>
    tpu.enqueue_dma source(%dma_start3A_922 : memref<1024xf32, #tpu.memory_space<vmem_shared>>) target(%dma_start3A_921 : memref<1024xf32, #tpu.memory_space<hbm>>) target_semaphore(%arg10 : memref<!tpu.dma_semaphore, #tpu.memory_space<semaphore_mem>>)
    %mul3A_923 = arith.constant 32768 : i32
    %mul3A_924 = arith.muli %arg1, %mul3A_923 : i32
    %add3A_925 = arith.constant 12288 : i32
    %add3A_926 = arith.addi %mul3A_924, %add3A_925 : i32
    %add3A_927 = arith.constant 12 : i32
    %add3A_928 = arith.addi %add3A_802, %add3A_927 : i32
    %dma_start3A_929 = arith.constant 0 : i32
    %dma_start3A_930 = tpu.memref_slice %arg3[%add3A_928, %dma_start3A_929] : memref<1024x1024xf32, #tpu.memory_space<hbm>> -> memref<1x1024xf32, #tpu.memory_space<hbm>>
    %dma_start3A_931 = tpu.memref_squeeze %dma_start3A_930 : memref<1x1024xf32, #tpu.memory_space<hbm>> -> memref<1024xf32, #tpu.memory_space<hbm>>
    %dma_start3A_932 = tpu.memref_slice %arg9[%add3A_926] : memref<524288xf32, #tpu.memory_space<vmem_shared>> -> memref<1024xf32, #tpu.memory_space<vmem_shared>>
    tpu.enqueue_dma source(%dma_start3A_932 : memref<1024xf32, #tpu.memory_space<vmem_shared>>) target(%dma_start3A_931 : memref<1024xf32, #tpu.memory_space<hbm>>) target_semaphore(%arg10 : memref<!tpu.dma_semaphore, #tpu.memory_space<semaphore_mem>>)
    %mul3A_933 = arith.constant 32768 : i32
    %mul3A_934 = arith.muli %arg1, %mul3A_933 : i32
    %add3A_935 = arith.constant 13312 : i32
    %add3A_936 = arith.addi %mul3A_934, %add3A_935 : i32
    %add3A_937 = arith.constant 13 : i32
    %add3A_938 = arith.addi %add3A_802, %add3A_937 : i32
    %dma_start3A_939 = arith.constant 0 : i32
    %dma_start3A_940 = tpu.memref_slice %arg3[%add3A_938, %dma_start3A_939] : memref<1024x1024xf32, #tpu.memory_space<hbm>> -> memref<1x1024xf32, #tpu.memory_space<hbm>>
    %dma_start3A_941 = tpu.memref_squeeze %dma_start3A_940 : memref<1x1024xf32, #tpu.memory_space<hbm>> -> memref<1024xf32, #tpu.memory_space<hbm>>
    %dma_start3A_942 = tpu.memref_slice %arg9[%add3A_936] : memref<524288xf32, #tpu.memory_space<vmem_shared>> -> memref<1024xf32, #tpu.memory_space<vmem_shared>>
    tpu.enqueue_dma source(%dma_start3A_942 : memref<1024xf32, #tpu.memory_space<vmem_shared>>) target(%dma_start3A_941 : memref<1024xf32, #tpu.memory_space<hbm>>) target_semaphore(%arg10 : memref<!tpu.dma_semaphore, #tpu.memory_space<semaphore_mem>>)
    %mul3A_943 = arith.constant 32768 : i32
    %mul3A_944 = arith.muli %arg1, %mul3A_943 : i32
    %add3A_945 = arith.constant 14336 : i32
    %add3A_946 = arith.addi %mul3A_944, %add3A_945 : i32
    %add3A_947 = arith.constant 14 : i32
    %add3A_948 = arith.addi %add3A_802, %add3A_947 : i32
    %dma_start3A_949 = arith.constant 0 : i32
    %dma_start3A_950 = tpu.memref_slice %arg3[%add3A_948, %dma_start3A_949] : memref<1024x1024xf32, #tpu.memory_space<hbm>> -> memref<1x1024xf32, #tpu.memory_space<hbm>>
    %dma_start3A_951 = tpu.memref_squeeze %dma_start3A_950 : memref<1x1024xf32, #tpu.memory_space<hbm>> -> memref<1024xf32, #tpu.memory_space<hbm>>
    %dma_start3A_952 = tpu.memref_slice %arg9[%add3A_946] : memref<524288xf32, #tpu.memory_space<vmem_shared>> -> memref<1024xf32, #tpu.memory_space<vmem_shared>>
    tpu.enqueue_dma source(%dma_start3A_952 : memref<1024xf32, #tpu.memory_space<vmem_shared>>) target(%dma_start3A_951 : memref<1024xf32, #tpu.memory_space<hbm>>) target_semaphore(%arg10 : memref<!tpu.dma_semaphore, #tpu.memory_space<semaphore_mem>>)
    %mul3A_953 = arith.constant 32768 : i32
    %mul3A_954 = arith.muli %arg1, %mul3A_953 : i32
    %add3A_955 = arith.constant 15360 : i32
    %add3A_956 = arith.addi %mul3A_954, %add3A_955 : i32
    %add3A_957 = arith.constant 15 : i32
    %add3A_958 = arith.addi %add3A_802, %add3A_957 : i32
    %dma_start3A_959 = arith.constant 0 : i32
    %dma_start3A_960 = tpu.memref_slice %arg3[%add3A_958, %dma_start3A_959] : memref<1024x1024xf32, #tpu.memory_space<hbm>> -> memref<1x1024xf32, #tpu.memory_space<hbm>>
    %dma_start3A_961 = tpu.memref_squeeze %dma_start3A_960 : memref<1x1024xf32, #tpu.memory_space<hbm>> -> memref<1024xf32, #tpu.memory_space<hbm>>
    %dma_start3A_962 = tpu.memref_slice %arg9[%add3A_956] : memref<524288xf32, #tpu.memory_space<vmem_shared>> -> memref<1024xf32, #tpu.memory_space<vmem_shared>>
    tpu.enqueue_dma source(%dma_start3A_962 : memref<1024xf32, #tpu.memory_space<vmem_shared>>) target(%dma_start3A_961 : memref<1024xf32, #tpu.memory_space<hbm>>) target_semaphore(%arg10 : memref<!tpu.dma_semaphore, #tpu.memory_space<semaphore_mem>>)
    %mul3A_963 = arith.constant 32768 : i32
    %mul3A_964 = arith.muli %arg1, %mul3A_963 : i32
    %add3A_965 = arith.constant 16384 : i32
    %add3A_966 = arith.addi %mul3A_964, %add3A_965 : i32
    %add3A_967 = arith.constant 16 : i32
    %add3A_968 = arith.addi %add3A_802, %add3A_967 : i32
    %dma_start3A_969 = arith.constant 0 : i32
    %dma_start3A_970 = tpu.memref_slice %arg3[%add3A_968, %dma_start3A_969] : memref<1024x1024xf32, #tpu.memory_space<hbm>> -> memref<1x1024xf32, #tpu.memory_space<hbm>>
    %dma_start3A_971 = tpu.memref_squeeze %dma_start3A_970 : memref<1x1024xf32, #tpu.memory_space<hbm>> -> memref<1024xf32, #tpu.memory_space<hbm>>
    %dma_start3A_972 = tpu.memref_slice %arg9[%add3A_966] : memref<524288xf32, #tpu.memory_space<vmem_shared>> -> memref<1024xf32, #tpu.memory_space<vmem_shared>>
    tpu.enqueue_dma source(%dma_start3A_972 : memref<1024xf32, #tpu.memory_space<vmem_shared>>) target(%dma_start3A_971 : memref<1024xf32, #tpu.memory_space<hbm>>) target_semaphore(%arg10 : memref<!tpu.dma_semaphore, #tpu.memory_space<semaphore_mem>>)
    %mul3A_973 = arith.constant 32768 : i32
    %mul3A_974 = arith.muli %arg1, %mul3A_973 : i32
    %add3A_975 = arith.constant 17408 : i32
    %add3A_976 = arith.addi %mul3A_974, %add3A_975 : i32
    %add3A_977 = arith.constant 17 : i32
    %add3A_978 = arith.addi %add3A_802, %add3A_977 : i32
    %dma_start3A_979 = arith.constant 0 : i32
    %dma_start3A_980 = tpu.memref_slice %arg3[%add3A_978, %dma_start3A_979] : memref<1024x1024xf32, #tpu.memory_space<hbm>> -> memref<1x1024xf32, #tpu.memory_space<hbm>>
    %dma_start3A_981 = tpu.memref_squeeze %dma_start3A_980 : memref<1x1024xf32, #tpu.memory_space<hbm>> -> memref<1024xf32, #tpu.memory_space<hbm>>
    %dma_start3A_982 = tpu.memref_slice %arg9[%add3A_976] : memref<524288xf32, #tpu.memory_space<vmem_shared>> -> memref<1024xf32, #tpu.memory_space<vmem_shared>>
    tpu.enqueue_dma source(%dma_start3A_982 : memref<1024xf32, #tpu.memory_space<vmem_shared>>) target(%dma_start3A_981 : memref<1024xf32, #tpu.memory_space<hbm>>) target_semaphore(%arg10 : memref<!tpu.dma_semaphore, #tpu.memory_space<semaphore_mem>>)
    %mul3A_983 = arith.constant 32768 : i32
    %mul3A_984 = arith.muli %arg1, %mul3A_983 : i32
    %add3A_985 = arith.constant 18432 : i32
    %add3A_986 = arith.addi %mul3A_984, %add3A_985 : i32
    %add3A_987 = arith.constant 18 : i32
    %add3A_988 = arith.addi %add3A_802, %add3A_987 : i32
    %dma_start3A_989 = arith.constant 0 : i32
    %dma_start3A_990 = tpu.memref_slice %arg3[%add3A_988, %dma_start3A_989] : memref<1024x1024xf32, #tpu.memory_space<hbm>> -> memref<1x1024xf32, #tpu.memory_space<hbm>>
    %dma_start3A_991 = tpu.memref_squeeze %dma_start3A_990 : memref<1x1024xf32, #tpu.memory_space<hbm>> -> memref<1024xf32, #tpu.memory_space<hbm>>
    %dma_start3A_992 = tpu.memref_slice %arg9[%add3A_986] : memref<524288xf32, #tpu.memory_space<vmem_shared>> -> memref<1024xf32, #tpu.memory_space<vmem_shared>>
    tpu.enqueue_dma source(%dma_start3A_992 : memref<1024xf32, #tpu.memory_space<vmem_shared>>) target(%dma_start3A_991 : memref<1024xf32, #tpu.memory_space<hbm>>) target_semaphore(%arg10 : memref<!tpu.dma_semaphore, #tpu.memory_space<semaphore_mem>>)
    %mul3A_993 = arith.constant 32768 : i32
    %mul3A_994 = arith.muli %arg1, %mul3A_993 : i32
    %add3A_995 = arith.constant 19456 : i32
    %add3A_996 = arith.addi %mul3A_994, %add3A_995 : i32
    %add3A_997 = arith.constant 19 : i32
    %add3A_998 = arith.addi %add3A_802, %add3A_997 : i32
    %dma_start3A_999 = arith.constant 0 : i32
    %dma_start3A_1000 = tpu.memref_slice %arg3[%add3A_998, %dma_start3A_999] : memref<1024x1024xf32, #tpu.memory_space<hbm>> -> memref<1x1024xf32, #tpu.memory_space<hbm>>
    %dma_start3A_1001 = tpu.memref_squeeze %dma_start3A_1000 : memref<1x1024xf32, #tpu.memory_space<hbm>> -> memref<1024xf32, #tpu.memory_space<hbm>>
    %dma_start3A_1002 = tpu.memref_slice %arg9[%add3A_996] : memref<524288xf32, #tpu.memory_space<vmem_shared>> -> memref<1024xf32, #tpu.memory_space<vmem_shared>>
    tpu.enqueue_dma source(%dma_start3A_1002 : memref<1024xf32, #tpu.memory_space<vmem_shared>>) target(%dma_start3A_1001 : memref<1024xf32, #tpu.memory_space<hbm>>) target_semaphore(%arg10 : memref<!tpu.dma_semaphore, #tpu.memory_space<semaphore_mem>>)
    %mul3A_1003 = arith.constant 32768 : i32
    %mul3A_1004 = arith.muli %arg1, %mul3A_1003 : i32
    %add3A_1005 = arith.constant 20480 : i32
    %add3A_1006 = arith.addi %mul3A_1004, %add3A_1005 : i32
    %add3A_1007 = arith.constant 20 : i32
    %add3A_1008 = arith.addi %add3A_802, %add3A_1007 : i32
    %dma_start3A_1009 = arith.constant 0 : i32
    %dma_start3A_1010 = tpu.memref_slice %arg3[%add3A_1008, %dma_start3A_1009] : memref<1024x1024xf32, #tpu.memory_space<hbm>> -> memref<1x1024xf32, #tpu.memory_space<hbm>>
    %dma_start3A_1011 = tpu.memref_squeeze %dma_start3A_1010 : memref<1x1024xf32, #tpu.memory_space<hbm>> -> memref<1024xf32, #tpu.memory_space<hbm>>
    %dma_start3A_1012 = tpu.memref_slice %arg9[%add3A_1006] : memref<524288xf32, #tpu.memory_space<vmem_shared>> -> memref<1024xf32, #tpu.memory_space<vmem_shared>>
    tpu.enqueue_dma source(%dma_start3A_1012 : memref<1024xf32, #tpu.memory_space<vmem_shared>>) target(%dma_start3A_1011 : memref<1024xf32, #tpu.memory_space<hbm>>) target_semaphore(%arg10 : memref<!tpu.dma_semaphore, #tpu.memory_space<semaphore_mem>>)
    %mul3A_1013 = arith.constant 32768 : i32
    %mul3A_1014 = arith.muli %arg1, %mul3A_1013 : i32
    %add3A_1015 = arith.constant 21504 : i32
    %add3A_1016 = arith.addi %mul3A_1014, %add3A_1015 : i32
    %add3A_1017 = arith.constant 21 : i32
    %add3A_1018 = arith.addi %add3A_802, %add3A_1017 : i32
    %dma_start3A_1019 = arith.constant 0 : i32
    %dma_start3A_1020 = tpu.memref_slice %arg3[%add3A_1018, %dma_start3A_1019] : memref<1024x1024xf32, #tpu.memory_space<hbm>> -> memref<1x1024xf32, #tpu.memory_space<hbm>>
    %dma_start3A_1021 = tpu.memref_squeeze %dma_start3A_1020 : memref<1x1024xf32, #tpu.memory_space<hbm>> -> memref<1024xf32, #tpu.memory_space<hbm>>
    %dma_start3A_1022 = tpu.memref_slice %arg9[%add3A_1016] : memref<524288xf32, #tpu.memory_space<vmem_shared>> -> memref<1024xf32, #tpu.memory_space<vmem_shared>>
    tpu.enqueue_dma source(%dma_start3A_1022 : memref<1024xf32, #tpu.memory_space<vmem_shared>>) target(%dma_start3A_1021 : memref<1024xf32, #tpu.memory_space<hbm>>) target_semaphore(%arg10 : memref<!tpu.dma_semaphore, #tpu.memory_space<semaphore_mem>>)
    %mul3A_1023 = arith.constant 32768 : i32
    %mul3A_1024 = arith.muli %arg1, %mul3A_1023 : i32
    %add3A_1025 = arith.constant 22528 : i32
    %add3A_1026 = arith.addi %mul3A_1024, %add3A_1025 : i32
    %add3A_1027 = arith.constant 22 : i32
    %add3A_1028 = arith.addi %add3A_802, %add3A_1027 : i32
    %dma_start3A_1029 = arith.constant 0 : i32
    %dma_start3A_1030 = tpu.memref_slice %arg3[%add3A_1028, %dma_start3A_1029] : memref<1024x1024xf32, #tpu.memory_space<hbm>> -> memref<1x1024xf32, #tpu.memory_space<hbm>>
    %dma_start3A_1031 = tpu.memref_squeeze %dma_start3A_1030 : memref<1x1024xf32, #tpu.memory_space<hbm>> -> memref<1024xf32, #tpu.memory_space<hbm>>
    %dma_start3A_1032 = tpu.memref_slice %arg9[%add3A_1026] : memref<524288xf32, #tpu.memory_space<vmem_shared>> -> memref<1024xf32, #tpu.memory_space<vmem_shared>>
    tpu.enqueue_dma source(%dma_start3A_1032 : memref<1024xf32, #tpu.memory_space<vmem_shared>>) target(%dma_start3A_1031 : memref<1024xf32, #tpu.memory_space<hbm>>) target_semaphore(%arg10 : memref<!tpu.dma_semaphore, #tpu.memory_space<semaphore_mem>>)
    %mul3A_1033 = arith.constant 32768 : i32
    %mul3A_1034 = arith.muli %arg1, %mul3A_1033 : i32
    %add3A_1035 = arith.constant 23552 : i32
    %add3A_1036 = arith.addi %mul3A_1034, %add3A_1035 : i32
    %add3A_1037 = arith.constant 23 : i32
    %add3A_1038 = arith.addi %add3A_802, %add3A_1037 : i32
    %dma_start3A_1039 = arith.constant 0 : i32
    %dma_start3A_1040 = tpu.memref_slice %arg3[%add3A_1038, %dma_start3A_1039] : memref<1024x1024xf32, #tpu.memory_space<hbm>> -> memref<1x1024xf32, #tpu.memory_space<hbm>>
    %dma_start3A_1041 = tpu.memref_squeeze %dma_start3A_1040 : memref<1x1024xf32, #tpu.memory_space<hbm>> -> memref<1024xf32, #tpu.memory_space<hbm>>
    %dma_start3A_1042 = tpu.memref_slice %arg9[%add3A_1036] : memref<524288xf32, #tpu.memory_space<vmem_shared>> -> memref<1024xf32, #tpu.memory_space<vmem_shared>>
    tpu.enqueue_dma source(%dma_start3A_1042 : memref<1024xf32, #tpu.memory_space<vmem_shared>>) target(%dma_start3A_1041 : memref<1024xf32, #tpu.memory_space<hbm>>) target_semaphore(%arg10 : memref<!tpu.dma_semaphore, #tpu.memory_space<semaphore_mem>>)
    %mul3A_1043 = arith.constant 32768 : i32
    %mul3A_1044 = arith.muli %arg1, %mul3A_1043 : i32
    %add3A_1045 = arith.constant 24576 : i32
    %add3A_1046 = arith.addi %mul3A_1044, %add3A_1045 : i32
    %add3A_1047 = arith.constant 24 : i32
    %add3A_1048 = arith.addi %add3A_802, %add3A_1047 : i32
    %dma_start3A_1049 = arith.constant 0 : i32
    %dma_start3A_1050 = tpu.memref_slice %arg3[%add3A_1048, %dma_start3A_1049] : memref<1024x1024xf32, #tpu.memory_space<hbm>> -> memref<1x1024xf32, #tpu.memory_space<hbm>>
    %dma_start3A_1051 = tpu.memref_squeeze %dma_start3A_1050 : memref<1x1024xf32, #tpu.memory_space<hbm>> -> memref<1024xf32, #tpu.memory_space<hbm>>
    %dma_start3A_1052 = tpu.memref_slice %arg9[%add3A_1046] : memref<524288xf32, #tpu.memory_space<vmem_shared>> -> memref<1024xf32, #tpu.memory_space<vmem_shared>>
    tpu.enqueue_dma source(%dma_start3A_1052 : memref<1024xf32, #tpu.memory_space<vmem_shared>>) target(%dma_start3A_1051 : memref<1024xf32, #tpu.memory_space<hbm>>) target_semaphore(%arg10 : memref<!tpu.dma_semaphore, #tpu.memory_space<semaphore_mem>>)
    %mul3A_1053 = arith.constant 32768 : i32
    %mul3A_1054 = arith.muli %arg1, %mul3A_1053 : i32
    %add3A_1055 = arith.constant 25600 : i32
    %add3A_1056 = arith.addi %mul3A_1054, %add3A_1055 : i32
    %add3A_1057 = arith.constant 25 : i32
    %add3A_1058 = arith.addi %add3A_802, %add3A_1057 : i32
    %dma_start3A_1059 = arith.constant 0 : i32
    %dma_start3A_1060 = tpu.memref_slice %arg3[%add3A_1058, %dma_start3A_1059] : memref<1024x1024xf32, #tpu.memory_space<hbm>> -> memref<1x1024xf32, #tpu.memory_space<hbm>>
    %dma_start3A_1061 = tpu.memref_squeeze %dma_start3A_1060 : memref<1x1024xf32, #tpu.memory_space<hbm>> -> memref<1024xf32, #tpu.memory_space<hbm>>
    %dma_start3A_1062 = tpu.memref_slice %arg9[%add3A_1056] : memref<524288xf32, #tpu.memory_space<vmem_shared>> -> memref<1024xf32, #tpu.memory_space<vmem_shared>>
    tpu.enqueue_dma source(%dma_start3A_1062 : memref<1024xf32, #tpu.memory_space<vmem_shared>>) target(%dma_start3A_1061 : memref<1024xf32, #tpu.memory_space<hbm>>) target_semaphore(%arg10 : memref<!tpu.dma_semaphore, #tpu.memory_space<semaphore_mem>>)
    %mul3A_1063 = arith.constant 32768 : i32
    %mul3A_1064 = arith.muli %arg1, %mul3A_1063 : i32
    %add3A_1065 = arith.constant 26624 : i32
    %add3A_1066 = arith.addi %mul3A_1064, %add3A_1065 : i32
    %add3A_1067 = arith.constant 26 : i32
    %add3A_1068 = arith.addi %add3A_802, %add3A_1067 : i32
    %dma_start3A_1069 = arith.constant 0 : i32
    %dma_start3A_1070 = tpu.memref_slice %arg3[%add3A_1068, %dma_start3A_1069] : memref<1024x1024xf32, #tpu.memory_space<hbm>> -> memref<1x1024xf32, #tpu.memory_space<hbm>>
    %dma_start3A_1071 = tpu.memref_squeeze %dma_start3A_1070 : memref<1x1024xf32, #tpu.memory_space<hbm>> -> memref<1024xf32, #tpu.memory_space<hbm>>
    %dma_start3A_1072 = tpu.memref_slice %arg9[%add3A_1066] : memref<524288xf32, #tpu.memory_space<vmem_shared>> -> memref<1024xf32, #tpu.memory_space<vmem_shared>>
    tpu.enqueue_dma source(%dma_start3A_1072 : memref<1024xf32, #tpu.memory_space<vmem_shared>>) target(%dma_start3A_1071 : memref<1024xf32, #tpu.memory_space<hbm>>) target_semaphore(%arg10 : memref<!tpu.dma_semaphore, #tpu.memory_space<semaphore_mem>>)
    %mul3A_1073 = arith.constant 32768 : i32
    %mul3A_1074 = arith.muli %arg1, %mul3A_1073 : i32
    %add3A_1075 = arith.constant 27648 : i32
    %add3A_1076 = arith.addi %mul3A_1074, %add3A_1075 : i32
    %add3A_1077 = arith.constant 27 : i32
    %add3A_1078 = arith.addi %add3A_802, %add3A_1077 : i32
    %dma_start3A_1079 = arith.constant 0 : i32
    %dma_start3A_1080 = tpu.memref_slice %arg3[%add3A_1078, %dma_start3A_1079] : memref<1024x1024xf32, #tpu.memory_space<hbm>> -> memref<1x1024xf32, #tpu.memory_space<hbm>>
    %dma_start3A_1081 = tpu.memref_squeeze %dma_start3A_1080 : memref<1x1024xf32, #tpu.memory_space<hbm>> -> memref<1024xf32, #tpu.memory_space<hbm>>
    %dma_start3A_1082 = tpu.memref_slice %arg9[%add3A_1076] : memref<524288xf32, #tpu.memory_space<vmem_shared>> -> memref<1024xf32, #tpu.memory_space<vmem_shared>>
    tpu.enqueue_dma source(%dma_start3A_1082 : memref<1024xf32, #tpu.memory_space<vmem_shared>>) target(%dma_start3A_1081 : memref<1024xf32, #tpu.memory_space<hbm>>) target_semaphore(%arg10 : memref<!tpu.dma_semaphore, #tpu.memory_space<semaphore_mem>>)
    %mul3A_1083 = arith.constant 32768 : i32
    %mul3A_1084 = arith.muli %arg1, %mul3A_1083 : i32
    %add3A_1085 = arith.constant 28672 : i32
    %add3A_1086 = arith.addi %mul3A_1084, %add3A_1085 : i32
    %add3A_1087 = arith.constant 28 : i32
    %add3A_1088 = arith.addi %add3A_802, %add3A_1087 : i32
    %dma_start3A_1089 = arith.constant 0 : i32
    %dma_start3A_1090 = tpu.memref_slice %arg3[%add3A_1088, %dma_start3A_1089] : memref<1024x1024xf32, #tpu.memory_space<hbm>> -> memref<1x1024xf32, #tpu.memory_space<hbm>>
    %dma_start3A_1091 = tpu.memref_squeeze %dma_start3A_1090 : memref<1x1024xf32, #tpu.memory_space<hbm>> -> memref<1024xf32, #tpu.memory_space<hbm>>
    %dma_start3A_1092 = tpu.memref_slice %arg9[%add3A_1086] : memref<524288xf32, #tpu.memory_space<vmem_shared>> -> memref<1024xf32, #tpu.memory_space<vmem_shared>>
    tpu.enqueue_dma source(%dma_start3A_1092 : memref<1024xf32, #tpu.memory_space<vmem_shared>>) target(%dma_start3A_1091 : memref<1024xf32, #tpu.memory_space<hbm>>) target_semaphore(%arg10 : memref<!tpu.dma_semaphore, #tpu.memory_space<semaphore_mem>>)
    %mul3A_1093 = arith.constant 32768 : i32
    %mul3A_1094 = arith.muli %arg1, %mul3A_1093 : i32
    %add3A_1095 = arith.constant 29696 : i32
    %add3A_1096 = arith.addi %mul3A_1094, %add3A_1095 : i32
    %add3A_1097 = arith.constant 29 : i32
    %add3A_1098 = arith.addi %add3A_802, %add3A_1097 : i32
    %dma_start3A_1099 = arith.constant 0 : i32
    %dma_start3A_1100 = tpu.memref_slice %arg3[%add3A_1098, %dma_start3A_1099] : memref<1024x1024xf32, #tpu.memory_space<hbm>> -> memref<1x1024xf32, #tpu.memory_space<hbm>>
    %dma_start3A_1101 = tpu.memref_squeeze %dma_start3A_1100 : memref<1x1024xf32, #tpu.memory_space<hbm>> -> memref<1024xf32, #tpu.memory_space<hbm>>
    %dma_start3A_1102 = tpu.memref_slice %arg9[%add3A_1096] : memref<524288xf32, #tpu.memory_space<vmem_shared>> -> memref<1024xf32, #tpu.memory_space<vmem_shared>>
    tpu.enqueue_dma source(%dma_start3A_1102 : memref<1024xf32, #tpu.memory_space<vmem_shared>>) target(%dma_start3A_1101 : memref<1024xf32, #tpu.memory_space<hbm>>) target_semaphore(%arg10 : memref<!tpu.dma_semaphore, #tpu.memory_space<semaphore_mem>>)
    %mul3A_1103 = arith.constant 32768 : i32
    %mul3A_1104 = arith.muli %arg1, %mul3A_1103 : i32
    %add3A_1105 = arith.constant 30720 : i32
    %add3A_1106 = arith.addi %mul3A_1104, %add3A_1105 : i32
    %add3A_1107 = arith.constant 30 : i32
    %add3A_1108 = arith.addi %add3A_802, %add3A_1107 : i32
    %dma_start3A_1109 = arith.constant 0 : i32
    %dma_start3A_1110 = tpu.memref_slice %arg3[%add3A_1108, %dma_start3A_1109] : memref<1024x1024xf32, #tpu.memory_space<hbm>> -> memref<1x1024xf32, #tpu.memory_space<hbm>>
    %dma_start3A_1111 = tpu.memref_squeeze %dma_start3A_1110 : memref<1x1024xf32, #tpu.memory_space<hbm>> -> memref<1024xf32, #tpu.memory_space<hbm>>
    %dma_start3A_1112 = tpu.memref_slice %arg9[%add3A_1106] : memref<524288xf32, #tpu.memory_space<vmem_shared>> -> memref<1024xf32, #tpu.memory_space<vmem_shared>>
    tpu.enqueue_dma source(%dma_start3A_1112 : memref<1024xf32, #tpu.memory_space<vmem_shared>>) target(%dma_start3A_1111 : memref<1024xf32, #tpu.memory_space<hbm>>) target_semaphore(%arg10 : memref<!tpu.dma_semaphore, #tpu.memory_space<semaphore_mem>>)
    %mul3A_1113 = arith.constant 32768 : i32
    %mul3A_1114 = arith.muli %arg1, %mul3A_1113 : i32
    %add3A_1115 = arith.constant 31744 : i32
    %add3A_1116 = arith.addi %mul3A_1114, %add3A_1115 : i32
    %add3A_1117 = arith.constant 31 : i32
    %add3A_1118 = arith.addi %add3A_802, %add3A_1117 : i32
    %dma_start3A_1119 = arith.constant 0 : i32
    %dma_start3A_1120 = tpu.memref_slice %arg3[%add3A_1118, %dma_start3A_1119] : memref<1024x1024xf32, #tpu.memory_space<hbm>> -> memref<1x1024xf32, #tpu.memory_space<hbm>>
    %dma_start3A_1121 = tpu.memref_squeeze %dma_start3A_1120 : memref<1x1024xf32, #tpu.memory_space<hbm>> -> memref<1024xf32, #tpu.memory_space<hbm>>
    %dma_start3A_1122 = tpu.memref_slice %arg9[%add3A_1116] : memref<524288xf32, #tpu.memory_space<vmem_shared>> -> memref<1024xf32, #tpu.memory_space<vmem_shared>>
    tpu.enqueue_dma source(%dma_start3A_1122 : memref<1024xf32, #tpu.memory_space<vmem_shared>>) target(%dma_start3A_1121 : memref<1024xf32, #tpu.memory_space<hbm>>) target_semaphore(%arg10 : memref<!tpu.dma_semaphore, #tpu.memory_space<semaphore_mem>>)
    %dma_wait3A_1123 = arith.constant 0 : i32
    %dma_wait3A_1124 = tpu.memref_slice %arg3[%add3A_808, %dma_wait3A_1123] : memref<1024x1024xf32, #tpu.memory_space<hbm>> -> memref<1x1024xf32, #tpu.memory_space<hbm>>
    %dma_wait3A_1125 = tpu.memref_squeeze %dma_wait3A_1124 : memref<1x1024xf32, #tpu.memory_space<hbm>> -> memref<1024xf32, #tpu.memory_space<hbm>>
    %dma_wait3A_1126 = tpu.memref_slice %arg9[%add3A_806] : memref<524288xf32, #tpu.memory_space<vmem_shared>> -> memref<1024xf32, #tpu.memory_space<vmem_shared>>
    tpu.wait_dma2 semaphore(%arg10 : memref<!tpu.dma_semaphore, #tpu.memory_space<semaphore_mem>>) src(%dma_wait3A_1126 : memref<1024xf32, #tpu.memory_space<vmem_shared>>) dst(%dma_wait3A_1125 : memref<1024xf32, #tpu.memory_space<hbm>>)
    %dma_wait3A_1127 = arith.constant 0 : i32
    %dma_wait3A_1128 = tpu.memref_slice %arg3[%add3A_818, %dma_wait3A_1127] : memref<1024x1024xf32, #tpu.memory_space<hbm>> -> memref<1x1024xf32, #tpu.memory_space<hbm>>
    %dma_wait3A_1129 = tpu.memref_squeeze %dma_wait3A_1128 : memref<1x1024xf32, #tpu.memory_space<hbm>> -> memref<1024xf32, #tpu.memory_space<hbm>>
    %dma_wait3A_1130 = tpu.memref_slice %arg9[%add3A_816] : memref<524288xf32, #tpu.memory_space<vmem_shared>> -> memref<1024xf32, #tpu.memory_space<vmem_shared>>
    tpu.wait_dma2 semaphore(%arg10 : memref<!tpu.dma_semaphore, #tpu.memory_space<semaphore_mem>>) src(%dma_wait3A_1130 : memref<1024xf32, #tpu.memory_space<vmem_shared>>) dst(%dma_wait3A_1129 : memref<1024xf32, #tpu.memory_space<hbm>>)
    %dma_wait3A_1131 = arith.constant 0 : i32
    %dma_wait3A_1132 = tpu.memref_slice %arg3[%add3A_828, %dma_wait3A_1131] : memref<1024x1024xf32, #tpu.memory_space<hbm>> -> memref<1x1024xf32, #tpu.memory_space<hbm>>
    %dma_wait3A_1133 = tpu.memref_squeeze %dma_wait3A_1132 : memref<1x1024xf32, #tpu.memory_space<hbm>> -> memref<1024xf32, #tpu.memory_space<hbm>>
    %dma_wait3A_1134 = tpu.memref_slice %arg9[%add3A_826] : memref<524288xf32, #tpu.memory_space<vmem_shared>> -> memref<1024xf32, #tpu.memory_space<vmem_shared>>
    tpu.wait_dma2 semaphore(%arg10 : memref<!tpu.dma_semaphore, #tpu.memory_space<semaphore_mem>>) src(%dma_wait3A_1134 : memref<1024xf32, #tpu.memory_space<vmem_shared>>) dst(%dma_wait3A_1133 : memref<1024xf32, #tpu.memory_space<hbm>>)
    %dma_wait3A_1135 = arith.constant 0 : i32
    %dma_wait3A_1136 = tpu.memref_slice %arg3[%add3A_838, %dma_wait3A_1135] : memref<1024x1024xf32, #tpu.memory_space<hbm>> -> memref<1x1024xf32, #tpu.memory_space<hbm>>
    %dma_wait3A_1137 = tpu.memref_squeeze %dma_wait3A_1136 : memref<1x1024xf32, #tpu.memory_space<hbm>> -> memref<1024xf32, #tpu.memory_space<hbm>>
    %dma_wait3A_1138 = tpu.memref_slice %arg9[%add3A_836] : memref<524288xf32, #tpu.memory_space<vmem_shared>> -> memref<1024xf32, #tpu.memory_space<vmem_shared>>
    tpu.wait_dma2 semaphore(%arg10 : memref<!tpu.dma_semaphore, #tpu.memory_space<semaphore_mem>>) src(%dma_wait3A_1138 : memref<1024xf32, #tpu.memory_space<vmem_shared>>) dst(%dma_wait3A_1137 : memref<1024xf32, #tpu.memory_space<hbm>>)
    %dma_wait3A_1139 = arith.constant 0 : i32
    %dma_wait3A_1140 = tpu.memref_slice %arg3[%add3A_848, %dma_wait3A_1139] : memref<1024x1024xf32, #tpu.memory_space<hbm>> -> memref<1x1024xf32, #tpu.memory_space<hbm>>
    %dma_wait3A_1141 = tpu.memref_squeeze %dma_wait3A_1140 : memref<1x1024xf32, #tpu.memory_space<hbm>> -> memref<1024xf32, #tpu.memory_space<hbm>>
    %dma_wait3A_1142 = tpu.memref_slice %arg9[%add3A_846] : memref<524288xf32, #tpu.memory_space<vmem_shared>> -> memref<1024xf32, #tpu.memory_space<vmem_shared>>
    tpu.wait_dma2 semaphore(%arg10 : memref<!tpu.dma_semaphore, #tpu.memory_space<semaphore_mem>>) src(%dma_wait3A_1142 : memref<1024xf32, #tpu.memory_space<vmem_shared>>) dst(%dma_wait3A_1141 : memref<1024xf32, #tpu.memory_space<hbm>>)
    %dma_wait3A_1143 = arith.constant 0 : i32
    %dma_wait3A_1144 = tpu.memref_slice %arg3[%add3A_858, %dma_wait3A_1143] : memref<1024x1024xf32, #tpu.memory_space<hbm>> -> memref<1x1024xf32, #tpu.memory_space<hbm>>
    %dma_wait3A_1145 = tpu.memref_squeeze %dma_wait3A_1144 : memref<1x1024xf32, #tpu.memory_space<hbm>> -> memref<1024xf32, #tpu.memory_space<hbm>>
    %dma_wait3A_1146 = tpu.memref_slice %arg9[%add3A_856] : memref<524288xf32, #tpu.memory_space<vmem_shared>> -> memref<1024xf32, #tpu.memory_space<vmem_shared>>
    tpu.wait_dma2 semaphore(%arg10 : memref<!tpu.dma_semaphore, #tpu.memory_space<semaphore_mem>>) src(%dma_wait3A_1146 : memref<1024xf32, #tpu.memory_space<vmem_shared>>) dst(%dma_wait3A_1145 : memref<1024xf32, #tpu.memory_space<hbm>>)
    %dma_wait3A_1147 = arith.constant 0 : i32
    %dma_wait3A_1148 = tpu.memref_slice %arg3[%add3A_868, %dma_wait3A_1147] : memref<1024x1024xf32, #tpu.memory_space<hbm>> -> memref<1x1024xf32, #tpu.memory_space<hbm>>
    %dma_wait3A_1149 = tpu.memref_squeeze %dma_wait3A_1148 : memref<1x1024xf32, #tpu.memory_space<hbm>> -> memref<1024xf32, #tpu.memory_space<hbm>>
    %dma_wait3A_1150 = tpu.memref_slice %arg9[%add3A_866] : memref<524288xf32, #tpu.memory_space<vmem_shared>> -> memref<1024xf32, #tpu.memory_space<vmem_shared>>
    tpu.wait_dma2 semaphore(%arg10 : memref<!tpu.dma_semaphore, #tpu.memory_space<semaphore_mem>>) src(%dma_wait3A_1150 : memref<1024xf32, #tpu.memory_space<vmem_shared>>) dst(%dma_wait3A_1149 : memref<1024xf32, #tpu.memory_space<hbm>>)
    %dma_wait3A_1151 = arith.constant 0 : i32
    %dma_wait3A_1152 = tpu.memref_slice %arg3[%add3A_878, %dma_wait3A_1151] : memref<1024x1024xf32, #tpu.memory_space<hbm>> -> memref<1x1024xf32, #tpu.memory_space<hbm>>
    %dma_wait3A_1153 = tpu.memref_squeeze %dma_wait3A_1152 : memref<1x1024xf32, #tpu.memory_space<hbm>> -> memref<1024xf32, #tpu.memory_space<hbm>>
    %dma_wait3A_1154 = tpu.memref_slice %arg9[%add3A_876] : memref<524288xf32, #tpu.memory_space<vmem_shared>> -> memref<1024xf32, #tpu.memory_space<vmem_shared>>
    tpu.wait_dma2 semaphore(%arg10 : memref<!tpu.dma_semaphore, #tpu.memory_space<semaphore_mem>>) src(%dma_wait3A_1154 : memref<1024xf32, #tpu.memory_space<vmem_shared>>) dst(%dma_wait3A_1153 : memref<1024xf32, #tpu.memory_space<hbm>>)
    %dma_wait3A_1155 = arith.constant 0 : i32
    %dma_wait3A_1156 = tpu.memref_slice %arg3[%add3A_888, %dma_wait3A_1155] : memref<1024x1024xf32, #tpu.memory_space<hbm>> -> memref<1x1024xf32, #tpu.memory_space<hbm>>
    %dma_wait3A_1157 = tpu.memref_squeeze %dma_wait3A_1156 : memref<1x1024xf32, #tpu.memory_space<hbm>> -> memref<1024xf32, #tpu.memory_space<hbm>>
    %dma_wait3A_1158 = tpu.memref_slice %arg9[%add3A_886] : memref<524288xf32, #tpu.memory_space<vmem_shared>> -> memref<1024xf32, #tpu.memory_space<vmem_shared>>
    tpu.wait_dma2 semaphore(%arg10 : memref<!tpu.dma_semaphore, #tpu.memory_space<semaphore_mem>>) src(%dma_wait3A_1158 : memref<1024xf32, #tpu.memory_space<vmem_shared>>) dst(%dma_wait3A_1157 : memref<1024xf32, #tpu.memory_space<hbm>>)
    %dma_wait3A_1159 = arith.constant 0 : i32
    %dma_wait3A_1160 = tpu.memref_slice %arg3[%add3A_898, %dma_wait3A_1159] : memref<1024x1024xf32, #tpu.memory_space<hbm>> -> memref<1x1024xf32, #tpu.memory_space<hbm>>
    %dma_wait3A_1161 = tpu.memref_squeeze %dma_wait3A_1160 : memref<1x1024xf32, #tpu.memory_space<hbm>> -> memref<1024xf32, #tpu.memory_space<hbm>>
    %dma_wait3A_1162 = tpu.memref_slice %arg9[%add3A_896] : memref<524288xf32, #tpu.memory_space<vmem_shared>> -> memref<1024xf32, #tpu.memory_space<vmem_shared>>
    tpu.wait_dma2 semaphore(%arg10 : memref<!tpu.dma_semaphore, #tpu.memory_space<semaphore_mem>>) src(%dma_wait3A_1162 : memref<1024xf32, #tpu.memory_space<vmem_shared>>) dst(%dma_wait3A_1161 : memref<1024xf32, #tpu.memory_space<hbm>>)
    %dma_wait3A_1163 = arith.constant 0 : i32
    %dma_wait3A_1164 = tpu.memref_slice %arg3[%add3A_908, %dma_wait3A_1163] : memref<1024x1024xf32, #tpu.memory_space<hbm>> -> memref<1x1024xf32, #tpu.memory_space<hbm>>
    %dma_wait3A_1165 = tpu.memref_squeeze %dma_wait3A_1164 : memref<1x1024xf32, #tpu.memory_space<hbm>> -> memref<1024xf32, #tpu.memory_space<hbm>>
    %dma_wait3A_1166 = tpu.memref_slice %arg9[%add3A_906] : memref<524288xf32, #tpu.memory_space<vmem_shared>> -> memref<1024xf32, #tpu.memory_space<vmem_shared>>
    tpu.wait_dma2 semaphore(%arg10 : memref<!tpu.dma_semaphore, #tpu.memory_space<semaphore_mem>>) src(%dma_wait3A_1166 : memref<1024xf32, #tpu.memory_space<vmem_shared>>) dst(%dma_wait3A_1165 : memref<1024xf32, #tpu.memory_space<hbm>>)
    %dma_wait3A_1167 = arith.constant 0 : i32
    %dma_wait3A_1168 = tpu.memref_slice %arg3[%add3A_918, %dma_wait3A_1167] : memref<1024x1024xf32, #tpu.memory_space<hbm>> -> memref<1x1024xf32, #tpu.memory_space<hbm>>
    %dma_wait3A_1169 = tpu.memref_squeeze %dma_wait3A_1168 : memref<1x1024xf32, #tpu.memory_space<hbm>> -> memref<1024xf32, #tpu.memory_space<hbm>>
    %dma_wait3A_1170 = tpu.memref_slice %arg9[%add3A_916] : memref<524288xf32, #tpu.memory_space<vmem_shared>> -> memref<1024xf32, #tpu.memory_space<vmem_shared>>
    tpu.wait_dma2 semaphore(%arg10 : memref<!tpu.dma_semaphore, #tpu.memory_space<semaphore_mem>>) src(%dma_wait3A_1170 : memref<1024xf32, #tpu.memory_space<vmem_shared>>) dst(%dma_wait3A_1169 : memref<1024xf32, #tpu.memory_space<hbm>>)
    %dma_wait3A_1171 = arith.constant 0 : i32
    %dma_wait3A_1172 = tpu.memref_slice %arg3[%add3A_928, %dma_wait3A_1171] : memref<1024x1024xf32, #tpu.memory_space<hbm>> -> memref<1x1024xf32, #tpu.memory_space<hbm>>
    %dma_wait3A_1173 = tpu.memref_squeeze %dma_wait3A_1172 : memref<1x1024xf32, #tpu.memory_space<hbm>> -> memref<1024xf32, #tpu.memory_space<hbm>>
    %dma_wait3A_1174 = tpu.memref_slice %arg9[%add3A_926] : memref<524288xf32, #tpu.memory_space<vmem_shared>> -> memref<1024xf32, #tpu.memory_space<vmem_shared>>
    tpu.wait_dma2 semaphore(%arg10 : memref<!tpu.dma_semaphore, #tpu.memory_space<semaphore_mem>>) src(%dma_wait3A_1174 : memref<1024xf32, #tpu.memory_space<vmem_shared>>) dst(%dma_wait3A_1173 : memref<1024xf32, #tpu.memory_space<hbm>>)
    %dma_wait3A_1175 = arith.constant 0 : i32
    %dma_wait3A_1176 = tpu.memref_slice %arg3[%add3A_938, %dma_wait3A_1175] : memref<1024x1024xf32, #tpu.memory_space<hbm>> -> memref<1x1024xf32, #tpu.memory_space<hbm>>
    %dma_wait3A_1177 = tpu.memref_squeeze %dma_wait3A_1176 : memref<1x1024xf32, #tpu.memory_space<hbm>> -> memref<1024xf32, #tpu.memory_space<hbm>>
    %dma_wait3A_1178 = tpu.memref_slice %arg9[%add3A_936] : memref<524288xf32, #tpu.memory_space<vmem_shared>> -> memref<1024xf32, #tpu.memory_space<vmem_shared>>
    tpu.wait_dma2 semaphore(%arg10 : memref<!tpu.dma_semaphore, #tpu.memory_space<semaphore_mem>>) src(%dma_wait3A_1178 : memref<1024xf32, #tpu.memory_space<vmem_shared>>) dst(%dma_wait3A_1177 : memref<1024xf32, #tpu.memory_space<hbm>>)
    %dma_wait3A_1179 = arith.constant 0 : i32
    %dma_wait3A_1180 = tpu.memref_slice %arg3[%add3A_948, %dma_wait3A_1179] : memref<1024x1024xf32, #tpu.memory_space<hbm>> -> memref<1x1024xf32, #tpu.memory_space<hbm>>
    %dma_wait3A_1181 = tpu.memref_squeeze %dma_wait3A_1180 : memref<1x1024xf32, #tpu.memory_space<hbm>> -> memref<1024xf32, #tpu.memory_space<hbm>>
    %dma_wait3A_1182 = tpu.memref_slice %arg9[%add3A_946] : memref<524288xf32, #tpu.memory_space<vmem_shared>> -> memref<1024xf32, #tpu.memory_space<vmem_shared>>
    tpu.wait_dma2 semaphore(%arg10 : memref<!tpu.dma_semaphore, #tpu.memory_space<semaphore_mem>>) src(%dma_wait3A_1182 : memref<1024xf32, #tpu.memory_space<vmem_shared>>) dst(%dma_wait3A_1181 : memref<1024xf32, #tpu.memory_space<hbm>>)
    %dma_wait3A_1183 = arith.constant 0 : i32
    %dma_wait3A_1184 = tpu.memref_slice %arg3[%add3A_958, %dma_wait3A_1183] : memref<1024x1024xf32, #tpu.memory_space<hbm>> -> memref<1x1024xf32, #tpu.memory_space<hbm>>
    %dma_wait3A_1185 = tpu.memref_squeeze %dma_wait3A_1184 : memref<1x1024xf32, #tpu.memory_space<hbm>> -> memref<1024xf32, #tpu.memory_space<hbm>>
    %dma_wait3A_1186 = tpu.memref_slice %arg9[%add3A_956] : memref<524288xf32, #tpu.memory_space<vmem_shared>> -> memref<1024xf32, #tpu.memory_space<vmem_shared>>
    tpu.wait_dma2 semaphore(%arg10 : memref<!tpu.dma_semaphore, #tpu.memory_space<semaphore_mem>>) src(%dma_wait3A_1186 : memref<1024xf32, #tpu.memory_space<vmem_shared>>) dst(%dma_wait3A_1185 : memref<1024xf32, #tpu.memory_space<hbm>>)
    %dma_wait3A_1187 = arith.constant 0 : i32
    %dma_wait3A_1188 = tpu.memref_slice %arg3[%add3A_968, %dma_wait3A_1187] : memref<1024x1024xf32, #tpu.memory_space<hbm>> -> memref<1x1024xf32, #tpu.memory_space<hbm>>
    %dma_wait3A_1189 = tpu.memref_squeeze %dma_wait3A_1188 : memref<1x1024xf32, #tpu.memory_space<hbm>> -> memref<1024xf32, #tpu.memory_space<hbm>>
    %dma_wait3A_1190 = tpu.memref_slice %arg9[%add3A_966] : memref<524288xf32, #tpu.memory_space<vmem_shared>> -> memref<1024xf32, #tpu.memory_space<vmem_shared>>
    tpu.wait_dma2 semaphore(%arg10 : memref<!tpu.dma_semaphore, #tpu.memory_space<semaphore_mem>>) src(%dma_wait3A_1190 : memref<1024xf32, #tpu.memory_space<vmem_shared>>) dst(%dma_wait3A_1189 : memref<1024xf32, #tpu.memory_space<hbm>>)
    %dma_wait3A_1191 = arith.constant 0 : i32
    %dma_wait3A_1192 = tpu.memref_slice %arg3[%add3A_978, %dma_wait3A_1191] : memref<1024x1024xf32, #tpu.memory_space<hbm>> -> memref<1x1024xf32, #tpu.memory_space<hbm>>
    %dma_wait3A_1193 = tpu.memref_squeeze %dma_wait3A_1192 : memref<1x1024xf32, #tpu.memory_space<hbm>> -> memref<1024xf32, #tpu.memory_space<hbm>>
    %dma_wait3A_1194 = tpu.memref_slice %arg9[%add3A_976] : memref<524288xf32, #tpu.memory_space<vmem_shared>> -> memref<1024xf32, #tpu.memory_space<vmem_shared>>
    tpu.wait_dma2 semaphore(%arg10 : memref<!tpu.dma_semaphore, #tpu.memory_space<semaphore_mem>>) src(%dma_wait3A_1194 : memref<1024xf32, #tpu.memory_space<vmem_shared>>) dst(%dma_wait3A_1193 : memref<1024xf32, #tpu.memory_space<hbm>>)
    %dma_wait3A_1195 = arith.constant 0 : i32
    %dma_wait3A_1196 = tpu.memref_slice %arg3[%add3A_988, %dma_wait3A_1195] : memref<1024x1024xf32, #tpu.memory_space<hbm>> -> memref<1x1024xf32, #tpu.memory_space<hbm>>
    %dma_wait3A_1197 = tpu.memref_squeeze %dma_wait3A_1196 : memref<1x1024xf32, #tpu.memory_space<hbm>> -> memref<1024xf32, #tpu.memory_space<hbm>>
    %dma_wait3A_1198 = tpu.memref_slice %arg9[%add3A_986] : memref<524288xf32, #tpu.memory_space<vmem_shared>> -> memref<1024xf32, #tpu.memory_space<vmem_shared>>
    tpu.wait_dma2 semaphore(%arg10 : memref<!tpu.dma_semaphore, #tpu.memory_space<semaphore_mem>>) src(%dma_wait3A_1198 : memref<1024xf32, #tpu.memory_space<vmem_shared>>) dst(%dma_wait3A_1197 : memref<1024xf32, #tpu.memory_space<hbm>>)
    %dma_wait3A_1199 = arith.constant 0 : i32
    %dma_wait3A_1200 = tpu.memref_slice %arg3[%add3A_998, %dma_wait3A_1199] : memref<1024x1024xf32, #tpu.memory_space<hbm>> -> memref<1x1024xf32, #tpu.memory_space<hbm>>
    %dma_wait3A_1201 = tpu.memref_squeeze %dma_wait3A_1200 : memref<1x1024xf32, #tpu.memory_space<hbm>> -> memref<1024xf32, #tpu.memory_space<hbm>>
    %dma_wait3A_1202 = tpu.memref_slice %arg9[%add3A_996] : memref<524288xf32, #tpu.memory_space<vmem_shared>> -> memref<1024xf32, #tpu.memory_space<vmem_shared>>
    tpu.wait_dma2 semaphore(%arg10 : memref<!tpu.dma_semaphore, #tpu.memory_space<semaphore_mem>>) src(%dma_wait3A_1202 : memref<1024xf32, #tpu.memory_space<vmem_shared>>) dst(%dma_wait3A_1201 : memref<1024xf32, #tpu.memory_space<hbm>>)
    %dma_wait3A_1203 = arith.constant 0 : i32
    %dma_wait3A_1204 = tpu.memref_slice %arg3[%add3A_1008, %dma_wait3A_1203] : memref<1024x1024xf32, #tpu.memory_space<hbm>> -> memref<1x1024xf32, #tpu.memory_space<hbm>>
    %dma_wait3A_1205 = tpu.memref_squeeze %dma_wait3A_1204 : memref<1x1024xf32, #tpu.memory_space<hbm>> -> memref<1024xf32, #tpu.memory_space<hbm>>
    %dma_wait3A_1206 = tpu.memref_slice %arg9[%add3A_1006] : memref<524288xf32, #tpu.memory_space<vmem_shared>> -> memref<1024xf32, #tpu.memory_space<vmem_shared>>
    tpu.wait_dma2 semaphore(%arg10 : memref<!tpu.dma_semaphore, #tpu.memory_space<semaphore_mem>>) src(%dma_wait3A_1206 : memref<1024xf32, #tpu.memory_space<vmem_shared>>) dst(%dma_wait3A_1205 : memref<1024xf32, #tpu.memory_space<hbm>>)
    %dma_wait3A_1207 = arith.constant 0 : i32
    %dma_wait3A_1208 = tpu.memref_slice %arg3[%add3A_1018, %dma_wait3A_1207] : memref<1024x1024xf32, #tpu.memory_space<hbm>> -> memref<1x1024xf32, #tpu.memory_space<hbm>>
    %dma_wait3A_1209 = tpu.memref_squeeze %dma_wait3A_1208 : memref<1x1024xf32, #tpu.memory_space<hbm>> -> memref<1024xf32, #tpu.memory_space<hbm>>
    %dma_wait3A_1210 = tpu.memref_slice %arg9[%add3A_1016] : memref<524288xf32, #tpu.memory_space<vmem_shared>> -> memref<1024xf32, #tpu.memory_space<vmem_shared>>
    tpu.wait_dma2 semaphore(%arg10 : memref<!tpu.dma_semaphore, #tpu.memory_space<semaphore_mem>>) src(%dma_wait3A_1210 : memref<1024xf32, #tpu.memory_space<vmem_shared>>) dst(%dma_wait3A_1209 : memref<1024xf32, #tpu.memory_space<hbm>>)
    %dma_wait3A_1211 = arith.constant 0 : i32
    %dma_wait3A_1212 = tpu.memref_slice %arg3[%add3A_1028, %dma_wait3A_1211] : memref<1024x1024xf32, #tpu.memory_space<hbm>> -> memref<1x1024xf32, #tpu.memory_space<hbm>>
    %dma_wait3A_1213 = tpu.memref_squeeze %dma_wait3A_1212 : memref<1x1024xf32, #tpu.memory_space<hbm>> -> memref<1024xf32, #tpu.memory_space<hbm>>
    %dma_wait3A_1214 = tpu.memref_slice %arg9[%add3A_1026] : memref<524288xf32, #tpu.memory_space<vmem_shared>> -> memref<1024xf32, #tpu.memory_space<vmem_shared>>
    tpu.wait_dma2 semaphore(%arg10 : memref<!tpu.dma_semaphore, #tpu.memory_space<semaphore_mem>>) src(%dma_wait3A_1214 : memref<1024xf32, #tpu.memory_space<vmem_shared>>) dst(%dma_wait3A_1213 : memref<1024xf32, #tpu.memory_space<hbm>>)
    %dma_wait3A_1215 = arith.constant 0 : i32
    %dma_wait3A_1216 = tpu.memref_slice %arg3[%add3A_1038, %dma_wait3A_1215] : memref<1024x1024xf32, #tpu.memory_space<hbm>> -> memref<1x1024xf32, #tpu.memory_space<hbm>>
    %dma_wait3A_1217 = tpu.memref_squeeze %dma_wait3A_1216 : memref<1x1024xf32, #tpu.memory_space<hbm>> -> memref<1024xf32, #tpu.memory_space<hbm>>
    %dma_wait3A_1218 = tpu.memref_slice %arg9[%add3A_1036] : memref<524288xf32, #tpu.memory_space<vmem_shared>> -> memref<1024xf32, #tpu.memory_space<vmem_shared>>
    tpu.wait_dma2 semaphore(%arg10 : memref<!tpu.dma_semaphore, #tpu.memory_space<semaphore_mem>>) src(%dma_wait3A_1218 : memref<1024xf32, #tpu.memory_space<vmem_shared>>) dst(%dma_wait3A_1217 : memref<1024xf32, #tpu.memory_space<hbm>>)
    %dma_wait3A_1219 = arith.constant 0 : i32
    %dma_wait3A_1220 = tpu.memref_slice %arg3[%add3A_1048, %dma_wait3A_1219] : memref<1024x1024xf32, #tpu.memory_space<hbm>> -> memref<1x1024xf32, #tpu.memory_space<hbm>>
    %dma_wait3A_1221 = tpu.memref_squeeze %dma_wait3A_1220 : memref<1x1024xf32, #tpu.memory_space<hbm>> -> memref<1024xf32, #tpu.memory_space<hbm>>
    %dma_wait3A_1222 = tpu.memref_slice %arg9[%add3A_1046] : memref<524288xf32, #tpu.memory_space<vmem_shared>> -> memref<1024xf32, #tpu.memory_space<vmem_shared>>
    tpu.wait_dma2 semaphore(%arg10 : memref<!tpu.dma_semaphore, #tpu.memory_space<semaphore_mem>>) src(%dma_wait3A_1222 : memref<1024xf32, #tpu.memory_space<vmem_shared>>) dst(%dma_wait3A_1221 : memref<1024xf32, #tpu.memory_space<hbm>>)
    %dma_wait3A_1223 = arith.constant 0 : i32
    %dma_wait3A_1224 = tpu.memref_slice %arg3[%add3A_1058, %dma_wait3A_1223] : memref<1024x1024xf32, #tpu.memory_space<hbm>> -> memref<1x1024xf32, #tpu.memory_space<hbm>>
    %dma_wait3A_1225 = tpu.memref_squeeze %dma_wait3A_1224 : memref<1x1024xf32, #tpu.memory_space<hbm>> -> memref<1024xf32, #tpu.memory_space<hbm>>
    %dma_wait3A_1226 = tpu.memref_slice %arg9[%add3A_1056] : memref<524288xf32, #tpu.memory_space<vmem_shared>> -> memref<1024xf32, #tpu.memory_space<vmem_shared>>
    tpu.wait_dma2 semaphore(%arg10 : memref<!tpu.dma_semaphore, #tpu.memory_space<semaphore_mem>>) src(%dma_wait3A_1226 : memref<1024xf32, #tpu.memory_space<vmem_shared>>) dst(%dma_wait3A_1225 : memref<1024xf32, #tpu.memory_space<hbm>>)
    %dma_wait3A_1227 = arith.constant 0 : i32
    %dma_wait3A_1228 = tpu.memref_slice %arg3[%add3A_1068, %dma_wait3A_1227] : memref<1024x1024xf32, #tpu.memory_space<hbm>> -> memref<1x1024xf32, #tpu.memory_space<hbm>>
    %dma_wait3A_1229 = tpu.memref_squeeze %dma_wait3A_1228 : memref<1x1024xf32, #tpu.memory_space<hbm>> -> memref<1024xf32, #tpu.memory_space<hbm>>
    %dma_wait3A_1230 = tpu.memref_slice %arg9[%add3A_1066] : memref<524288xf32, #tpu.memory_space<vmem_shared>> -> memref<1024xf32, #tpu.memory_space<vmem_shared>>
    tpu.wait_dma2 semaphore(%arg10 : memref<!tpu.dma_semaphore, #tpu.memory_space<semaphore_mem>>) src(%dma_wait3A_1230 : memref<1024xf32, #tpu.memory_space<vmem_shared>>) dst(%dma_wait3A_1229 : memref<1024xf32, #tpu.memory_space<hbm>>)
    %dma_wait3A_1231 = arith.constant 0 : i32
    %dma_wait3A_1232 = tpu.memref_slice %arg3[%add3A_1078, %dma_wait3A_1231] : memref<1024x1024xf32, #tpu.memory_space<hbm>> -> memref<1x1024xf32, #tpu.memory_space<hbm>>
    %dma_wait3A_1233 = tpu.memref_squeeze %dma_wait3A_1232 : memref<1x1024xf32, #tpu.memory_space<hbm>> -> memref<1024xf32, #tpu.memory_space<hbm>>
    %dma_wait3A_1234 = tpu.memref_slice %arg9[%add3A_1076] : memref<524288xf32, #tpu.memory_space<vmem_shared>> -> memref<1024xf32, #tpu.memory_space<vmem_shared>>
    tpu.wait_dma2 semaphore(%arg10 : memref<!tpu.dma_semaphore, #tpu.memory_space<semaphore_mem>>) src(%dma_wait3A_1234 : memref<1024xf32, #tpu.memory_space<vmem_shared>>) dst(%dma_wait3A_1233 : memref<1024xf32, #tpu.memory_space<hbm>>)
    %dma_wait3A_1235 = arith.constant 0 : i32
    %dma_wait3A_1236 = tpu.memref_slice %arg3[%add3A_1088, %dma_wait3A_1235] : memref<1024x1024xf32, #tpu.memory_space<hbm>> -> memref<1x1024xf32, #tpu.memory_space<hbm>>
    %dma_wait3A_1237 = tpu.memref_squeeze %dma_wait3A_1236 : memref<1x1024xf32, #tpu.memory_space<hbm>> -> memref<1024xf32, #tpu.memory_space<hbm>>
    %dma_wait3A_1238 = tpu.memref_slice %arg9[%add3A_1086] : memref<524288xf32, #tpu.memory_space<vmem_shared>> -> memref<1024xf32, #tpu.memory_space<vmem_shared>>
    tpu.wait_dma2 semaphore(%arg10 : memref<!tpu.dma_semaphore, #tpu.memory_space<semaphore_mem>>) src(%dma_wait3A_1238 : memref<1024xf32, #tpu.memory_space<vmem_shared>>) dst(%dma_wait3A_1237 : memref<1024xf32, #tpu.memory_space<hbm>>)
    %dma_wait3A_1239 = arith.constant 0 : i32
    %dma_wait3A_1240 = tpu.memref_slice %arg3[%add3A_1098, %dma_wait3A_1239] : memref<1024x1024xf32, #tpu.memory_space<hbm>> -> memref<1x1024xf32, #tpu.memory_space<hbm>>
    %dma_wait3A_1241 = tpu.memref_squeeze %dma_wait3A_1240 : memref<1x1024xf32, #tpu.memory_space<hbm>> -> memref<1024xf32, #tpu.memory_space<hbm>>
    %dma_wait3A_1242 = tpu.memref_slice %arg9[%add3A_1096] : memref<524288xf32, #tpu.memory_space<vmem_shared>> -> memref<1024xf32, #tpu.memory_space<vmem_shared>>
    tpu.wait_dma2 semaphore(%arg10 : memref<!tpu.dma_semaphore, #tpu.memory_space<semaphore_mem>>) src(%dma_wait3A_1242 : memref<1024xf32, #tpu.memory_space<vmem_shared>>) dst(%dma_wait3A_1241 : memref<1024xf32, #tpu.memory_space<hbm>>)
    %dma_wait3A_1243 = arith.constant 0 : i32
    %dma_wait3A_1244 = tpu.memref_slice %arg3[%add3A_1108, %dma_wait3A_1243] : memref<1024x1024xf32, #tpu.memory_space<hbm>> -> memref<1x1024xf32, #tpu.memory_space<hbm>>
    %dma_wait3A_1245 = tpu.memref_squeeze %dma_wait3A_1244 : memref<1x1024xf32, #tpu.memory_space<hbm>> -> memref<1024xf32, #tpu.memory_space<hbm>>
    %dma_wait3A_1246 = tpu.memref_slice %arg9[%add3A_1106] : memref<524288xf32, #tpu.memory_space<vmem_shared>> -> memref<1024xf32, #tpu.memory_space<vmem_shared>>
    tpu.wait_dma2 semaphore(%arg10 : memref<!tpu.dma_semaphore, #tpu.memory_space<semaphore_mem>>) src(%dma_wait3A_1246 : memref<1024xf32, #tpu.memory_space<vmem_shared>>) dst(%dma_wait3A_1245 : memref<1024xf32, #tpu.memory_space<hbm>>)
    %dma_wait3A_1247 = arith.constant 0 : i32
    %dma_wait3A_1248 = tpu.memref_slice %arg3[%add3A_1118, %dma_wait3A_1247] : memref<1024x1024xf32, #tpu.memory_space<hbm>> -> memref<1x1024xf32, #tpu.memory_space<hbm>>
    %dma_wait3A_1249 = tpu.memref_squeeze %dma_wait3A_1248 : memref<1x1024xf32, #tpu.memory_space<hbm>> -> memref<1024xf32, #tpu.memory_space<hbm>>
    %dma_wait3A_1250 = tpu.memref_slice %arg9[%add3A_1116] : memref<524288xf32, #tpu.memory_space<vmem_shared>> -> memref<1024xf32, #tpu.memory_space<vmem_shared>>
    tpu.wait_dma2 semaphore(%arg10 : memref<!tpu.dma_semaphore, #tpu.memory_space<semaphore_mem>>) src(%dma_wait3A_1250 : memref<1024xf32, #tpu.memory_space<vmem_shared>>) dst(%dma_wait3A_1249 : memref<1024xf32, #tpu.memory_space<hbm>>)
    return
  }
}

module attributes {stable_mosaic.version = 14 : i64} {
  func.func @_tc1_body(%arg0: i32, %arg1: memref<256x1024xf32, #tpu.memory_space<vmem>>, %arg2: memref<3072x1024xf32, #tpu.memory_space<vmem>>, %arg3: memref<3072xf32, #tpu.memory_space<vmem>>, %arg4: memref<1024x1024xf32, #tpu.memory_space<vmem>>, %arg5: memref<256x3072xf32, #tpu.memory_space<vmem>>, %arg6: memref<256x1024xf32, #tpu.memory_space<vmem>>) attributes {dimension_semantics = [#tpu.dimension_semantics<arbitrary>], iteration_bounds = array<i64: 4>, scalar_prefetch = 0 : i64, scratch_operands = 0 : i64, tpu.core_type = #tpu.core_type<tc>, window_params = [{transform_indices = @transform_0, window_bounds = array<i64: 256, 1024>}, {pipeline_mode = #tpu.pipeline_mode<synchronous>, transform_indices = @transform_1, window_bounds = array<i64: 3072, 1024>}, {pipeline_mode = #tpu.pipeline_mode<synchronous>, transform_indices = @transform_2, window_bounds = array<i64: 3072>}, {pipeline_mode = #tpu.pipeline_mode<synchronous>, transform_indices = @transform_3, window_bounds = array<i64: 1024, 1024>}, {transform_indices = @transform_4, window_bounds = array<i64: 256, 3072>}, {transform_indices = @transform_5, window_bounds = array<i64: 256, 1024>}]} {
    %get3A = arith.constant 0 : index
    %get3A_0 = arith.constant 0 : index
    %get3A_1 = vector.load %arg1[%get3A, %get3A_0] : memref<256x1024xf32, #tpu.memory_space<vmem>>, vector<256x1024xf32>
    %get3A_2 = arith.constant 0 : index
    %get3A_3 = arith.constant 0 : index
    %get3A_4 = vector.load %arg2[%get3A_2, %get3A_3] : memref<3072x1024xf32, #tpu.memory_space<vmem>>, vector<3072x1024xf32>
    %dot_general3A = arith.constant dense<0.000000e+00> : vector<256x3072xf32>
    %dot_general3A_5 = tpu.matmul %get3A_1, %get3A_4, %dot_general3A {dimension_numbers = #tpu.dot_dimension_numbers<[1], [1], [0], [0], [0, 0, 1, 0], [], []>, transpose_lhs_hint = false} : vector<256x1024xf32>, vector<3072x1024xf32>, vector<256x3072xf32> -> vector<256x3072xf32>
    %get3A_6 = arith.constant 0 : index
    %get3A_7 = vector.load %arg3[%get3A_6] : memref<3072xf32, #tpu.memory_space<vmem>>, vector<3072xf32>
    %broadcast_in_dim3A = vector.shape_cast %get3A_7 : vector<3072xf32> to vector<1x3072xf32>
    %add3A = vector.broadcast %broadcast_in_dim3A : vector<1x3072xf32> to vector<256x3072xf32>
    %add3A_8 = arith.addf %dot_general3A_5, %add3A : vector<256x3072xf32>
    %swap3A = arith.constant 0 : index
    %swap3A_9 = arith.constant 0 : index
    %swap3A_10 = vector.load %arg5[%swap3A, %swap3A_9] : memref<256x3072xf32, #tpu.memory_space<vmem>>, vector<256x3072xf32>
    tpu.vector_store %arg5[%swap3A, %swap3A_9], %add3A_8 {strides = array<i32>} : memref<256x3072xf32, #tpu.memory_space<vmem>>, vector<256x3072xf32>,
    %get3A_11 = arith.constant 0 : index
    %get3A_12 = arith.constant 0 : index
    %get3A_13 = vector.load %arg4[%get3A_11, %get3A_12] : memref<1024x1024xf32, #tpu.memory_space<vmem>>, vector<1024x1024xf32>
    %dot_general3A_14 = arith.constant dense<0.000000e+00> : vector<256x1024xf32>
    %dot_general3A_15 = tpu.matmul %get3A_1, %get3A_13, %dot_general3A_14 {dimension_numbers = #tpu.dot_dimension_numbers<[1], [0], [0], [1], [0, 0, 1, 1], [], []>, transpose_lhs_hint = false} : vector<256x1024xf32>, vector<1024x1024xf32>, vector<256x1024xf32> -> vector<256x1024xf32>
    %swap3A_16 = arith.constant 0 : index
    %swap3A_17 = arith.constant 0 : index
    %swap3A_18 = vector.load %arg6[%swap3A_16, %swap3A_17] : memref<256x1024xf32, #tpu.memory_space<vmem>>, vector<256x1024xf32>
    tpu.vector_store %arg6[%swap3A_16, %swap3A_17], %dot_general3A_15 {strides = array<i32>} : memref<256x1024xf32, #tpu.memory_space<vmem>>, vector<256x1024xf32>,
    return
  }
  func.func @transform_0(%arg0: i32) -> (i32, i32) {
    %c0_i32 = arith.constant 0 : i32
    %c0_i32_0 = arith.constant 0 : i32
    return %arg0, %c0_i32 : i32, i32
  }
  func.func @transform_1(%arg0: i32) -> (i32, i32) {
    %c0_i32 = arith.constant 0 : i32
    %c0_i32_0 = arith.constant 0 : i32
    %c0_i32_1 = arith.constant 0 : i32
    return %c0_i32, %c0_i32_0 : i32, i32
  }
  func.func @transform_2(%arg0: i32) -> i32 {
    %c0_i32 = arith.constant 0 : i32
    %c0_i32_0 = arith.constant 0 : i32
    return %c0_i32 : i32
  }
  func.func @transform_3(%arg0: i32) -> (i32, i32) {
    %c0_i32 = arith.constant 0 : i32
    %c0_i32_0 = arith.constant 0 : i32
    %c0_i32_1 = arith.constant 0 : i32
    return %c0_i32, %c0_i32_0 : i32, i32
  }
  func.func @transform_4(%arg0: i32) -> (i32, i32) {
    %c0_i32 = arith.constant 0 : i32
    %c0_i32_0 = arith.constant 0 : i32
    return %arg0, %c0_i32 : i32, i32
  }
  func.func @transform_5(%arg0: i32) -> (i32, i32) {
    %c0_i32 = arith.constant 0 : i32
    %c0_i32_0 = arith.constant 0 : i32
    return %arg0, %c0_i32 : i32, i32
  }
}

module attributes {stable_mosaic.version = 14 : i64} {
  func.func @_tc3_body(%arg0: memref<1x1024xf32, #tpu.memory_space<vmem>>, %arg1: memref<1024x1024xf32, #tpu.memory_space<vmem>>, %arg2: memref<1024xf32, #tpu.memory_space<vmem>>, %arg3: memref<1x1024xf32, #tpu.memory_space<vmem>>, %arg4: memref<1xf32, #tpu.memory_space<vmem>>, %arg5: memref<1x1xf32, #tpu.memory_space<vmem>>) attributes {dimension_semantics = [], scalar_prefetch = 0 : i64, scratch_operands = 0 : i64, tpu.core_type = #tpu.core_type<tc>} {
    %get3A = arith.constant 0 : index
    %get3A_0 = arith.constant 0 : index
    %get3A_1 = vector.load %arg0[%get3A, %get3A_0] : memref<1x1024xf32, #tpu.memory_space<vmem>>, vector<1x1024xf32>
    %get3A_2 = arith.constant 0 : index
    %get3A_3 = arith.constant 0 : index
    %get3A_4 = vector.load %arg1[%get3A_2, %get3A_3] : memref<1024x1024xf32, #tpu.memory_space<vmem>>, vector<1024x1024xf32>
    %dot_general3A = arith.constant dense<0.000000e+00> : vector<1x1024xf32>
    %dot_general3A_5 = tpu.matmul %get3A_1, %get3A_4, %dot_general3A {dimension_numbers = #tpu.dot_dimension_numbers<[1], [1], [0], [0], [0, 0, 1, 0], [], []>, transpose_lhs_hint = false} : vector<1x1024xf32>, vector<1024x1024xf32>, vector<1x1024xf32> -> vector<1x1024xf32>
    %get3A_6 = arith.constant 0 : index
    %get3A_7 = vector.load %arg2[%get3A_6] : memref<1024xf32, #tpu.memory_space<vmem>>, vector<1024xf32>
    %broadcast_in_dim3A = vector.shape_cast %get3A_7 : vector<1024xf32> to vector<1x1024xf32>
    %add3A = arith.addf %dot_general3A_5, %broadcast_in_dim3A : vector<1x1024xf32>
    %max3A = arith.constant 0.000000e+00 : f32
    %max3A_8 = vector.broadcast %max3A : f32 to vector<1x1024xf32>
    %max3A_9 = arith.maximumf %add3A, %max3A_8 : vector<1x1024xf32>
    %get3A_10 = arith.constant 0 : index
    %get3A_11 = arith.constant 0 : index
    %get3A_12 = vector.load %arg3[%get3A_10, %get3A_11] : memref<1x1024xf32, #tpu.memory_space<vmem>>, vector<1x1024xf32>
    %mul3A = arith.mulf %max3A_9, %get3A_12 : vector<1x1024xf32>
    %reduce_sum3A = vector.shape_cast %mul3A : vector<1x1024xf32> to vector<1x1x1024xf32>
    %reduce_sum3A_13 = arith.constant dense<0.000000e+00> : vector<1xf32>
    %reduce_sum3A_14 = vector.multi_reduction <add>, %reduce_sum3A, %reduce_sum3A_13 [1, 2] : vector<1x1x1024xf32> to vector<1xf32>
    %reduce_sum3A_15 = vector.shape_cast %reduce_sum3A_14 : vector<1xf32> to vector<1x1x1xf32>
    %reduce_sum3A_16 = vector.extract %reduce_sum3A_15[0, 0, 0] : f32 from vector<1x1x1xf32>
    %get3A_17 = arith.constant 0 : index
    %get3A_18 = vector.load %arg4[%get3A_17] : memref<1xf32, #tpu.memory_space<vmem>>, vector<1xf32>
    %get3A_19 = vector.extract %get3A_18[0] : f32 from vector<1xf32>
    %add3A_20 = arith.addf %reduce_sum3A_16, %get3A_19 : f32
    %broadcast_in_dim3A_21 = vector.broadcast %add3A_20 : f32 to vector<1x1xf32>
    %swap3A = arith.constant 0 : index
    %swap3A_22 = arith.constant 0 : index
    %swap3A_23 = vector.load %arg5[%swap3A, %swap3A_22] : memref<1x1xf32, #tpu.memory_space<vmem>>, vector<1x1xf32>
    tpu.vector_store %arg5[%swap3A, %swap3A_22], %broadcast_in_dim3A_21 {strides = array<i32>} : memref<1x1xf32, #tpu.memory_space<vmem>>, vector<1x1xf32>,
    return
  }
}

module attributes {stable_mosaic.version = 14 : i64} {
  func.func @_tc2b_body(%arg0: memref<1024x1024xf32, #tpu.memory_space<vmem>>, %arg1: memref<1024x1024xf32, #tpu.memory_space<vmem>>, %arg2: memref<1024x3072xf32, #tpu.memory_space<vmem>>, %arg3: memref<3072x1024xf32, #tpu.memory_space<vmem>>, %arg4: memref<3072xf32, #tpu.memory_space<vmem>>, %arg5: memref<1x1024xf32, #tpu.memory_space<vmem>>) attributes {dimension_semantics = [], scalar_prefetch = 0 : i64, scratch_operands = 0 : i64, tpu.core_type = #tpu.core_type<tc>} {
    %get3A = arith.constant 0 : index
    %get3A_0 = arith.constant 0 : index
    %get3A_1 = vector.load %arg0[%get3A, %get3A_0] : memref<1024x1024xf32, #tpu.memory_space<vmem>>, vector<1024x1024xf32>
    %get3A_2 = arith.constant 0 : index
    %get3A_3 = vector.load %arg4[%get3A_2] : memref<3072xf32, #tpu.memory_space<vmem>>, vector<3072xf32>
    %get3A_4 = arith.constant 0 : index
    %get3A_5 = arith.constant 0 : index
    %get3A_6 = vector.load %arg1[%get3A_4, %get3A_5] : memref<1024x1024xf32, #tpu.memory_space<vmem>>, vector<1024x1024xf32>
    %get3A_7 = arith.constant 0 : index
    %get3A_8 = arith.constant 0 : index
    %get3A_9 = vector.load %arg2[%get3A_7, %get3A_8] : memref<1024x3072xf32, #tpu.memory_space<vmem>>, vector<1024x3072xf32>
    %get3A_10 = arith.constant 0 : index
    %get3A_11 = arith.constant 0 : index
    %get3A_12 = vector.load %arg3[%get3A_10, %get3A_11] : memref<3072x1024xf32, #tpu.memory_space<vmem>>, vector<1024x1024xf32>
    %dot_general3A = arith.constant dense<0.000000e+00> : vector<1024x1024xf32>
    %dot_general3A_13 = tpu.matmul %get3A_1, %get3A_12, %dot_general3A {dimension_numbers = #tpu.dot_dimension_numbers<[1], [1], [0], [0], [0, 0, 1, 0], [], []>, transpose_lhs_hint = false} : vector<1024x1024xf32>, vector<1024x1024xf32>, vector<1024x1024xf32> -> vector<1024x1024xf32>
    %slice3A = vector.extract_strided_slice %get3A_3 {offsets = [0], sizes = [1024], strides = [1]} : vector<3072xf32> to vector<1024xf32>
    %broadcast_in_dim3A = vector.shape_cast %slice3A : vector<1024xf32> to vector<1x1024xf32>
    %add3A = vector.broadcast %broadcast_in_dim3A : vector<1x1024xf32> to vector<1024x1024xf32>
    %add3A_14 = arith.addf %dot_general3A_13, %add3A : vector<1024x1024xf32>
    %slice3A_15 = vector.extract_strided_slice %get3A_9 {offsets = [0, 0], sizes = [1024, 1024], strides = [1, 1]} : vector<1024x3072xf32> to vector<1024x1024xf32>
    %add3A_16 = arith.addf %add3A_14, %slice3A_15 : vector<1024x1024xf32>
    %mul3A = arith.constant 5.000000e-01 : f32
    %mul3A_17 = vector.broadcast %mul3A : f32 to vector<1024x1024xf32>
    %mul3A_18 = arith.mulf %mul3A_17, %add3A_16 : vector<1024x1024xf32>
    %tanh3A = math.tanh %mul3A_18 : vector<1024x1024xf32>
    %add3A_19 = arith.constant 1.000000e+00 : f32
    %add3A_20 = vector.broadcast %add3A_19 : f32 to vector<1024x1024xf32>
    %add3A_21 = arith.addf %tanh3A, %add3A_20 : vector<1024x1024xf32>
    %mul3A_22 = arith.constant 5.000000e-01 : f32
    %mul3A_23 = vector.broadcast %mul3A_22 : f32 to vector<1024x1024xf32>
    %mul3A_24 = arith.mulf %mul3A_23, %add3A_21 : vector<1024x1024xf32>
    %get3A_25 = arith.constant 1024 : index
    %get3A_26 = arith.constant 0 : index
    %get3A_27 = vector.load %arg3[%get3A_25, %get3A_26] : memref<3072x1024xf32, #tpu.memory_space<vmem>>, vector<1024x1024xf32>
    %dot_general3A_28 = arith.constant dense<0.000000e+00> : vector<1024x1024xf32>
    %dot_general3A_29 = tpu.matmul %get3A_1, %get3A_27, %dot_general3A_28 {dimension_numbers = #tpu.dot_dimension_numbers<[1], [1], [0], [0], [0, 0, 1, 0], [], []>, transpose_lhs_hint = false} : vector<1024x1024xf32>, vector<1024x1024xf32>, vector<1024x1024xf32> -> vector<1024x1024xf32>
    %slice3A_30 = vector.extract_strided_slice %get3A_3 {offsets = [1024], sizes = [1024], strides = [1]} : vector<3072xf32> to vector<1024xf32>
    %broadcast_in_dim3A_31 = vector.shape_cast %slice3A_30 : vector<1024xf32> to vector<1x1024xf32>
    %add3A_32 = vector.broadcast %broadcast_in_dim3A_31 : vector<1x1024xf32> to vector<1024x1024xf32>
    %add3A_33 = arith.addf %dot_general3A_29, %add3A_32 : vector<1024x1024xf32>
    %slice3A_34 = vector.extract_strided_slice %get3A_9 {offsets = [0, 1024], sizes = [1024, 1024], strides = [1, 1]} : vector<1024x3072xf32> to vector<1024x1024xf32>
    %add3A_35 = arith.addf %add3A_33, %slice3A_34 : vector<1024x1024xf32>
    %mul3A_36 = arith.constant 5.000000e-01 : f32
    %mul3A_37 = vector.broadcast %mul3A_36 : f32 to vector<1024x1024xf32>
    %mul3A_38 = arith.mulf %mul3A_37, %add3A_35 : vector<1024x1024xf32>
    %tanh3A_39 = math.tanh %mul3A_38 : vector<1024x1024xf32>
    %add3A_40 = arith.constant 1.000000e+00 : f32
    %add3A_41 = vector.broadcast %add3A_40 : f32 to vector<1024x1024xf32>
    %add3A_42 = arith.addf %tanh3A_39, %add3A_41 : vector<1024x1024xf32>
    %mul3A_43 = arith.constant 5.000000e-01 : f32
    %mul3A_44 = vector.broadcast %mul3A_43 : f32 to vector<1024x1024xf32>
    %mul3A_45 = arith.mulf %mul3A_44, %add3A_42 : vector<1024x1024xf32>
    %get3A_46 = arith.constant 2048 : index
    %get3A_47 = arith.constant 0 : index
    %get3A_48 = vector.load %arg3[%get3A_46, %get3A_47] : memref<3072x1024xf32, #tpu.memory_space<vmem>>, vector<1024x1024xf32>
    %dot_general3A_49 = arith.constant dense<0.000000e+00> : vector<1024x1024xf32>
    %dot_general3A_50 = tpu.matmul %get3A_1, %get3A_48, %dot_general3A_49 {dimension_numbers = #tpu.dot_dimension_numbers<[1], [1], [0], [0], [0, 0, 1, 0], [], []>, transpose_lhs_hint = false} : vector<1024x1024xf32>, vector<1024x1024xf32>, vector<1024x1024xf32> -> vector<1024x1024xf32>
    %slice3A_51 = vector.extract_strided_slice %get3A_3 {offsets = [2048], sizes = [1024], strides = [1]} : vector<3072xf32> to vector<1024xf32>
    %broadcast_in_dim3A_52 = vector.shape_cast %slice3A_51 : vector<1024xf32> to vector<1x1024xf32>
    %add3A_53 = vector.broadcast %broadcast_in_dim3A_52 : vector<1x1024xf32> to vector<1024x1024xf32>
    %add3A_54 = arith.addf %dot_general3A_50, %add3A_53 : vector<1024x1024xf32>
    %slice3A_55 = vector.extract_strided_slice %get3A_9 {offsets = [0, 2048], sizes = [1024, 1024], strides = [1, 1]} : vector<1024x3072xf32> to vector<1024x1024xf32>
    %mul3A_56 = arith.mulf %mul3A_24, %slice3A_55 : vector<1024x1024xf32>
    %add3A_57 = arith.addf %add3A_54, %mul3A_56 : vector<1024x1024xf32>
    %tanh3A_58 = math.tanh %add3A_57 : vector<1024x1024xf32>
    %sub3A = arith.subf %get3A_6, %tanh3A_58 : vector<1024x1024xf32>
    %mul3A_59 = arith.mulf %mul3A_45, %sub3A : vector<1024x1024xf32>
    %add3A_60 = arith.addf %tanh3A_58, %mul3A_59 : vector<1024x1024xf32>
    %reduce_sum3A = arith.constant dense<0.000000e+00> : vector<1024xf32>
    %reduce_sum3A_61 = vector.multi_reduction <add>, %add3A_60, %reduce_sum3A [1] : vector<1024x1024xf32> to vector<1024xf32>
    %broadcast_in_dim3A_62 = vector.shape_cast %reduce_sum3A_61 : vector<1024xf32> to vector<1x1024xf32>
    %swap3A = arith.constant 0 : index
    %swap3A_63 = arith.constant 0 : index
    %swap3A_64 = vector.load %arg5[%swap3A, %swap3A_63] : memref<1x1024xf32, #tpu.memory_space<vmem>>, vector<1x1024xf32>
    tpu.vector_store %arg5[%swap3A, %swap3A_63], %broadcast_in_dim3A_62 {strides = array<i32>} : memref<1x1024xf32, #tpu.memory_space<vmem>>, vector<1x1024xf32>,
    return
  }
}

module attributes {stable_mosaic.version = 14 : i64} {
  func.func @_tc2a_body(%arg0: memref<1024x1024xf32, #tpu.memory_space<vmem>>, %arg1: memref<1024x1024xf32, #tpu.memory_space<vmem>>, %arg2: memref<1024xf32, #tpu.memory_space<vmem>>, %arg3: memref<1024x1024xf32, #tpu.memory_space<vmem>>) attributes {dimension_semantics = [], scalar_prefetch = 0 : i64, scratch_operands = 0 : i64, tpu.core_type = #tpu.core_type<tc>} {
    %get3A = arith.constant 0 : index
    %get3A_0 = arith.constant 0 : index
    %get3A_1 = vector.load %arg0[%get3A, %get3A_0] : memref<1024x1024xf32, #tpu.memory_space<vmem>>, vector<1024x1024xf32>
    %reduce_sum3A = arith.constant dense<0.000000e+00> : vector<1024xf32>
    %reduce_sum3A_2 = vector.multi_reduction <add>, %get3A_1, %reduce_sum3A [1] : vector<1024x1024xf32> to vector<1024xf32>
    %add3A = arith.constant 1.000000e+00 : f32
    %add3A_3 = vector.broadcast %add3A : f32 to vector<1024xf32>
    %add3A_4 = arith.addf %reduce_sum3A_2, %add3A_3 : vector<1024xf32>
    %rsqrt3A = math.rsqrt %add3A_4 : vector<1024xf32>
    %get3A_5 = arith.constant 0 : index
    %get3A_6 = arith.constant 0 : index
    %get3A_7 = vector.load %arg1[%get3A_5, %get3A_6] : memref<1024x1024xf32, #tpu.memory_space<vmem>>, vector<1024x1024xf32>
    %broadcast_in_dim3A = vector.shape_cast %rsqrt3A : vector<1024xf32> to vector<1024x1xf32>
    %mul3A = vector.broadcast %broadcast_in_dim3A : vector<1024x1xf32> to vector<1024x1024xf32>
    %mul3A_8 = arith.mulf %get3A_7, %mul3A : vector<1024x1024xf32>
    %dot_general3A = arith.constant dense<0.000000e+00> : vector<1024x1024xf32>
    %dot_general3A_9 = tpu.matmul %get3A_1, %mul3A_8, %dot_general3A {dimension_numbers = #tpu.dot_dimension_numbers<[1], [0], [0], [1], [0, 0, 1, 1], [], []>, precision = #tpu.contract_precision<fp32>, transpose_lhs_hint = false} : vector<1024x1024xf32>, vector<1024x1024xf32>, vector<1024x1024xf32> -> vector<1024x1024xf32>
    %add3A_10 = arith.addf %dot_general3A_9, %mul3A_8 : vector<1024x1024xf32>
    %broadcast_in_dim3A_11 = vector.shape_cast %rsqrt3A : vector<1024xf32> to vector<1024x1xf32>
    %mul3A_12 = vector.broadcast %broadcast_in_dim3A_11 : vector<1024x1xf32> to vector<1024x1024xf32>
    %mul3A_13 = arith.mulf %add3A_10, %mul3A_12 : vector<1024x1024xf32>
    %get3A_14 = arith.constant 0 : index
    %get3A_15 = vector.load %arg2[%get3A_14] : memref<1024xf32, #tpu.memory_space<vmem>>, vector<1024xf32>
    %broadcast_in_dim3A_16 = vector.shape_cast %get3A_15 : vector<1024xf32> to vector<1x1024xf32>
    %add3A_17 = vector.broadcast %broadcast_in_dim3A_16 : vector<1x1024xf32> to vector<1024x1024xf32>
    %add3A_18 = arith.addf %mul3A_13, %add3A_17 : vector<1024x1024xf32>
    %max3A = arith.constant 0.000000e+00 : f32
    %max3A_19 = vector.broadcast %max3A : f32 to vector<1024x1024xf32>
    %max3A_20 = arith.maximumf %add3A_18, %max3A_19 : vector<1024x1024xf32>
    %swap3A = arith.constant 0 : index
    %swap3A_21 = arith.constant 0 : index
    %swap3A_22 = vector.load %arg3[%swap3A, %swap3A_21] : memref<1024x1024xf32, #tpu.memory_space<vmem>>, vector<1024x1024xf32>
    tpu.vector_store %arg3[%swap3A, %swap3A_21], %max3A_20 {strides = array<i32>} : memref<1024x1024xf32, #tpu.memory_space<vmem>>, vector<1024x1024xf32>,
    return
  }
}

</mosaic_0001>

<sc_bundles>
// kernel: kernel.7.cloned.1.call-start
scs
__scs_entry_jumppad:
0x0: {  	(pc) =	sbr.rel $0x88, $3  }
0x1: {  	(tag) =	ssettag $0x0;
	lr =	simm.s32 $0x1  }
0x2: {  	[smem:$0x3F95] =	sst lr;
	_ =	strace $0xD0000000  }
0x3: {  	_ = 	snop  }
0x4: {  	_ = 	snop  }
0x5: {  	_ = 	snop  }
0x6: {  	_ = 	snop  }
0x7: {  	_ = 	snop  }
__scs_overlays_trampoline_lowered:
0x8: {  	[smem:$0x3FA4] =	sst s0  }
0x9: {  	[smem:$0x3FA5] =	sst s1  }
0xa: {  	[smem:$0x3FA6] =	sst s2  }
0xb: {  	[smem:$0x3FA7] =	sst s3  }
0xc: {  	[smem:$0x3FA8] =	sst s4  }
0xd: {  	[smem:$0x3FA9] =	sst s5  }
0xe: {  	[smem:$0x3FAA] =	sst s6  }
0xf: {  	[smem:$0x3FAB] =	sst s7  }
0x10: {  	[smem:$0x3FAC] =	sst s8  }
0x11: {  	[smem:$0x3FAD] =	sst s9;
	s0 =	simm.s32 @!p0 $0x0  }
0x12: {  	s1 =	sld [smem:$0x3F93];
	s0 =	simm.s32 @p0 $0x1  }
0x13: {  	[smem:$0x3FAE] =	sst s0;
	s0 =	simm.s32 @!p1 $0x0  }
0x14: {  	s2 =	sld [smem:$0x3F92];
	s0 =	simm.s32 @p1 $0x1  }
0x15: {  	[smem:$0x3FAF] =	sst s0;
	s0 =	simm.s32 @!p2 $0x0  }
0x16: {  	s3 =	sld [smem:$0x3FDB];
	s0 =	simm.s32 @p2 $0x1  }
0x17: {  	s4 =	simm.s32 $0x1BF5;
	[smem:$0x3FB1] =	sst s0  }
0x18: {  	s0 =	sld [smem:$0x3F94];
	_ =	swait.ge [sflag:s4], $0x0  }
0x19: {  	s7 =	sld [smem:$0x3F95]  }
0x1a: {  	s8 =	sadd.s32 $0xFFFFE003, lr  }
0x1b: {  	s9 =	sadd.s32 $0xFFFFFEF7, lr;
	s5 =	simm.s32 $0xFFFFFFFF;
	p2 =	slt.u32 s8, $0xFFFFF086  }
0x1c: {  	p1 =	slt.u32 s9, $0xF7A;
	s5 =	simm.s32 @!p2 $0x0  }
0x1d: {  	s5 =	simm.s32 @p1 $0x1;
	p0 =	seq.s32 s7, s2  }
0x1e: {  	s7 =	smul.u32 @!p0 $0xF7A, s2;
	p2 =	seq.s32 @!p0 s5, $0x0  }
0x1f: {  	s9 =	smul.u32 $0xF7A, s1;
	s8 =	simm.s32 @!p0 $0x1BF5;
	p2 =	por !p2, p0  }
0x20: {  	[sflag:s8] =	ssyncset.s32 @!p0 $0xFFFFF086;
	s6 =	sadd.s32 @!p0 s3, s7;
	s7 =	simm.s32 @!p0 $0x108  }
0x21: {  	s3 =	sadd.s32 s3, s9;
	s6 =	sadd.s32 @!p0 $0x88, s6;
	s7 =	simm.s32 @p2 $0x1082  }
0x22: {  	[simem:s7], [sflag:s8] =	dma.local @!p0 [hbm:s6], $0xF7A  }
0x23: {  	s9 =	sor.u32 $0xD0000000, s2;
	s6 =	simm.s32 $0x108;
	_ =	swait.ge @!p0 [sflag:s8], $0x0  }
0x24: {  	s3 =	sadd.s32 $0x88, s3;
	s6 =	simm.s32 @!p1 $0x1082;
	[sflag:s4] =	ssyncset.s32 $0xFFFFF086  }
0x25: {  	[simem:s6], [sflag:s4] =	dma.local [hbm:s3], $0xF7A  }
0x26: {  	[smem:$0x3F95] =	sst s1;
	(tag) =	ssettag s2;
	_ =	strace s9  }
0x27: {  	s1 =	sld [smem:$0x3FA5]  }
0x28: {  	s2 =	sld [smem:$0x3FA6]  }
0x29: {  	s4 =	sld [smem:$0x3FA8]  }
0x2a: {  	p0 =	seq.s32 s5, $0x0;
	s5 =	sld [smem:$0x3FA9]  }
0x2b: {  	s6 =	sld [smem:$0x3FAA]  }
0x2c: {  	s7 =	sld [smem:$0x3FAB]  }
0x2d: {  	s3 =	simm.s32 $0x108;
	s8 =	sld [smem:$0x3FAC]  }
0x2e: {  	s3 =	simm.s32 @!p0 $0x1082;
	s9 =	sld [smem:$0x3FAD]  }
0x2f: {  	lr =	sadd.s32 s0, s3;
	s0 =	sld [smem:$0x3FA4]  }
0x30: {  	s3 =	sld [smem:$0x3FA7]  }
0x31: {  	[smem:$0x3FB0] =	sst s10  }
0x32: {  	s10 =	sld [smem:$0x3FAE];
	_ =	sdelay $0x3  }
0x33: {  	p0 =	seq.s32 s10, $0x1;
	s10 =	sld [smem:$0x3FB0];
	_ =	sdelay $0x3  }
0x34: {  	[smem:$0x3FB0] =	sst s10  }
0x35: {  	s10 =	sld [smem:$0x3FAF];
	_ =	sdelay $0x3  }
0x36: {  	p1 =	seq.s32 s10, $0x1;
	s10 =	sld [smem:$0x3FB0];
	_ =	sdelay $0x3  }
0x37: {  	[smem:$0x3FB0] =	sst s10  }
0x38: {  	s10 =	sld [smem:$0x3FB1]  }
0x39: {  	_ = 	snop;
	(pc) =	sbr.ind lr, $3  }
0x3a: {  	_ = 	snop  }
0x3b: {  	_ = 	snop  }
0x3c: {  	p2 =	seq.s32 s10, $0x1;
	s10 =	sld [smem:$0x3FB0]  }
0x3d: {  	_ =	shalt  }
0x3e: {  	_ =	shalt  }
0x3f: {  	_ =	shalt  }
0x40: {  	_ =	shalt  }
0x41: {  	_ =	shalt  }
0x42: {  	_ =	shalt  }
0x43: {  	_ =	shalt  }
0x44: {  	_ =	shalt  }
0x45: {  	_ =	shalt  }
0x46: {  	_ =	shalt  }
0x47: {  	_ =	shalt  }
0x48: {  	_ =	shalt  }
0x49: {  	_ =	shalt  }
0x4a: {  	_ =	shalt  }
0x4b: {  	_ =	shalt  }
0x4c: {  	_ =	shalt  }
0x4d: {  	_ =	shalt  }
0x4e: {  	_ =	shalt  }
0x4f: {  	_ =	shalt  }
0x50: {  	_ =	shalt  }
0x51: {  	_ =	shalt  }
0x52: {  	_ =	shalt  }
0x53: {  	_ =	shalt  }
0x54: {  	_ =	shalt  }
0x55: {  	_ =	shalt  }
0x56: {  	_ =	shalt  }
0x57: {  	_ =	shalt  }
0x58: {  	_ =	shalt  }
0x59: {  	_ =	shalt  }
0x5a: {  	_ =	shalt  }
0x5b: {  	_ =	shalt  }
0x5c: {  	_ =	shalt  }
0x5d: {  	_ =	shalt  }
0x5e: {  	_ =	shalt  }
0x5f: {  	_ =	shalt  }
0x60: {  	_ =	shalt  }
0x61: {  	_ =	shalt  }
0x62: {  	_ =	shalt  }
0x63: {  	_ =	shalt  }
0x64: {  	_ =	shalt  }
0x65: {  	_ =	shalt  }
0x66: {  	_ =	shalt  }
0x67: {  	_ =	shalt  }
0x68: {  	_ =	shalt  }
0x69: {  	_ =	shalt  }
0x6a: {  	_ =	shalt  }
0x6b: {  	_ =	shalt  }
0x6c: {  	_ =	shalt  }
0x6d: {  	_ =	shalt  }
0x6e: {  	_ =	shalt  }
0x6f: {  	_ =	shalt  }
0x70: {  	_ =	shalt  }
0x71: {  	_ =	shalt  }
0x72: {  	_ =	shalt  }
0x73: {  	_ =	shalt  }
0x74: {  	_ =	shalt  }
0x75: {  	_ =	shalt  }
0x76: {  	_ =	shalt  }
0x77: {  	_ =	shalt  }
0x78: {  	_ =	shalt  }
0x79: {  	_ =	shalt  }
0x7a: {  	_ =	shalt  }
0x7b: {  	_ =	shalt  }
0x7c: {  	_ =	shalt  }
0x7d: {  	_ =	shalt  }
0x7e: {  	_ =	shalt  }
0x7f: {  	_ =	shalt  }
0x80: {  	_ =	shalt  }
0x81: {  	_ =	shalt  }
0x82: {  	_ =	shalt  }
0x83: {  	_ =	shalt  }
0x84: {  	_ =	shalt  }
0x85: {  	_ =	shalt  }
0x86: {  	_ =	shalt  }
0x87: {  	_ =	shalt  }
.Lfunc_end0:
.L_simem_size_0:
called_computation_lowered:
.L_overlay_start_0:
0x88: {  	s2 =	sld [smem:$0x3FD9]  }
0x89: {  	s3 =	sld [smem:$0x3FFE];
	_ =	sdelay $0x1  }
0x8a: {  	s1 =	srdreg.scid  }
0x8b: {  	s0 =	sand.u32 $0x1, s1  }
0x8c: {  	s17 =	sshll.u32 s0, $0xA;
	s2 =	sadd.s32 s3, s2  }
0x8d: {  	s2 =	sadd.s32 s2, s17  }
0x8e: {  	[smem:$0x3FBC] =	sst s2  }
0x8f: {  	_ = 	snop  }
0x90: {  	s2 =	sld [smem:$0x3FC8];
	(tm) =	ssettm $0x1  }
0x91: {  	s18 =	sld [smem:$0x3FFB];
	_ =	sdelay $0x3  }
0x92: {  	_ =	strace s18  }
0x93: {  	s3 =	sld [smem:$0x3FFC];
	_ =	sdelay $0x3  }
0x94: {  	_ =	strace s3  }
0x95: {  	s3 =	sld [smem:$0x3FFD];
	_ =	sdelay $0x3  }
0x96: {  	_ =	strace s3  }
0x97: {  	_ =	strace $0x8FFFFFFF  }
0x98: {  	s19 =	sld [smem:$0x3FDB];
	_ =	sdelay $0x1  }
0x99: {  	s4 =	simm.s32 $_scs_section_size  }
0x9a: {  	s5 =	simm.s32 $_size__tile_overlayer_lowered;
	s6 =	simm.s32 $_tile_overlayer_lowered  }
0x9b: {  	s22 =	simm.s32 $0x1BFF;
	s21 =	sshll.u32 s6, $0x1;
	s3 =	sadd.s32 s4, s19  }
0x9c: {  	s7 =	simm.s32 $0x0;
	s20 =	sshll.u32 s5, $0x1;
	s5 =	sadd.s32 s21, s3  }
0x9d: {  	[timem:s7], [sflag:s22] =	dma.local [hbm:s5], s20  }
0x9e: {  	_ =	swait.ge [sflag:s22], s20  }
0x9f: {  	s4 =	ssub.s32 $0x0, s20;
	[sflag:s22] =	ssyncset.done $0x0  }
0xa0: {  	[sflag:s22] =	ssyncadd.s32 s4;
	_ =	sdelay $0x1  }
0xa1: {  	s23 =	simm.s32 $0x1B8B  }
0xa2: {  	_ =	swait.ge [sflag:s23], $0x1  }
0xa3: {  	[sflag:s23] =	ssyncset.done $0x0  }
0xa4: {  	s25 =	simm.s32 $0x1B8E;
	s24 =	sld [smem:$0x3FFE];
	[sflag:s23] =	ssyncadd.s32 $0xFFFFFFFF  }
0xa5: {  	s26 =	simm.s32 $execute0_lowered;
	[smem:$0x3FD2] =	sst s25  }
0xa6: {  	s5 =	sshll.u32 s26, $0x1;
	_ =	strace $0x80000046;
	[dreg:$0x1] =	wrdreg $0xFFFFFFFF  }
0xa7: {  	s28 =	simm.s32 $_size_execute0_lowered;
	s3 =	sadd.s32 s3, s5;
	[dreg:$0x0] =	wrdreg $0x0  }
0xa8: {  	s5 =	sshll.u32 s28, $0x1;
	[dreg:$0x2] =	wrdreg s3  }
0xa9: {  	[dreg:$0x3] =	wrdreg s5  }
0xaa: {  	[dreg:$0x4] =	wrdreg $0xC0  }
0xab: {  	_ =	task [dreg:s7], $0x5FFFF  }
0xac: {  	[dreg:$0x1] =	wrdreg $0xFFFFFFFF  }
0xad: {  	[dreg:$0x0] =	wrdreg $0x60  }
0xae: {  	[dreg:$0x2] =	wrdreg s2  }
0xaf: {  	[dreg:$0x3] =	wrdreg s24  }
0xb0: {  	[dreg:$0x4] =	wrdreg $0x48000  }
0xb1: {  	[dreg:$0x5] =	wrdreg $0x9  }
0xb2: {  	_ =	task.clear_ibuf [dreg:s7], $0x6FFFF;
	_ =	strace $0x90000046  }
0xb3: {  	s29 =	simm.s32 $0x9;
	_ =	strace $0x80000048  }
0xb4: {  	_ =	swait.ge [sflag:s29], $0x1  }
0xb5: {  	[sflag:s29] =	ssyncadd.s32 $0xFFFFFFFF  }
0xb6: {  	_ =	strace $0x90000048  }
0xb7: {  	_ =	sfence  }
0xb8: {  	s30 =	sld [smem:$0x0];
	_ =	sdelay $0x2  }
0xb9: {  	s31 =	sshll.u32 s1, $0xD;
	s1 =	sshrl.u32 s1, $0x2  }
0xba: {  	s3 =	sand.u32 $0x4000, s31;
	s1 =	sadd.s32 s1, s30  }
0xbb: {  	s0 =	sor.u32 s3, s0;
	s1 =	sshll.u32 s1, $0x11  }
0xbc: {  	s0 =	sor.u32 s1, s0  }
0xbd: {  	s0 =	sadd.s32 $0x8F2B, s0  }
0xbe: {  	[sflag:s0] =	ssyncadd.remote.s32 $0x1  }
0xbf: {  	_ =	sfence.sel $0xFFFF  }
0xc0: {  	[dreg:$0x0] =	wrdreg $0xFFFFFFFF;
	(pc) =	sbr.abs _section_cstart, $3  }
0xc1: {  	[dreg:$0x1] =	wrdreg $0xFFFFFFFF  }
0xc2: {  	_ =	task.clear_ibuf [dreg:s7], $0x2FFFF;
	_ =	strace $0x9FFFFFFF  }
0xc3: {  	(tm) =	ssettm $0x7FFFFFFF  }
tec
execute0_lowered:
.L_overlay_start_1:
0x0: {  	(tag) =	ssettag $0x1  }
0x1: {  	s3 =	srdreg.scid  }
0x2: {  	s5 =	stileid.u32;
	s20 =	sand.u32 $0x1, s3  }
0x3: {  	s0 =	rddreg [dreg:$0x0];
	s4 =	sshll.u32 s5, $0xC;
	s3 =	sshll.u32 s20, $0x10  }
0x4: {  	s1 =	rddreg [dreg:$0x1];
	s3 =	sor.u32 s4, s3  }
0x5: {  	s2 =	rddreg [dreg:$0x2];
	s6 =	simm.s32 $0x0;
	s1 =	sadd.s32 s3, s1  }
0x6: {  	[smem:$0x7FF] =	sst s6;
	s14 =	sadd.s32 $0x1A00, s1  }
0x7: {  	_ =	strace $0x80000047;
	s15 =	sadd.s32 $0x1A10, s1;
	[dreg:$0x4] =	wrdreg s14  }
0x8: {  	s16 =	sadd.s32 $0x1A20, s1;
	[dreg:$0x5] =	wrdreg s15  }
0x9: {  	s17 =	sadd.s32 $0x1A30, s1;
	[dreg:$0x6] =	wrdreg s16  }
0xa: {  	s18 =	sadd.s32 $0x1A40, s1;
	[dreg:$0x7] =	wrdreg s17  }
0xb: {  	s19 =	sadd.s32 $0x1A50, s1;
	[dreg:$0x8] =	wrdreg s18  }
0xc: {  	s21 =	sadd.s32 $0x1A60, s1;
	[dreg:$0x9] =	wrdreg s19  }
0xd: {  	s22 =	sadd.s32 $0x1A70, s1;
	[dreg:$0xa] =	wrdreg s21  }
0xe: {  	s23 =	sadd.s32 $0x1E00, s1;
	[dreg:$0xb] =	wrdreg s22  }
0xf: {  	s24 =	sadd.s32 $0x1E10, s1;
	[dreg:$0xc] =	wrdreg s23  }
0x10: {  	s25 =	sadd.s32 $0x1E20, s1;
	[dreg:$0xd] =	wrdreg s24  }
0x11: {  	s26 =	sadd.s32 $0x1E30, s1;
	[dreg:$0xe] =	wrdreg s25  }
0x12: {  	s6 =	sadd.s32 $0x1E40, s1;
	[dreg:$0xf] =	wrdreg s26  }
0x13: {  	s7 =	sadd.s32 $0x1E50, s1;
	[dreg:$0x10] =	wrdreg s6  }
0x14: {  	s8 =	sadd.s32 $0x1E60, s1;
	[dreg:$0x11] =	wrdreg s7  }
0x15: {  	s11 =	ssub.s32 $0x2, s20;
	s9 =	sadd.s32 $0x1E70, s1;
	[dreg:$0x12] =	wrdreg s8  }
0x16: {  	s12 =	sshrl.u32 s11, $0x1;
	s10 =	sadd.s32 $0x2200, s1;
	[dreg:$0x13] =	wrdreg s9  }
0x17: {  	s3 =	ssub.s32 s11, s12;
	s11 =	sadd.s32 $0x2210, s1;
	[dreg:$0x14] =	wrdreg s10  }
0x18: {  	s13 =	sshll.u32 s5, $0xA;
	s12 =	sadd.s32 $0x2220, s1;
	[dreg:$0x15] =	wrdreg s11  }
0x19: {  	s4 =	sadd.s32 s0, s13;
	s13 =	sadd.s32 $0x2230, s1;
	[dreg:$0x16] =	wrdreg s12  }
0x1a: {  	[dreg:$0x17] =	wrdreg s13;
	s14 =	sadd.s32 $0x2240, s1  }
0x1b: {  	s5 =	sshll.u32 s5, $0xF;
	s15 =	sadd.s32 $0x2250, s1;
	[dreg:$0x18] =	wrdreg s14  }
0x1c: {  	s5 =	sadd.s32 s5, s2;
	s16 =	sadd.s32 $0x2260, s1;
	[dreg:$0x19] =	wrdreg s15  }
0x1d: {  	v0 =	vmov s20;
	s20 =	simm.s32 $0x10;
	s17 =	sadd.s32 $0x2270, s1;
	[dreg:$0x1a] =	wrdreg s16  }
0x1e: {  	s29 =	sadd.s32 $0x800, s5;
	s18 =	sadd.s32 $0x2600, s1;
	[dreg:$0x1b] =	wrdreg s17  }
0x1f: {  	s30 =	sadd.s32 $0x1800, s5;
	s19 =	sadd.s32 $0x2610, s1;
	[dreg:$0x1c] =	wrdreg s18  }
0x20: {  	s31 =	sadd.s32 $0x2000, s5;
	s21 =	sadd.s32 $0x2620, s1;
	[dreg:$0x1d] =	wrdreg s19  }
0x21: {  	s28 =	sadd.s32 $0x10, s4;
	s22 =	sadd.s32 $0x2630, s1;
	[dreg:$0x1e] =	wrdreg s21  }
0x22: {  	s23 =	sadd.s32 $0x2640, s1;
	s24 =	sadd.s32 $0x2650, s1;
	[dreg:$0x1f] =	wrdreg s22  }
0x23: {  	s25 =	sadd.s32 $0x2660, s1;
	s26 =	sadd.s32 $0x2670, s1;
	[smem:$0x7EA] =	sst s23  }
0x24: {  	s1 =	smax.u32 s3, $0x1;
	s3 =	sadd.s32 $0x400, s5;
	[smem:$0x7EB] =	sst s24  }
0x25: {  	s6 =	sadd.s32 $0xC00, s5;
	s7 =	sadd.s32 $0x1400, s5;
	[smem:$0x7EC] =	sst s25  }
0x26: {  	s9 =	sadd.s32 $0x1C00, s5;
	s10 =	sadd.s32 $0x2400, s5;
	[smem:$0x7ED] =	sst s26  }
0x27: {  	s11 =	sadd.s32 $0x2C00, s5;
	s13 =	sadd.s32 $0x3400, s5;
	[smem:$0x7EE] =	sst s1  }
0x28: {  	s0 =	sshrl.u32 s3, $0x3;
	s8 =	sshrl.u32 s7, $0x3;
	s12 =	sshrl.u32 s11, $0x3  }
0x29: {  	s14 =	sadd.s32 $0x3C00, s5;
	s15 =	sadd.s32 $0x4400, s5;
	s17 =	sadd.s32 $0x4C00, s5  }
0x2a: {  	s18 =	sadd.s32 $0x5400, s5;
	s19 =	sadd.s32 $0x5C00, s5;
	s22 =	sadd.s32 $0x6400, s5  }
0x2b: {  	s23 =	sadd.s32 $0x6C00, s5;
	s24 =	sadd.s32 $0x7400, s5;
	s26 =	sadd.s32 $0x7C00, s5  }
0x2c: {  	s3 =	sadd.s32 $0x3000, s5;
	s1 =	sadd.s32 $0x3800, s5;
	[smem:$0x7EF] =	sst s0  }
0x2d: {  	s7 =	sadd.s32 $0x4800, s5;
	s11 =	sadd.s32 $0x6800, s5;
	[smem:$0x7F1] =	sst s8  }
0x2e: {  	s0 =	sshrl.u32 s6, $0x3;
	[smem:$0x7F4] =	sst s12;
	s16 =	sshrl.u32 s15, $0x3  }
0x2f: {  	s21 =	sshrl.u32 s19, $0x3;
	s25 =	sshrl.u32 s24, $0x3;
	s26 =	sshrl.u32 s26, $0x3  }
0x30: {  	s6 =	sadd.s32 $0x4000, s5;
	s8 =	sadd.s32 $0x5000, s5;
	[smem:$0x7F0] =	sst s0  }
0x31: {  	s12 =	sadd.s32 $0x7000, s5;
	s15 =	simm.s32 $0x100;
	[smem:$0x7F7] =	sst s16  }
0x32: {  	s19 =	simm.s32 $0x3;
	s0 =	sshrl.u32 s9, $0x3;
	[smem:$0x7FA] =	sst s21  }
0x33: {  	[smem:$0x7FD] =	sst s25;
	s25 =	smov.u32 s4;
	s4 =	sadd.s32 $0x1000, s5  }
0x34: {  	s9 =	sadd.s32 $0x5800, s5;
	[smem:$0x7F2] =	sst s0;
	s0 =	sshrl.u32 s10, $0x3  }
0x35: {  	s16 =	simm.s32 $0x4000;
	[smem:$0x7F3] =	sst s0;
	s0 =	sshrl.u32 s13, $0x3  }
0x36: {  	s21 =	simm.s32 $0x0;
	[smem:$0x7F5] =	sst s0;
	s0 =	sshrl.u32 s14, $0x3  }
0x37: {  	s10 =	sadd.s32 $0x6000, s5;
	[smem:$0x7F6] =	sst s0;
	s0 =	sshrl.u32 s17, $0x3  }
0x38: {  	s13 =	sadd.s32 $0x7800, s5;
	[smem:$0x7F8] =	sst s0;
	s0 =	sshrl.u32 s18, $0x3  }
0x39: {  	s14 =	simm.s32 $0x80;
	[smem:$0x7F9] =	sst s0;
	s0 =	sshrl.u32 s22, $0x3  }
0x3a: {  	s17 =	simm.s32 $0x2;
	[smem:$0x7FB] =	sst s0;
	s0 =	sshrl.u32 s23, $0x3  }
0x3b: {  	v1 =	vimm.f32 $0.0e+00;
	s18 =	simm.s32 $0x1;
	[smem:$0x7FC] =	sst s0;
	s0 =	sadd.s32 $0x2800, s5  }
.LBB2_1:
0x3c: {  	s22 =	simm.s32 $0x0  }
0x3d: {  	[tilespmem:s22], [sflag:$0x2] =	stream.strided.gather [hbm4b:s25+s14], $0x1000, s15, s14, $0x38;
	[tilespmem:$0xC800] =	vst v63  }
0x3e: {  	s24 =	simm.s32 $0x1000;
	s23 =	simm.s32 $0x0;
	s22 =	simm.s32 $0x40  }
0x3f: {  	[tilespmem:s24], [sflag:$0x2] =	stream.strided.gather [hbm4b:s28+s14], $0x1000, s15, s14, $0x38;
	[tilespmem:$0xC800] =	vst v63  }
.LBB2_2:
0x40: {  	p0 =	sne.s32 s22, $0x1FC0;
	[tilespmem:s23+$0x4000] =	vst v1;
	s23 =	smov.u32 s22;
	s22 =	sadd.s32 $0x40, s22  }
.Ltmp0:
0x41: {  	(pc) =	sbr.rel @p0 .LBB2_2-.Ltmp0, $2  }
0x42: {  	_ =	sdelay $0x2  }
0x43: {  	s23 =	sshra.s32 s23, $0x2  }
0x44: {  	[tilespmem:s23+$0x4000] =	vst v1  }
0x45: {  	[spmem:s5] =	stream.linear.scatter [tilespmem:s16], [sflag:$0x1], $0x800, $0x38;
	[tilespmem:$0xC800] =	vst v63  }
0x46: {  	_ = 	snop  }
0x47: {  	[spmem:s29] =	stream.linear.scatter [tilespmem:s16], [sflag:$0x1], $0x800, $0x38;
	[tilespmem:$0xC800] =	vst v63  }
0x48: {  	_ = 	snop  }
0x49: {  	[spmem:s4] =	stream.linear.scatter [tilespmem:s16], [sflag:$0x1], $0x800, $0x38;
	[tilespmem:$0xC800] =	vst v63  }
0x4a: {  	_ = 	snop  }
0x4b: {  	[spmem:s30] =	stream.linear.scatter [tilespmem:s16], [sflag:$0x1], $0x800, $0x38;
	[tilespmem:$0xC800] =	vst v63  }
0x4c: {  	_ = 	snop  }
0x4d: {  	[spmem:s31] =	stream.linear.scatter [tilespmem:s16], [sflag:$0x1], $0x800, $0x38;
	[tilespmem:$0xC800] =	vst v63  }
0x4e: {  	_ = 	snop  }
0x4f: {  	[spmem:s0] =	stream.linear.scatter [tilespmem:s16], [sflag:$0x1], $0x800, $0x38;
	[tilespmem:$0xC800] =	vst v63  }
0x50: {  	_ = 	snop  }
0x51: {  	[spmem:s3] =	stream.linear.scatter [tilespmem:s16], [sflag:$0x1], $0x800, $0x38;
	[tilespmem:$0xC800] =	vst v63  }
0x52: {  	_ = 	snop  }
0x53: {  	[spmem:s1] =	stream.linear.scatter [tilespmem:s16], [sflag:$0x1], $0x800, $0x38;
	[tilespmem:$0xC800] =	vst v63  }
0x54: {  	_ = 	snop  }
0x55: {  	[spmem:s6] =	stream.linear.scatter [tilespmem:s16], [sflag:$0x1], $0x800, $0x38;
	[tilespmem:$0xC800] =	vst v63  }
0x56: {  	_ = 	snop  }
0x57: {  	[spmem:s7] =	stream.linear.scatter [tilespmem:s16], [sflag:$0x1], $0x800, $0x38;
	[tilespmem:$0xC800] =	vst v63  }
0x58: {  	_ = 	snop  }
0x59: {  	[spmem:s8] =	stream.linear.scatter [tilespmem:s16], [sflag:$0x1], $0x800, $0x38;
	[tilespmem:$0xC800] =	vst v63  }
0x5a: {  	_ = 	snop  }
0x5b: {  	[spmem:s9] =	stream.linear.scatter [tilespmem:s16], [sflag:$0x1], $0x800, $0x38;
	[tilespmem:$0xC800] =	vst v63  }
0x5c: {  	_ = 	snop  }
0x5d: {  	[spmem:s10] =	stream.linear.scatter [tilespmem:s16], [sflag:$0x1], $0x800, $0x38;
	[tilespmem:$0xC800] =	vst v63  }
0x5e: {  	_ = 	snop  }
0x5f: {  	[spmem:s11] =	stream.linear.scatter [tilespmem:s16], [sflag:$0x1], $0x800, $0x38;
	[tilespmem:$0xC800] =	vst v63  }
0x60: {  	_ = 	snop  }
0x61: {  	[spmem:s12] =	stream.linear.scatter [tilespmem:s16], [sflag:$0x1], $0x800, $0x38;
	[tilespmem:$0xC800] =	vst v63  }
0x62: {  	_ = 	snop  }
0x63: {  	[spmem:s13] =	stream.linear.scatter [tilespmem:s16], [sflag:$0x1], $0x800, $0x38;
	[tilespmem:$0xC800] =	vst v63  }
0x64: {  	_ =	swait.ge [sflag:s17], $0x1000  }
0x65: {  	[sflag:s17] =	ssyncset.done $0x0  }
0x66: {  	[sflag:s17] =	ssyncadd.s32 $0xFFFFF000  }
0x67: {  	_ =	swait.ge [sflag:s17], $0x1000  }
0x68: {  	[sflag:s17] =	ssyncset.done $0x0  }
0x69: {  	s23 =	simm.s32 $0x0;
	[sflag:s17] =	ssyncadd.s32 $0xFFFFF000  }
0x6a: {  	v2 =	vld [tilespmem:s23+$0x1070]  }
0x6b: {  	v3 =	vld [tilespmem:s23+$0x1000]  }
0x6c: {  	v4 =	vld [tilespmem:s23+$0x1010]  }
0x6d: {  	v5 =	vld [tilespmem:s23+$0x1020]  }
0x6e: {  	v7 =	vld [tilespmem:s23+$0x1040]  }
0x6f: {  	v9 =	vld [tilespmem:s23+$0x1050]  }
0x70: {  	v6 =	vld [tilespmem:s23+$0x1030]  }
0x71: {  	v12 =	vld [tilespmem:s23+$0x1060];
	v8 =	vshrl.u32 v2, $0x9;
	v2 =	vshll.u32 v2, $0xA  }
0x72: {  	v16 =	vld [tilespmem:s23+$0x10];
	v11 =	vshrl.u32 v4, $0x9;
	v14 =	vshll.u32 v4, $0xA;
	v4 =	vshrl.u32 v5, $0x9  }
0x73: {  	v17 =	vld [tilespmem:s23+$0x20];
	v15 =	vshll.u32 v5, $0xA;
	v18 =	vshrl.u32 v7, $0x9;
	v5 =	vshll.u32 v7, $0xA  }
0x74: {  	v13 =	vld [tilespmem:s23+$0x0];
	v19 =	vshrl.u32 v9, $0x9;
	vm0 =	veq.s32 v8, v0;
	v8 =	vshrl.u32 v3, $0x9  }
0x75: {  	v3 =	vshll.u32 v3, $0xA;
	vm6 =	veq.s32 v11, v0;
	vm4 =	veq.s32 v4, v0  }
0x76: {  	v4 =	vshll.u32 v9, $0xA;
	vm1 =	veq.s32 v18, v0;
	v9 =	vshrl.u32 v12, $0x9  }
0x77: {  	v11 =	vld [tilespmem:s23+$0x30];
	v14 =	vadd.s32 v16, v14;
	vm2 =	veq.s32 v19, v0;
	v10 =	vsel vm0, $0x3F800000, v1  }
0x78: {  	v15 =	vadd.s32 v17, v15;
	vm5 =	veq.s32 v8, v0;
	v8 =	vshrl.u32 v6, $0x9;
	[tilespmem:s23+$0x3070] =	vst v10;
	v10 =	vld [tilespmem:s23+$0x40]  }
0x79: {  	v6 =	vshll.u32 v6, $0xA;
	v7 =	vadd.s32 v13, v3;
	vm3 =	veq.s32 v8, v0;
	v8 =	vld [tilespmem:s23+$0x50]  }
0x7a: {  	v3 =	vshll.u32 v12, $0xA;
	vm0 =	veq.s32 v9, v0;
	v12 =	vand.u32 $0x7FFFF, v7;
	v7 =	vld [tilespmem:s23+$0x60]  }
0x7b: {  	s22 =	simm.s32 $0x80;
	s24 =	simm.s32 $0x400;
	v14 =	vand.u32 $0x7FFFF, v14;
	v9 =	vld [tilespmem:s23+$0x70];
	v13 =	vsel vm5, $0x3F800000, v1;
	[tilespmem:s23+$0x2000] =	vst v12;
	v12 =	vsel vm6, $0x3F800000, v1  }
.LBB2_4:
0x7c: {  	p0 =	sne.s32 s24, $0x3E00;
	v16 =	vld [tilespmem:s22+$0x1070];
	[tilespmem:s23+$0x3000] =	vst v13;
	v13 =	vand.u32 $0x7FFFF, v15;
	v15 =	vsel vm4, $0x3F800000, v1;
	v6 =	vadd.s32 v11, v6  }
0x7d: {  	v11 =	vld [tilespmem:s22+$0x1000];
	[tilespmem:s23+$0x2010] =	vst v14;
	v6 =	vand.u32 $0x7FFFF, v6;
	v14 =	vsel vm3, $0x3F800000, v1;
	v5 =	vadd.s32 v10, v5  }
0x7e: {  	v10 =	vld [tilespmem:s22+$0x1010];
	[tilespmem:s23+$0x3010] =	vst v12;
	v5 =	vand.u32 $0x7FFFF, v5;
	v12 =	vsel vm1, $0x3F800000, v1;
	v4 =	vadd.s32 v8, v4  }
0x7f: {  	v8 =	vld [tilespmem:s22+$0x1020];
	[tilespmem:s23+$0x2020] =	vst v13;
	v4 =	vand.u32 $0x7FFFF, v4;
	v13 =	vsel vm2, $0x3F800000, v1;
	v3 =	vadd.s32 v7, v3  }
0x80: {  	v17 =	vsel vm0, $0x3F800000, v1;
	v7 =	vld [tilespmem:s22+$0x1030];
	[tilespmem:s23+$0x3020] =	vst v15;
	v15 =	vand.u32 $0x7FFFF, v3;
	v3 =	vadd.s32 v9, v2  }
0x81: {  	v9 =	vld [tilespmem:s22+$0x1040];
	v18 =	vshrl.u32 v16, $0x9;
	v2 =	vshll.u32 v16, $0xA;
	[tilespmem:s23+$0x2030] =	vst v6;
	v16 =	vand.u32 $0x7FFFF, v3  }
0x82: {  	v3 =	vshrl.u32 v11, $0x9;
	v19 =	vshll.u32 v11, $0xA;
	v20 =	vld [tilespmem:s22+$0x1050];
	vm0 =	veq.s32 v18, v0;
	[tilespmem:s23+$0x3030] =	vst v14  }
0x83: {  	v6 =	vshrl.u32 v10, $0x9;
	v14 =	vshll.u32 v10, $0xA;
	v18 =	vld [tilespmem:s22+$0x1060];
	v10 =	vsel vm0, $0x3F800000, v1;
	[tilespmem:s23+$0x2040] =	vst v5  }
0x84: {  	vm6 =	veq.s32 v3, v0;
	v21 =	vld [tilespmem:s22+$0x0];
	v3 =	vshrl.u32 v8, $0x9;
	v22 =	vshll.u32 v8, $0xA;
	[tilespmem:s22+$0x3070] =	vst v10  }
0x85: {  	vm5 =	veq.s32 v6, v0;
	v23 =	vld [tilespmem:s22+$0x10];
	v8 =	vshrl.u32 v7, $0x9;
	v6 =	vshll.u32 v7, $0xA;
	[tilespmem:s23+$0x3040] =	vst v12  }
0x86: {  	vm4 =	veq.s32 v3, v0;
	v24 =	vld [tilespmem:s22+$0x20];
	v3 =	vshrl.u32 v9, $0x9;
	v5 =	vshll.u32 v9, $0xA;
	[tilespmem:s23+$0x2050] =	vst v4  }
.Ltmp1:
0x87: {  	vm3 =	veq.s32 v8, v0;
	v11 =	vld [tilespmem:s22+$0x30];
	v7 =	vshrl.u32 v20, $0x9;
	v4 =	vshll.u32 v20, $0xA;
	[tilespmem:s23+$0x3050] =	vst v13;
	(pc) =	sbr.rel @p0 .LBB2_4-.Ltmp1, $4  }
0x88: {  	vm1 =	veq.s32 v3, v0;
	v10 =	vld [tilespmem:s22+$0x40];
	v9 =	vshrl.u32 v18, $0x9;
	v3 =	vshll.u32 v18, $0xA;
	[tilespmem:s23+$0x2060] =	vst v15  }
0x89: {  	vm2 =	veq.s32 v7, v0;
	v12 =	vadd.s32 v21, v19;
	v8 =	vld [tilespmem:s22+$0x50];
	vm0 =	veq.s32 v9, v0;
	[tilespmem:s23+$0x3060] =	vst v17  }
0x8a: {  	v13 =	vsel vm6, $0x3F800000, v1;
	v9 =	vand.u32 $0x7FFFF, v12;
	v12 =	vadd.s32 v23, v14;
	v7 =	vld [tilespmem:s22+$0x60];
	[tilespmem:s23+$0x2070] =	vst v16;
	s23 =	smov.u32 s22  }
0x8b: {  	s22 =	sshra.s32 s24, $0x2;
	s24 =	sadd.s32 $0x200, s24;
	[tilespmem:s23+$0x2000] =	vst v9;
	v14 =	vand.u32 $0x7FFFF, v12;
	v12 =	vsel vm5, $0x3F800000, v1;
	v15 =	vadd.s32 v24, v22;
	v9 =	vld [tilespmem:s23+$0x70]  }
0x8c: {  	v16 =	vld [tilespmem:s22+$0x1070];
	[tilespmem:s23+$0x3000] =	vst v13  }
0x8d: {  	v13 =	vld [tilespmem:s22+$0x1000];
	[tilespmem:s23+$0x2010] =	vst v14  }
0x8e: {  	v38 =	vand.u32 $0x7FFFF, v15;
	v14 =	vld [tilespmem:s22+$0x1010];
	[tilespmem:s23+$0x3010] =	vst v12  }
0x8f: {  	v40 =	vsel vm4, $0x3F800000, v1;
	v6 =	vadd.s32 v11, v6;
	v39 =	vld [tilespmem:s22+$0x1020];
	[tilespmem:s23+$0x2020] =	vst v38  }
0x90: {  	v6 =	vand.u32 $0x7FFFF, v6;
	v17 =	vld [tilespmem:s22+$0x1030];
	[tilespmem:s23+$0x3020] =	vst v40  }
0x91: {  	v42 =	vsel vm3, $0x3F800000, v1;
	v5 =	vadd.s32 v10, v5;
	v41 =	vld [tilespmem:s22+$0x1040];
	[tilespmem:s23+$0x2030] =	vst v6;
	v43 =	vshrl.u32 v16, $0x9  }
0x92: {  	v5 =	vand.u32 $0x7FFFF, v5;
	v12 =	vld [tilespmem:s22+$0x1050];
	[tilespmem:s23+$0x3030] =	vst v42;
	vm8 =	veq.s32 v43, v0  }
0x93: {  	v44 =	vld [tilespmem:s22+$0x1060];
	[tilespmem:s23+$0x2040] =	vst v5;
	v45 =	vsel vm8, $0x3F800000, v1  }
0x94: {  	v47 =	vsel vm1, $0x3F800000, v1;
	v4 =	vadd.s32 v8, v4;
	v46 =	vld [tilespmem:s22+$0x0];
	[tilespmem:s22+$0x3070] =	vst v45  }
0x95: {  	v4 =	vand.u32 $0x7FFFF, v4;
	v18 =	vld [tilespmem:s22+$0x10];
	[tilespmem:s23+$0x3040] =	vst v47  }
0x96: {  	v48 =	vsel vm2, $0x3F800000, v1;
	v3 =	vadd.s32 v7, v3;
	v5 =	vld [tilespmem:s22+$0x20];
	[tilespmem:s23+$0x2050] =	vst v4  }
0x97: {  	v3 =	vand.u32 $0x7FFFF, v3;
	v2 =	vadd.s32 v9, v2;
	v53 =	vshrl.u32 v13, $0x9;
	v49 =	vld [tilespmem:s22+$0x30];
	[tilespmem:s23+$0x3050] =	vst v48  }
0x98: {  	v51 =	vshll.u32 v13, $0xA;
	vm9 =	veq.s32 v53, v0;
	v4 =	vld [tilespmem:s22+$0x40];
	[tilespmem:s23+$0x2060] =	vst v3;
	v3 =	vsel vm0, $0x3F800000, v1  }
0x99: {  	v2 =	vand.u32 $0x7FFFF, v2;
	v9 =	vsel vm9, $0x3F800000, v1;
	v50 =	vld [tilespmem:s22+$0x50];
	[tilespmem:s23+$0x3060] =	vst v3;
	v3 =	vadd.s32 v46, v51  }
0x9a: {  	v55 =	vshll.u32 v39, $0xA;
	v57 =	vshrl.u32 v17, $0x9;
	v52 =	vld [tilespmem:s22+$0x60];
	v3 =	vand.u32 $0x7FFFF, v3;
	[tilespmem:s23+$0x2070] =	vst v2  }
0x9b: {  	vm12 =	veq.s32 v57, v0;
	v59 =	vshrl.u32 v41, $0x9;
	v61 =	vshrl.u32 v12, $0x9;
	[tilespmem:s22+$0x2000] =	vst v3  }
0x9c: {  	v60 =	vsel vm12, $0x3F800000, v1;
	vm14 =	veq.s32 v61, v0;
	v2 =	vshll.u32 v14, $0xA;
	[tilespmem:s22+$0x3000] =	vst v9  }
0x9d: {  	v63 =	vsel vm14, $0x3F800000, v1;
	v3 =	vshrl.u32 v14, $0x9;
	v2 =	vadd.s32 v18, v2;
	[tilespmem:s22+$0x3030] =	vst v60  }
0x9e: {  	vm13 =	veq.s32 v59, v0;
	[tilespmem:s22+$0x3050] =	vst v63;
	vm10 =	veq.s32 v3, v0;
	v2 =	vand.u32 $0x7FFFF, v2  }
0x9f: {  	v5 =	vadd.s32 v5, v55;
	v3 =	vshrl.u32 v39, $0x9;
	v56 =	vsel vm10, $0x3F800000, v1;
	[tilespmem:s22+$0x2010] =	vst v2  }
0xa0: {  	v2 =	vshll.u32 v17, $0xA;
	vm11 =	veq.s32 v3, v0;
	v3 =	vand.u32 $0x7FFFF, v5;
	[tilespmem:s22+$0x3010] =	vst v56  }
0xa1: {  	v5 =	vsel vm13, $0x3F800000, v1;
	v2 =	vadd.s32 v49, v2;
	[tilespmem:s22+$0x2020] =	vst v3  }
0xa2: {  	v54 =	vld [tilespmem:s22+$0x70];
	v3 =	vshll.u32 v41, $0xA;
	[tilespmem:s22+$0x3040] =	vst v5;
	v2 =	vand.u32 $0x7FFFF, v2  }
0xa3: {  	v58 =	vsel vm11, $0x3F800000, v1;
	v3 =	vadd.s32 v4, v3;
	[tilespmem:s22+$0x2030] =	vst v2;
	v2 =	vshll.u32 v12, $0xA  }
0xa4: {  	v62 =	vshrl.u32 v44, $0x9;
	[tilespmem:s22+$0x3020] =	vst v58;
	v3 =	vand.u32 $0x7FFFF, v3;
	v2 =	vadd.s32 v50, v2  }
0xa5: {  	vm15 =	veq.s32 v62, v0;
	[tilespmem:s22+$0x2040] =	vst v3;
	v3 =	vshll.u32 v44, $0xA;
	v2 =	vand.u32 $0x7FFFF, v2  }
0xa6: {  	v4 =	vsel vm15, $0x3F800000, v1;
	v3 =	vadd.s32 v52, v3;
	[tilespmem:s22+$0x2050] =	vst v2;
	v2 =	vshll.u32 v16, $0xA  }
0xa7: {  	[tilespmem:s22+$0x3060] =	vst v4;
	v3 =	vand.u32 $0x7FFFF, v3;
	v2 =	vadd.s32 v54, v2  }
0xa8: {  	[tilespmem:s22+$0x2060] =	vst v3;
	v2 =	vand.u32 $0x7FFFF, v2  }
0xa9: {  	[tilespmem:s22+$0x2070] =	vst v2  }
0xaa: {  	_ =	swait.ge [sflag:s18], $0x800  }
0xab: {  	[sflag:s18] =	ssyncset.done $0x0  }
0xac: {  	[sflag:s18] =	ssyncadd.s32 $0xFFFFF800  }
0xad: {  	_ =	swait.ge [sflag:s18], $0x800  }
0xae: {  	[sflag:s18] =	ssyncset.done $0x0  }
0xaf: {  	[sflag:s18] =	ssyncadd.s32 $0xFFFFF800  }
0xb0: {  	_ =	swait.ge [sflag:s18], $0x800  }
0xb1: {  	[sflag:s18] =	ssyncset.done $0x0  }
0xb2: {  	[sflag:s18] =	ssyncadd.s32 $0xFFFFF800  }
0xb3: {  	_ =	swait.ge [sflag:s18], $0x800  }
0xb4: {  	[sflag:s18] =	ssyncset.done $0x0  }
0xb5: {  	[sflag:s18] =	ssyncadd.s32 $0xFFFFF800  }
0xb6: {  	_ =	swait.ge [sflag:s18], $0x800  }
0xb7: {  	[sflag:s18] =	ssyncset.done $0x0  }
0xb8: {  	[sflag:s18] =	ssyncadd.s32 $0xFFFFF800  }
0xb9: {  	_ =	swait.ge [sflag:s18], $0x800  }
0xba: {  	[sflag:s18] =	ssyncset.done $0x0  }
0xbb: {  	[sflag:s18] =	ssyncadd.s32 $0xFFFFF800  }
0xbc: {  	_ =	swait.ge [sflag:s18], $0x800  }
0xbd: {  	[sflag:s18] =	ssyncset.done $0x0  }
0xbe: {  	[sflag:s18] =	ssyncadd.s32 $0xFFFFF800  }
0xbf: {  	_ =	swait.ge [sflag:s18], $0x800  }
0xc0: {  	[sflag:s18] =	ssyncset.done $0x0  }
0xc1: {  	[sflag:s18] =	ssyncadd.s32 $0xFFFFF800  }
0xc2: {  	_ =	swait.ge [sflag:s18], $0x800  }
0xc3: {  	[sflag:s18] =	ssyncset.done $0x0  }
0xc4: {  	[sflag:s18] =	ssyncadd.s32 $0xFFFFF800  }
0xc5: {  	_ =	swait.ge [sflag:s18], $0x800  }
0xc6: {  	[sflag:s18] =	ssyncset.done $0x0  }
0xc7: {  	[sflag:s18] =	ssyncadd.s32 $0xFFFFF800  }
0xc8: {  	_ =	swait.ge [sflag:s18], $0x800  }
0xc9: {  	[sflag:s18] =	ssyncset.done $0x0  }
0xca: {  	[sflag:s18] =	ssyncadd.s32 $0xFFFFF800  }
0xcb: {  	_ =	swait.ge [sflag:s18], $0x800  }
0xcc: {  	[sflag:s18] =	ssyncset.done $0x0  }
0xcd: {  	[sflag:s18] =	ssyncadd.s32 $0xFFFFF800  }
0xce: {  	_ =	swait.ge [sflag:s18], $0x800  }
0xcf: {  	[sflag:s18] =	ssyncset.done $0x0  }
0xd0: {  	[sflag:s18] =	ssyncadd.s32 $0xFFFFF800  }
0xd1: {  	_ =	swait.ge [sflag:s18], $0x800  }
0xd2: {  	[sflag:s18] =	ssyncset.done $0x0  }
0xd3: {  	[sflag:s18] =	ssyncadd.s32 $0xFFFFF800  }
0xd4: {  	_ =	swait.ge [sflag:s18], $0x800  }
0xd5: {  	[sflag:s18] =	ssyncset.done $0x0  }
0xd6: {  	[sflag:s18] =	ssyncadd.s32 $0xFFFFF800  }
0xd7: {  	_ =	swait.ge [sflag:s18], $0x800  }
0xd8: {  	[sflag:s18] =	ssyncset.done $0x0  }
0xd9: {  	[sflag:s18] =	ssyncadd.s32 $0xFFFFF800  }
0xda: {  	s24 =	simm.s32 $0x3000;
	s23 =	simm.s32 $0x2000;
	[bflag:$0x0] =	sbarrier.arrive $0xFFFF  }
0xdb: {  	[spmem:s2] =	stream.indirect.scatter.add.f32 [tilespmem:s24], [sflag:$0x3], $0x1, s23, s14, $0xb8;
	[tilespmem:$0xC800] =	vst v63  }
0xdc: {  	s23 =	simm.s32 $0x2080;
	s24 =	simm.s32 $0x3080  }
0xdd: {  	[spmem:s2] =	stream.indirect.scatter.add.f32 [tilespmem:s24], [sflag:$0x3], $0x1, s23, s14, $0xb8;
	[tilespmem:$0xC800] =	vst v63  }
0xde: {  	s23 =	simm.s32 $0x2100;
	s24 =	simm.s32 $0x3100  }
0xdf: {  	[spmem:s2] =	stream.indirect.scatter.add.f32 [tilespmem:s24], [sflag:$0x3], $0x1, s23, s14, $0xb8;
	[tilespmem:$0xC800] =	vst v63  }
0xe0: {  	s23 =	simm.s32 $0x2180;
	s24 =	simm.s32 $0x3180  }
0xe1: {  	[spmem:s2] =	stream.indirect.scatter.add.f32 [tilespmem:s24], [sflag:$0x3], $0x1, s23, s14, $0xb8;
	[tilespmem:$0xC800] =	vst v63  }
0xe2: {  	s23 =	simm.s32 $0x2200;
	s24 =	simm.s32 $0x3200  }
0xe3: {  	[spmem:s2] =	stream.indirect.scatter.add.f32 [tilespmem:s24], [sflag:$0x3], $0x1, s23, s14, $0xb8;
	[tilespmem:$0xC800] =	vst v63  }
0xe4: {  	s23 =	simm.s32 $0x2280;
	s24 =	simm.s32 $0x3280  }
0xe5: {  	[spmem:s2] =	stream.indirect.scatter.add.f32 [tilespmem:s24], [sflag:$0x3], $0x1, s23, s14, $0xb8;
	[tilespmem:$0xC800] =	vst v63  }
0xe6: {  	s23 =	simm.s32 $0x2300;
	s24 =	simm.s32 $0x3300  }
0xe7: {  	[spmem:s2] =	stream.indirect.scatter.add.f32 [tilespmem:s24], [sflag:$0x3], $0x1, s23, s14, $0xb8;
	[tilespmem:$0xC800] =	vst v63  }
0xe8: {  	s23 =	simm.s32 $0x2380;
	s24 =	simm.s32 $0x3380  }
0xe9: {  	[spmem:s2] =	stream.indirect.scatter.add.f32 [tilespmem:s24], [sflag:$0x3], $0x1, s23, s14, $0xb8;
	[tilespmem:$0xC800] =	vst v63  }
0xea: {  	s23 =	simm.s32 $0x2400;
	s24 =	simm.s32 $0x3400  }
0xeb: {  	[spmem:s2] =	stream.indirect.scatter.add.f32 [tilespmem:s24], [sflag:$0x3], $0x1, s23, s14, $0xb8;
	[tilespmem:$0xC800] =	vst v63  }
0xec: {  	s23 =	simm.s32 $0x2480;
	s24 =	simm.s32 $0x3480  }
0xed: {  	[spmem:s2] =	stream.indirect.scatter.add.f32 [tilespmem:s24], [sflag:$0x3], $0x1, s23, s14, $0xb8;
	[tilespmem:$0xC800] =	vst v63  }
0xee: {  	s23 =	simm.s32 $0x2500;
	s24 =	simm.s32 $0x3500  }
0xef: {  	[spmem:s2] =	stream.indirect.scatter.add.f32 [tilespmem:s24], [sflag:$0x3], $0x1, s23, s14, $0xb8;
	[tilespmem:$0xC800] =	vst v63  }
0xf0: {  	s23 =	simm.s32 $0x2580;
	s24 =	simm.s32 $0x3580  }
0xf1: {  	[spmem:s2] =	stream.indirect.scatter.add.f32 [tilespmem:s24], [sflag:$0x3], $0x1, s23, s14, $0xb8;
	[tilespmem:$0xC800] =	vst v63  }
0xf2: {  	s23 =	simm.s32 $0x2600;
	s24 =	simm.s32 $0x3600  }
0xf3: {  	[spmem:s2] =	stream.indirect.scatter.add.f32 [tilespmem:s24], [sflag:$0x3], $0x1, s23, s14, $0xb8;
	[tilespmem:$0xC800] =	vst v63  }
0xf4: {  	s23 =	simm.s32 $0x2680;
	s24 =	simm.s32 $0x3680  }
0xf5: {  	[spmem:s2] =	stream.indirect.scatter.add.f32 [tilespmem:s24], [sflag:$0x3], $0x1, s23, s14, $0xb8;
	[tilespmem:$0xC800] =	vst v63  }
0xf6: {  	s23 =	simm.s32 $0x2700;
	s24 =	simm.s32 $0x3700  }
0xf7: {  	[spmem:s2] =	stream.indirect.scatter.add.f32 [tilespmem:s24], [sflag:$0x3], $0x1, s23, s14, $0xb8;
	[tilespmem:$0xC800] =	vst v63  }
0xf8: {  	s23 =	simm.s32 $0x2780;
	s24 =	simm.s32 $0x3780  }
0xf9: {  	[spmem:s2] =	stream.indirect.scatter.add.f32 [tilespmem:s24], [sflag:$0x3], $0x1, s23, s14, $0xb8;
	[tilespmem:$0xC800] =	vst v63  }
0xfa: {  	_ =	swait.ge [sflag:s19], $0x80  }
0xfb: {  	[sflag:s19] =	ssyncset.done $0x0  }
0xfc: {  	[sflag:s19] =	ssyncadd.s32 $0xFFFFFF80  }
0xfd: {  	_ =	swait.ge [sflag:s19], $0x80  }
0xfe: {  	[sflag:s19] =	ssyncset.done $0x0  }
0xff: {  	[sflag:s19] =	ssyncadd.s32 $0xFFFFFF80  }
0x100: {  	_ =	swait.ge [sflag:s19], $0x80  }
0x101: {  	[sflag:s19] =	ssyncset.done $0x0  }
0x102: {  	[sflag:s19] =	ssyncadd.s32 $0xFFFFFF80  }
0x103: {  	_ =	swait.ge [sflag:s19], $0x80  }
0x104: {  	[sflag:s19] =	ssyncset.done $0x0  }
0x105: {  	[sflag:s19] =	ssyncadd.s32 $0xFFFFFF80  }
0x106: {  	_ =	swait.ge [sflag:s19], $0x80  }
0x107: {  	[sflag:s19] =	ssyncset.done $0x0  }
0x108: {  	[sflag:s19] =	ssyncadd.s32 $0xFFFFFF80  }
0x109: {  	_ =	swait.ge [sflag:s19], $0x80  }
0x10a: {  	[sflag:s19] =	ssyncset.done $0x0  }
0x10b: {  	[sflag:s19] =	ssyncadd.s32 $0xFFFFFF80  }
0x10c: {  	_ =	swait.ge [sflag:s19], $0x80  }
0x10d: {  	[sflag:s19] =	ssyncset.done $0x0  }
0x10e: {  	[sflag:s19] =	ssyncadd.s32 $0xFFFFFF80  }
0x10f: {  	_ =	swait.ge [sflag:s19], $0x80  }
0x110: {  	[sflag:s19] =	ssyncset.done $0x0  }
0x111: {  	[sflag:s19] =	ssyncadd.s32 $0xFFFFFF80  }
0x112: {  	_ =	swait.ge [sflag:s19], $0x80  }
0x113: {  	[sflag:s19] =	ssyncset.done $0x0  }
0x114: {  	[sflag:s19] =	ssyncadd.s32 $0xFFFFFF80  }
0x115: {  	_ =	swait.ge [sflag:s19], $0x80  }
0x116: {  	[sflag:s19] =	ssyncset.done $0x0  }
0x117: {  	[sflag:s19] =	ssyncadd.s32 $0xFFFFFF80  }
0x118: {  	_ =	swait.ge [sflag:s19], $0x80  }
0x119: {  	[sflag:s19] =	ssyncset.done $0x0  }
0x11a: {  	[sflag:s19] =	ssyncadd.s32 $0xFFFFFF80  }
0x11b: {  	_ =	swait.ge [sflag:s19], $0x80  }
0x11c: {  	[sflag:s19] =	ssyncset.done $0x0  }
0x11d: {  	[sflag:s19] =	ssyncadd.s32 $0xFFFFFF80  }
0x11e: {  	_ =	swait.ge [sflag:s19], $0x80  }
0x11f: {  	[sflag:s19] =	ssyncset.done $0x0  }
0x120: {  	[sflag:s19] =	ssyncadd.s32 $0xFFFFFF80  }
0x121: {  	_ =	swait.ge [sflag:s19], $0x80  }
0x122: {  	[sflag:s19] =	ssyncset.done $0x0  }
0x123: {  	[sflag:s19] =	ssyncadd.s32 $0xFFFFFF80  }
0x124: {  	_ =	swait.ge [sflag:s19], $0x80  }
0x125: {  	[sflag:s19] =	ssyncset.done $0x0  }
0x126: {  	[sflag:s19] =	ssyncadd.s32 $0xFFFFFF80  }
0x127: {  	_ =	swait.ge [sflag:s19], $0x80  }
0x128: {  	[sflag:s19] =	ssyncset.done $0x0  }
0x129: {  	s23 =	simm.s32 $0x2800;
	s24 =	simm.s32 $0x3800;
	[sflag:s19] =	ssyncadd.s32 $0xFFFFFF80  }
0x12a: {  	[spmem:s2] =	stream.indirect.scatter.add.f32 [tilespmem:s24], [sflag:$0x3], $0x1, s23, s14, $0xb8;
	[tilespmem:$0xC800] =	vst v63  }
0x12b: {  	s23 =	simm.s32 $0x2880;
	s24 =	simm.s32 $0x3880  }
0x12c: {  	[spmem:s2] =	stream.indirect.scatter.add.f32 [tilespmem:s24], [sflag:$0x3], $0x1, s23, s14, $0xb8;
	[tilespmem:$0xC800] =	vst v63  }
0x12d: {  	s23 =	simm.s32 $0x2900;
	s24 =	simm.s32 $0x3900  }
0x12e: {  	[spmem:s2] =	stream.indirect.scatter.add.f32 [tilespmem:s24], [sflag:$0x3], $0x1, s23, s14, $0xb8;
	[tilespmem:$0xC800] =	vst v63  }
0x12f: {  	s23 =	simm.s32 $0x2980;
	s24 =	simm.s32 $0x3980  }
0x130: {  	[spmem:s2] =	stream.indirect.scatter.add.f32 [tilespmem:s24], [sflag:$0x3], $0x1, s23, s14, $0xb8;
	[tilespmem:$0xC800] =	vst v63  }
0x131: {  	s23 =	simm.s32 $0x2A00;
	s24 =	simm.s32 $0x3A00  }
0x132: {  	[spmem:s2] =	stream.indirect.scatter.add.f32 [tilespmem:s24], [sflag:$0x3], $0x1, s23, s14, $0xb8;
	[tilespmem:$0xC800] =	vst v63  }
0x133: {  	s23 =	simm.s32 $0x2A80;
	s24 =	simm.s32 $0x3A80  }
0x134: {  	[spmem:s2] =	stream.indirect.scatter.add.f32 [tilespmem:s24], [sflag:$0x3], $0x1, s23, s14, $0xb8;
	[tilespmem:$0xC800] =	vst v63  }
0x135: {  	s23 =	simm.s32 $0x2B00;
	s24 =	simm.s32 $0x3B00  }
0x136: {  	[spmem:s2] =	stream.indirect.scatter.add.f32 [tilespmem:s24], [sflag:$0x3], $0x1, s23, s14, $0xb8;
	[tilespmem:$0xC800] =	vst v63  }
0x137: {  	s23 =	simm.s32 $0x2B80;
	s24 =	simm.s32 $0x3B80  }
0x138: {  	[spmem:s2] =	stream.indirect.scatter.add.f32 [tilespmem:s24], [sflag:$0x3], $0x1, s23, s14, $0xb8;
	[tilespmem:$0xC800] =	vst v63  }
0x139: {  	s23 =	simm.s32 $0x2C00;
	s24 =	simm.s32 $0x3C00  }
0x13a: {  	[spmem:s2] =	stream.indirect.scatter.add.f32 [tilespmem:s24], [sflag:$0x3], $0x1, s23, s14, $0xb8;
	[tilespmem:$0xC800] =	vst v63  }
0x13b: {  	s23 =	simm.s32 $0x2C80;
	s24 =	simm.s32 $0x3C80  }
0x13c: {  	[spmem:s2] =	stream.indirect.scatter.add.f32 [tilespmem:s24], [sflag:$0x3], $0x1, s23, s14, $0xb8;
	[tilespmem:$0xC800] =	vst v63  }
0x13d: {  	s23 =	simm.s32 $0x2D00;
	s24 =	simm.s32 $0x3D00  }
0x13e: {  	[spmem:s2] =	stream.indirect.scatter.add.f32 [tilespmem:s24], [sflag:$0x3], $0x1, s23, s14, $0xb8;
	[tilespmem:$0xC800] =	vst v63  }
0x13f: {  	s23 =	simm.s32 $0x2D80;
	s24 =	simm.s32 $0x3D80  }
0x140: {  	[spmem:s2] =	stream.indirect.scatter.add.f32 [tilespmem:s24], [sflag:$0x3], $0x1, s23, s14, $0xb8;
	[tilespmem:$0xC800] =	vst v63  }
0x141: {  	s23 =	simm.s32 $0x2E00;
	s24 =	simm.s32 $0x3E00  }
0x142: {  	[spmem:s2] =	stream.indirect.scatter.add.f32 [tilespmem:s24], [sflag:$0x3], $0x1, s23, s14, $0xb8;
	[tilespmem:$0xC800] =	vst v63  }
0x143: {  	s23 =	simm.s32 $0x2E80;
	s24 =	simm.s32 $0x3E80  }
0x144: {  	[spmem:s2] =	stream.indirect.scatter.add.f32 [tilespmem:s24], [sflag:$0x3], $0x1, s23, s14, $0xb8;
	[tilespmem:$0xC800] =	vst v63  }
0x145: {  	s23 =	simm.s32 $0x2F00;
	s24 =	simm.s32 $0x3F00  }
0x146: {  	[spmem:s2] =	stream.indirect.scatter.add.f32 [tilespmem:s24], [sflag:$0x3], $0x1, s23, s14, $0xb8;
	[tilespmem:$0xC800] =	vst v63  }
0x147: {  	s23 =	simm.s32 $0x2F80;
	s24 =	simm.s32 $0x3F80  }
0x148: {  	[spmem:s2] =	stream.indirect.scatter.add.f32 [tilespmem:s24], [sflag:$0x3], $0x1, s23, s14, $0xb8;
	[tilespmem:$0xC800] =	vst v63  }
0x149: {  	_ =	swait.ge [sflag:s19], $0x80  }
0x14a: {  	[sflag:s19] =	ssyncset.done $0x0  }
0x14b: {  	[sflag:s19] =	ssyncadd.s32 $0xFFFFFF80  }
0x14c: {  	_ =	swait.ge [sflag:s19], $0x80  }
0x14d: {  	[sflag:s19] =	ssyncset.done $0x0  }
0x14e: {  	[sflag:s19] =	ssyncadd.s32 $0xFFFFFF80  }
0x14f: {  	_ =	swait.ge [sflag:s19], $0x80  }
0x150: {  	[sflag:s19] =	ssyncset.done $0x0  }
0x151: {  	[sflag:s19] =	ssyncadd.s32 $0xFFFFFF80  }
0x152: {  	_ =	swait.ge [sflag:s19], $0x80  }
0x153: {  	[sflag:s19] =	ssyncset.done $0x0  }
0x154: {  	[sflag:s19] =	ssyncadd.s32 $0xFFFFFF80  }
0x155: {  	_ =	swait.ge [sflag:s19], $0x80  }
0x156: {  	[sflag:s19] =	ssyncset.done $0x0  }
0x157: {  	[sflag:s19] =	ssyncadd.s32 $0xFFFFFF80  }
0x158: {  	_ =	swait.ge [sflag:s19], $0x80  }
0x159: {  	[sflag:s19] =	ssyncset.done $0x0  }
0x15a: {  	[sflag:s19] =	ssyncadd.s32 $0xFFFFFF80  }
0x15b: {  	_ =	swait.ge [sflag:s19], $0x80  }
0x15c: {  	[sflag:s19] =	ssyncset.done $0x0  }
0x15d: {  	[sflag:s19] =	ssyncadd.s32 $0xFFFFFF80  }
0x15e: {  	_ =	swait.ge [sflag:s19], $0x80  }
0x15f: {  	[sflag:s19] =	ssyncset.done $0x0  }
0x160: {  	[sflag:s19] =	ssyncadd.s32 $0xFFFFFF80  }
0x161: {  	_ =	swait.ge [sflag:s19], $0x80  }
0x162: {  	[sflag:s19] =	ssyncset.done $0x0  }
0x163: {  	[sflag:s19] =	ssyncadd.s32 $0xFFFFFF80  }
0x164: {  	_ =	swait.ge [sflag:s19], $0x80  }
0x165: {  	[sflag:s19] =	ssyncset.done $0x0  }
0x166: {  	[sflag:s19] =	ssyncadd.s32 $0xFFFFFF80  }
0x167: {  	_ =	swait.ge [sflag:s19], $0x80  }
0x168: {  	[sflag:s19] =	ssyncset.done $0x0  }
0x169: {  	[sflag:s19] =	ssyncadd.s32 $0xFFFFFF80  }
0x16a: {  	_ =	swait.ge [sflag:s19], $0x80  }
0x16b: {  	[sflag:s19] =	ssyncset.done $0x0  }
0x16c: {  	[sflag:s19] =	ssyncadd.s32 $0xFFFFFF80  }
0x16d: {  	_ =	swait.ge [sflag:s19], $0x80  }
0x16e: {  	[sflag:s19] =	ssyncset.done $0x0  }
0x16f: {  	[sflag:s19] =	ssyncadd.s32 $0xFFFFFF80  }
0x170: {  	_ =	swait.ge [sflag:s19], $0x80  }
0x171: {  	[sflag:s19] =	ssyncset.done $0x0  }
0x172: {  	[sflag:s19] =	ssyncadd.s32 $0xFFFFFF80  }
0x173: {  	_ =	swait.ge [sflag:s19], $0x80  }
0x174: {  	[sflag:s19] =	ssyncset.done $0x0  }
0x175: {  	[sflag:s19] =	ssyncadd.s32 $0xFFFFFF80  }
0x176: {  	_ =	swait.ge [sflag:s19], $0x80  }
0x177: {  	[sflag:s19] =	ssyncset.done $0x0  }
0x178: {  	s23 =	stileid.u32;
	[sflag:s19] =	ssyncadd.s32 $0xFFFFFF80  }
0x179: {  	s22 =	sshll.u32 s23, $0x6;
	[bflag:$0x0] =	sbarrier.arrive $0xFFFF  }
0x17a: {  	s23 =	sshrl.u32 s5, $0x3;
	s22 =	sor.u32 $0x1C01, s22;
	s24 =	rddreg [dreg:$0x4]  }
0x17b: {  	[hbm:s24@s14], [sflag:s22] =	dma.strided [spmem:s23@s20], $0x80, s18, $0x10   }
0x17c: {  	s24 =	sld [smem:$0x7EF];
	_ =	sdelay $0x1  }
0x17d: {  	s23 =	rddreg [dreg:$0x5]  }
0x17e: {  	[hbm:s23@s14], [sflag:s22] =	dma.strided [spmem:s24@s20], $0x80, s18, $0x10   }
0x17f: {  	s23 =	sshrl.u32 s29, $0x3;
	s24 =	rddreg [dreg:$0x6]  }
0x180: {  	[hbm:s24@s14], [sflag:s22] =	dma.strided [spmem:s23@s20], $0x80, s18, $0x10   }
0x181: {  	s24 =	sld [smem:$0x7F0];
	_ =	sdelay $0x1  }
0x182: {  	s23 =	rddreg [dreg:$0x7]  }
0x183: {  	[hbm:s23@s14], [sflag:s22] =	dma.strided [spmem:s24@s20], $0x80, s18, $0x10   }
0x184: {  	s23 =	sshrl.u32 s4, $0x3;
	s24 =	rddreg [dreg:$0x8]  }
0x185: {  	[hbm:s24@s14], [sflag:s22] =	dma.strided [spmem:s23@s20], $0x80, s18, $0x10   }
0x186: {  	s24 =	sld [smem:$0x7F1];
	_ =	sdelay $0x1  }
0x187: {  	s23 =	rddreg [dreg:$0x9]  }
0x188: {  	[hbm:s23@s14], [sflag:s22] =	dma.strided [spmem:s24@s20], $0x80, s18, $0x10   }
0x189: {  	s23 =	sshrl.u32 s30, $0x3;
	s24 =	rddreg [dreg:$0xa]  }
0x18a: {  	[hbm:s24@s14], [sflag:s22] =	dma.strided [spmem:s23@s20], $0x80, s18, $0x10   }
0x18b: {  	s24 =	sld [smem:$0x7F2];
	_ =	sdelay $0x1  }
0x18c: {  	s23 =	rddreg [dreg:$0xb]  }
0x18d: {  	[hbm:s23@s14], [sflag:s22] =	dma.strided [spmem:s24@s20], $0x80, s18, $0x10   }
0x18e: {  	s23 =	sshrl.u32 s31, $0x3;
	s24 =	rddreg [dreg:$0xc]  }
0x18f: {  	[hbm:s24@s14], [sflag:s22] =	dma.strided [spmem:s23@s20], $0x80, s18, $0x10   }
0x190: {  	s24 =	sld [smem:$0x7F3];
	_ =	sdelay $0x1  }
0x191: {  	s23 =	rddreg [dreg:$0xd]  }
0x192: {  	[hbm:s23@s14], [sflag:s22] =	dma.strided [spmem:s24@s20], $0x80, s18, $0x10   }
0x193: {  	s23 =	sshrl.u32 s0, $0x3;
	s24 =	rddreg [dreg:$0xe]  }
0x194: {  	[hbm:s24@s14], [sflag:s22] =	dma.strided [spmem:s23@s20], $0x80, s18, $0x10   }
0x195: {  	s24 =	sld [smem:$0x7F4];
	_ =	sdelay $0x1  }
0x196: {  	s23 =	rddreg [dreg:$0xf]  }
0x197: {  	[hbm:s23@s14], [sflag:s22] =	dma.strided [spmem:s24@s20], $0x80, s18, $0x10   }
0x198: {  	s23 =	sshrl.u32 s3, $0x3;
	s24 =	rddreg [dreg:$0x10]  }
0x199: {  	[hbm:s24@s14], [sflag:s22] =	dma.strided [spmem:s23@s20], $0x80, s18, $0x10   }
0x19a: {  	s24 =	sld [smem:$0x7F5];
	_ =	sdelay $0x1  }
0x19b: {  	s23 =	rddreg [dreg:$0x11]  }
0x19c: {  	[hbm:s23@s14], [sflag:s22] =	dma.strided [spmem:s24@s20], $0x80, s18, $0x10   }
0x19d: {  	s23 =	sshrl.u32 s1, $0x3;
	s24 =	rddreg [dreg:$0x12]  }
0x19e: {  	[hbm:s24@s14], [sflag:s22] =	dma.strided [spmem:s23@s20], $0x80, s18, $0x10   }
0x19f: {  	s24 =	sld [smem:$0x7F6];
	_ =	sdelay $0x1  }
0x1a0: {  	s23 =	rddreg [dreg:$0x13]  }
0x1a1: {  	[hbm:s23@s14], [sflag:s22] =	dma.strided [spmem:s24@s20], $0x80, s18, $0x10   }
0x1a2: {  	s23 =	sshrl.u32 s6, $0x3;
	s24 =	rddreg [dreg:$0x14]  }
0x1a3: {  	[hbm:s24@s14], [sflag:s22] =	dma.strided [spmem:s23@s20], $0x80, s18, $0x10   }
0x1a4: {  	s24 =	sld [smem:$0x7F7];
	_ =	sdelay $0x1  }
0x1a5: {  	s23 =	rddreg [dreg:$0x15]  }
0x1a6: {  	[hbm:s23@s14], [sflag:s22] =	dma.strided [spmem:s24@s20], $0x80, s18, $0x10   }
0x1a7: {  	s23 =	sshrl.u32 s7, $0x3;
	s24 =	rddreg [dreg:$0x16]  }
0x1a8: {  	[hbm:s24@s14], [sflag:s22] =	dma.strided [spmem:s23@s20], $0x80, s18, $0x10   }
0x1a9: {  	s24 =	sld [smem:$0x7F8];
	_ =	sdelay $0x1  }
0x1aa: {  	s23 =	rddreg [dreg:$0x17]  }
0x1ab: {  	[hbm:s23@s14], [sflag:s22] =	dma.strided [spmem:s24@s20], $0x80, s18, $0x10   }
0x1ac: {  	s23 =	sshrl.u32 s8, $0x3;
	s24 =	rddreg [dreg:$0x18]  }
0x1ad: {  	[hbm:s24@s14], [sflag:s22] =	dma.strided [spmem:s23@s20], $0x80, s18, $0x10   }
0x1ae: {  	s24 =	sld [smem:$0x7F9];
	_ =	sdelay $0x1  }
0x1af: {  	s23 =	rddreg [dreg:$0x19]  }
0x1b0: {  	[hbm:s23@s14], [sflag:s22] =	dma.strided [spmem:s24@s20], $0x80, s18, $0x10   }
0x1b1: {  	s23 =	sshrl.u32 s9, $0x3;
	s24 =	rddreg [dreg:$0x1a]  }
0x1b2: {  	[hbm:s24@s14], [sflag:s22] =	dma.strided [spmem:s23@s20], $0x80, s18, $0x10   }
0x1b3: {  	s24 =	sld [smem:$0x7FA];
	_ =	sdelay $0x1  }
0x1b4: {  	s23 =	rddreg [dreg:$0x1b]  }
0x1b5: {  	[hbm:s23@s14], [sflag:s22] =	dma.strided [spmem:s24@s20], $0x80, s18, $0x10   }
0x1b6: {  	s23 =	sshrl.u32 s10, $0x3;
	s24 =	rddreg [dreg:$0x1c]  }
0x1b7: {  	[hbm:s24@s14], [sflag:s22] =	dma.strided [spmem:s23@s20], $0x80, s18, $0x10   }
0x1b8: {  	s24 =	sld [smem:$0x7FB];
	_ =	sdelay $0x1  }
0x1b9: {  	s23 =	rddreg [dreg:$0x1d]  }
0x1ba: {  	[hbm:s23@s14], [sflag:s22] =	dma.strided [spmem:s24@s20], $0x80, s18, $0x10   }
0x1bb: {  	s23 =	sshrl.u32 s11, $0x3;
	s24 =	rddreg [dreg:$0x1e]  }
0x1bc: {  	[hbm:s24@s14], [sflag:s22] =	dma.strided [spmem:s23@s20], $0x80, s18, $0x10   }
0x1bd: {  	s24 =	sld [smem:$0x7FC];
	_ =	sdelay $0x1  }
0x1be: {  	s23 =	rddreg [dreg:$0x1f]  }
0x1bf: {  	[hbm:s23@s14], [sflag:s22] =	dma.strided [spmem:s24@s20], $0x80, s18, $0x10   }
0x1c0: {  	s24 =	sld [smem:$0x7EA];
	_ =	sdelay $0x1  }
0x1c1: {  	s23 =	sshrl.u32 s12, $0x3  }
0x1c2: {  	[hbm:s24@s14], [sflag:s22] =	dma.strided [spmem:s23@s20], $0x80, s18, $0x10   }
0x1c3: {  	s23 =	sld [smem:$0x7EB]  }
0x1c4: {  	s24 =	sld [smem:$0x7FD];
	_ =	sdelay $0x2  }
0x1c5: {  	[hbm:s23@s14], [sflag:s22] =	dma.strided [spmem:s24@s20], $0x80, s18, $0x10   }
0x1c6: {  	s24 =	sld [smem:$0x7EC];
	_ =	sdelay $0x1  }
0x1c7: {  	s23 =	sshrl.u32 s13, $0x3  }
0x1c8: {  	[hbm:s24@s14], [sflag:s22] =	dma.strided [spmem:s23@s20], $0x80, s18, $0x10   }
0x1c9: {  	s23 =	sld [smem:$0x7ED];
	_ =	sdelay $0x2  }
0x1ca: {  	[hbm:s23@s14], [sflag:s22] =	dma.strided [spmem:s26@s20], $0x80, s18, $0x10   }
0x1cb: {  	_ =	swait.ge [sflag:s18], $0x80  }
0x1cc: {  	[sflag:s18] =	ssyncset.done $0x0  }
0x1cd: {  	[sflag:s18] =	ssyncadd.s32 $0xFFFFFF80  }
0x1ce: {  	_ =	swait.ge [sflag:s18], $0x80  }
0x1cf: {  	[sflag:s18] =	ssyncset.done $0x0  }
0x1d0: {  	[sflag:s18] =	ssyncadd.s32 $0xFFFFFF80  }
0x1d1: {  	_ =	swait.ge [sflag:s18], $0x80  }
0x1d2: {  	[sflag:s18] =	ssyncset.done $0x0  }
0x1d3: {  	[sflag:s18] =	ssyncadd.s32 $0xFFFFFF80  }
0x1d4: {  	_ =	swait.ge [sflag:s18], $0x80  }
0x1d5: {  	[sflag:s18] =	ssyncset.done $0x0  }
0x1d6: {  	[sflag:s18] =	ssyncadd.s32 $0xFFFFFF80  }
0x1d7: {  	_ =	swait.ge [sflag:s18], $0x80  }
0x1d8: {  	[sflag:s18] =	ssyncset.done $0x0  }
0x1d9: {  	[sflag:s18] =	ssyncadd.s32 $0xFFFFFF80  }
0x1da: {  	_ =	swait.ge [sflag:s18], $0x80  }
0x1db: {  	[sflag:s18] =	ssyncset.done $0x0  }
0x1dc: {  	[sflag:s18] =	ssyncadd.s32 $0xFFFFFF80  }
0x1dd: {  	_ =	swait.ge [sflag:s18], $0x80  }
0x1de: {  	[sflag:s18] =	ssyncset.done $0x0  }
0x1df: {  	[sflag:s18] =	ssyncadd.s32 $0xFFFFFF80  }
0x1e0: {  	_ =	swait.ge [sflag:s18], $0x80  }
0x1e1: {  	[sflag:s18] =	ssyncset.done $0x0  }
0x1e2: {  	[sflag:s18] =	ssyncadd.s32 $0xFFFFFF80  }
0x1e3: {  	_ =	swait.ge [sflag:s18], $0x80  }
0x1e4: {  	[sflag:s18] =	ssyncset.done $0x0  }
0x1e5: {  	[sflag:s18] =	ssyncadd.s32 $0xFFFFFF80  }
0x1e6: {  	_ =	swait.ge [sflag:s18], $0x80  }
0x1e7: {  	[sflag:s18] =	ssyncset.done $0x0  }
0x1e8: {  	[sflag:s18] =	ssyncadd.s32 $0xFFFFFF80  }
0x1e9: {  	_ =	swait.ge [sflag:s18], $0x80  }
0x1ea: {  	[sflag:s18] =	ssyncset.done $0x0  }
0x1eb: {  	[sflag:s18] =	ssyncadd.s32 $0xFFFFFF80  }
0x1ec: {  	_ =	swait.ge [sflag:s18], $0x80  }
0x1ed: {  	[sflag:s18] =	ssyncset.done $0x0  }
0x1ee: {  	[sflag:s18] =	ssyncadd.s32 $0xFFFFFF80  }
0x1ef: {  	_ =	swait.ge [sflag:s18], $0x80  }
0x1f0: {  	[sflag:s18] =	ssyncset.done $0x0  }
0x1f1: {  	[sflag:s18] =	ssyncadd.s32 $0xFFFFFF80  }
0x1f2: {  	_ =	swait.ge [sflag:s18], $0x80  }
0x1f3: {  	[sflag:s18] =	ssyncset.done $0x0  }
0x1f4: {  	[sflag:s18] =	ssyncadd.s32 $0xFFFFFF80  }
0x1f5: {  	_ =	swait.ge [sflag:s18], $0x80  }
0x1f6: {  	[sflag:s18] =	ssyncset.done $0x0  }
0x1f7: {  	[sflag:s18] =	ssyncadd.s32 $0xFFFFFF80  }
0x1f8: {  	_ =	swait.ge [sflag:s18], $0x80  }
0x1f9: {  	[sflag:s18] =	ssyncset.done $0x0  }
0x1fa: {  	[sflag:s18] =	ssyncadd.s32 $0xFFFFFF80  }
0x1fb: {  	_ =	swait.ge [sflag:s18], $0x80  }
0x1fc: {  	[sflag:s18] =	ssyncset.done $0x0  }
0x1fd: {  	[sflag:s18] =	ssyncadd.s32 $0xFFFFFF80  }
0x1fe: {  	_ =	swait.ge [sflag:s18], $0x80  }
0x1ff: {  	[sflag:s18] =	ssyncset.done $0x0  }
0x200: {  	[sflag:s18] =	ssyncadd.s32 $0xFFFFFF80  }
0x201: {  	_ =	swait.ge [sflag:s18], $0x80  }
0x202: {  	[sflag:s18] =	ssyncset.done $0x0  }
0x203: {  	[sflag:s18] =	ssyncadd.s32 $0xFFFFFF80  }
0x204: {  	_ =	swait.ge [sflag:s18], $0x80  }
0x205: {  	[sflag:s18] =	ssyncset.done $0x0  }
0x206: {  	[sflag:s18] =	ssyncadd.s32 $0xFFFFFF80  }
0x207: {  	_ =	swait.ge [sflag:s18], $0x80  }
0x208: {  	[sflag:s18] =	ssyncset.done $0x0  }
0x209: {  	[sflag:s18] =	ssyncadd.s32 $0xFFFFFF80  }
0x20a: {  	_ =	swait.ge [sflag:s18], $0x80  }
0x20b: {  	[sflag:s18] =	ssyncset.done $0x0  }
0x20c: {  	[sflag:s18] =	ssyncadd.s32 $0xFFFFFF80  }
0x20d: {  	_ =	swait.ge [sflag:s18], $0x80  }
0x20e: {  	[sflag:s18] =	ssyncset.done $0x0  }
0x20f: {  	[sflag:s18] =	ssyncadd.s32 $0xFFFFFF80  }
0x210: {  	_ =	swait.ge [sflag:s18], $0x80  }
0x211: {  	[sflag:s18] =	ssyncset.done $0x0  }
0x212: {  	[sflag:s18] =	ssyncadd.s32 $0xFFFFFF80  }
0x213: {  	_ =	swait.ge [sflag:s18], $0x80  }
0x214: {  	[sflag:s18] =	ssyncset.done $0x0  }
0x215: {  	[sflag:s18] =	ssyncadd.s32 $0xFFFFFF80  }
0x216: {  	_ =	swait.ge [sflag:s18], $0x80  }
0x217: {  	[sflag:s18] =	ssyncset.done $0x0  }
0x218: {  	[sflag:s18] =	ssyncadd.s32 $0xFFFFFF80  }
0x219: {  	_ =	swait.ge [sflag:s18], $0x80  }
0x21a: {  	[sflag:s18] =	ssyncset.done $0x0  }
0x21b: {  	[sflag:s18] =	ssyncadd.s32 $0xFFFFFF80  }
0x21c: {  	_ =	swait.ge [sflag:s18], $0x80  }
0x21d: {  	[sflag:s18] =	ssyncset.done $0x0  }
0x21e: {  	[sflag:s18] =	ssyncadd.s32 $0xFFFFFF80  }
0x21f: {  	_ =	swait.ge [sflag:s18], $0x80  }
0x220: {  	[sflag:s18] =	ssyncset.done $0x0  }
0x221: {  	[sflag:s18] =	ssyncadd.s32 $0xFFFFFF80  }
0x222: {  	_ =	swait.ge [sflag:s18], $0x80  }
0x223: {  	[sflag:s18] =	ssyncset.done $0x0  }
0x224: {  	[sflag:s18] =	ssyncadd.s32 $0xFFFFFF80  }
0x225: {  	_ =	swait.ge [sflag:s18], $0x80  }
0x226: {  	[sflag:s18] =	ssyncset.done $0x0  }
0x227: {  	[sflag:s18] =	ssyncadd.s32 $0xFFFFFF80  }
0x228: {  	_ =	swait.ge [sflag:s18], $0x80  }
0x229: {  	s24 =	sld [smem:$0x7EE];
	_ =	sdelay $0x1  }
0x22a: {  	s21 =	sadd.s32 $0x1, s21  }
0x22b: {  	p0 =	sne.s32 s21, s24  }
.Ltmp2:
0x22c: {  	_ = 	snop;
	(pc) =	sbr.rel @p0 .LBB2_1-.Ltmp2, $3  }
0x22d: {  	_ =	sdelay $0x1  }
0x22e: {  	[sflag:s18] =	ssyncset.done $0x0  }
0x22f: {  	[sflag:s18] =	ssyncadd.s32 $0xFFFFFF80  }
0x230: {  	_ =	sfence.sel $0x180000  }
0x231: {  	[bflag:$0x0] =	sbarrier.arrive $0xFFFF  }
0x232: {  	_ =	strace $0x90000047  }
0x233: {  	s0 =	stileid.u32;
	[bflag:$0x2] =	sbarrier.arrive $0xFFFF  }
0x234: {  	p0 =	sne.s32 s0, $0x0;
	s0 =	rddreg [dreg:$0x3]  }
0x235: {  	s0 =	sadd.s32 @!p0 $0x100000, s0  }
0x236: {  	[sflag:s0] =	ssyncadd.tile.s32 @!p0 $0x1;
	_ =	shalt  }
.Lfunc_end2:
_tile_overlayer_lowered:
.L_overlay_start_2:
0x237: {  	(tag) =	ssettag $0x2  }
0x238: {  	s0 =	rddreg [dreg:$0x0];
	s2 =	stileid.u32  }
0x239: {  	s1 =	rddreg [dreg:$0x1];
	p0 =	sne.s32 s2, $0x0  }
0x23a: {  	s3 =	rddreg [dreg:$0x2];
	[bflag:$0x3] =	sbarrier.arrive $0xFFFF;
	s2 =	simm.s32 @!p0 $0x1C04  }
0x23b: {  	[timem:s3], [sflag:s2] =	dma.local @!p0 [hbm:s0], s1  }
0x23c: {  	s0 =	simm.s32 @!p0 $0x4  }
0x23d: {  	_ =	swait.ge @!p0 [sflag:s0], s1  }
0x23e: {  	s1 =	ssub.s32 @!p0 $0x0, s1;
	[sflag:s0] =	ssyncset.done @!p0 $0x0  }
0x23f: {  	[sflag:s0] =	ssyncadd.s32 @!p0 s1  }
0x240: {  	[bflag:$0x3] =	sbarrier.arrive $0xFFFF  }
0x241: {  	_ =	shalt  }

</sc_bundles>
